<compile_context>
chip_gen: v7x
topology: tpu7x:2x2x1
jax: 0.10.2.dev20260603
libtpu: 0.0.44.dev20260713+nightly
codegen_flags: <defaults>
</compile_context>

<pallas_src>
import jax
import jax.numpy as jnp
from jax import lax
from jax.experimental import pallas as pl
from jax.experimental.pallas import tpu as pltpu
from jax.experimental.pallas import tpu_sc as plsc

_B, _L = 4096, 20
_BT = _B * _L
_EMBED = 128
_PROJ = 256
TRAVEL_ROWS = 1001

_NC, _NS = 2, 16
_NW = _NC * _NS
_CH = 160
_SPLITS = (30720, 25600, 25600)
_BLK = 5120


def _make_sc_gather(size):
    bpw = size // _NW
    nchunk = bpw // _CH

    def body(hotel_hbm, travel_hbm, hid_hbm, tid_hbm,
             out_h_hbm, out_t_hbm,
             idx_h, idx_t, trv_spmem, hbuf0, hbuf1, tbuf0, tbuf1,
             gsh0, gsh1, gst0, gst1, wsh0, wsh1, wst0, wst1):
        hbufs, tbufs = (hbuf0, hbuf1), (tbuf0, tbuf1)
        gsems_h, gsems_t = (gsh0, gsh1), (gst0, gst1)
        wsems_h, wsems_t = (wsh0, wsh1), (wst0, wst1)
        wid = lax.axis_index("s") * _NC + lax.axis_index("c")
        base = wid * bpw
        @pl.when(lax.axis_index("s") == 0)
        def _():
            pltpu.sync_copy(travel_hbm, trv_spmem)
        plsc.subcore_barrier()
        pltpu.sync_copy(hid_hbm.at[pl.ds(base, bpw)], idx_h)
        pltpu.sync_copy(tid_hbm.at[pl.ds(base, bpw)], idx_t)

        def g_h(c):
            return pltpu.async_copy(
                hotel_hbm.at[idx_h.at[pl.ds(c * _CH, _CH)]],
                hbufs[c % 2], gsems_h[c % 2])

        def g_t(c):
            return pltpu.async_copy(
                trv_spmem.at[idx_t.at[pl.ds(c * _CH, _CH)]],
                tbufs[c % 2], gsems_t[c % 2])

        def w_h(c):
            return pltpu.async_copy(
                hbufs[c % 2], out_h_hbm.at[pl.ds(base + c * _CH, _CH)],
                wsems_h[c % 2])

        def w_t(c):
            return pltpu.async_copy(
                tbufs[c % 2], out_t_hbm.at[pl.ds(base + c * _CH, _CH)],
                wsems_t[c % 2])

        gh = {0: g_h(0)}
        gt = {0: g_t(0)}
        wh, wt = {}, {}
        for c in range(nchunk):
            if c >= 1:
                wh[c - 1].wait()
                wt[c - 1].wait()
            if c + 1 < nchunk:
                gh[c + 1] = g_h(c + 1)
                gt[c + 1] = g_t(c + 1)
            gh[c].wait()
            wh[c] = w_h(c)
            gt[c].wait()
            wt[c] = w_t(c)
        wh[nchunk - 1].wait()
        wt[nchunk - 1].wait()

    return pl.kernel(
        body,
        out_type=(
            jax.ShapeDtypeStruct((size, _EMBED), jnp.float32),
            jax.ShapeDtypeStruct((size, _EMBED), jnp.float32),
        ),
        mesh=plsc.VectorSubcoreMesh(core_axis_name="c",
                                    subcore_axis_name="s"),
        scratch_types=[
            pltpu.VMEM((bpw,), jnp.int32),
            pltpu.VMEM((bpw,), jnp.int32),
            pltpu.VMEM_SHARED((TRAVEL_ROWS, _EMBED), jnp.float32),
            pltpu.VMEM((_CH, _EMBED), jnp.float32),
            pltpu.VMEM((_CH, _EMBED), jnp.float32),
            pltpu.VMEM((_CH, _EMBED), jnp.float32),
            pltpu.VMEM((_CH, _EMBED), jnp.float32),
        ] + [pltpu.SemaphoreType.DMA] * 8,
    )


_SC_GATHERS = {}


def _sc_gather(size, *args):
    if size not in _SC_GATHERS:
        _SC_GATHERS[size] = _make_sc_gather(size)
    return _SC_GATHERS[size](*args)


def _tc_body(hot, trv, gcol, dcol, gtab, dtab,
             wh, bh, wt, bt, wg, bg, wd, bd, out):
    f32 = jnp.float32
    h = jnp.tanh(jnp.dot(hot[...], wh[...], preferred_element_type=f32)
                 + bh[...])
    t = jnp.tanh(jnp.dot(trv[...], wt[...], preferred_element_type=f32)
                 + bt[...])
    gp = jnp.tanh(jnp.dot(gtab[...], wg[...], preferred_element_type=f32)
                  + bg[...])
    dp = jnp.tanh(jnp.dot(dtab[...], wd[...], preferred_element_type=f32)
                  + bd[...])
    g0 = gp[0:1, :]
    dg = gp[1:2, :] - g0
    d0 = dp[0:1, :]
    dd = dp[1:2, :] - d0
    cmat = jnp.concatenate([g0 * d0, dg * d0, g0 * dd, dg * dd], axis=0)
    p = h * t
    qt = lax.dot_general(cmat, p, (((1,), (1,)), ((), ())),
                         preferred_element_type=f32)
    gf = gcol[0]
    df = dcol[0]
    out[0] = (qt[0:1, :] + gf * qt[1:2, :] + df * qt[2:3, :]
              + (gf * df) * qt[3:4, :])


def _tc_compute(hot, trv, gflat, dflat, gtab, dtab,
                wh, bh, wt, bt, wg, bg, wd, bd):
    nblk = hot.shape[0] // _BLK
    grid = (nblk,)
    row_spec = pl.BlockSpec((_BLK, _EMBED), lambda i: (i, 0))
    lane_spec = pl.BlockSpec((1, 1, _BLK), lambda i: (i, 0, 0))
    tab_spec = pl.BlockSpec((2, _EMBED), lambda i: (0, 0))
    w_spec = pl.BlockSpec((_EMBED, _PROJ), lambda i: (0, 0))
    b_spec = pl.BlockSpec((1, _PROJ), lambda i: (0, 0))
    return pl.pallas_call(
        _tc_body,
        grid=grid,
        in_specs=[row_spec, row_spec, lane_spec, lane_spec,
                  tab_spec, tab_spec,
                  w_spec, b_spec, w_spec, b_spec,
                  w_spec, b_spec, w_spec, b_spec],
        out_specs=lane_spec,
        out_shape=jax.ShapeDtypeStruct((nblk, 1, _BLK), jnp.float32),
    )(hot, trv, gflat, dflat, gtab, dtab,
      wh, bh, wt, bt, wg, bg, wd, bd)


def kernel(hotel_id, travel_purpose, gender, desktop,
           hotel_table, travel_table, gender_table, device_table,
           W_h, b_h, W_t, b_t, W_g, b_g, W_d, b_d):
    nblk = _BT // _BLK
    offs = [0]
    for s in _SPLITS:
        offs.append(offs[-1] + s)
    hid, tid = [], []
    for i, size in enumerate(_SPLITS):
        r0, r1 = offs[i] // _L, offs[i + 1] // _L
        hid.append(hotel_id[r0:r1].reshape(size).astype(jnp.int32))
        tid.append(travel_purpose[r0:r1].reshape(size).astype(jnp.int32))
    gflat = gender.reshape(nblk, 1, _BLK).astype(jnp.float32)
    dflat = desktop.reshape(nblk, 1, _BLK).astype(jnp.float32)
    gathered = [
        _sc_gather(size, hotel_table, travel_table, hid[i], tid[i])
        for i, size in enumerate(_SPLITS)
    ]
    bh, bt = b_h.reshape(1, _PROJ), b_t.reshape(1, _PROJ)
    bg, bd = b_g.reshape(1, _PROJ), b_d.reshape(1, _PROJ)
    outs = []
    for i, size in enumerate(_SPLITS):
        b0, b1 = offs[i] // _BLK, offs[i + 1] // _BLK
        outs.append(
            _tc_compute(gathered[i][0], gathered[i][1],
                        gflat[b0:b1], dflat[b0:b1],
                        gender_table, device_table,
                        W_h, bh, W_t, bt, W_g, bg, W_d, bd))
    return jnp.concatenate(outs, axis=0).reshape(_B, _L)

# --- scband reference (transcript-rebuilt; emitter-appended) ---
"""Pipeline reference for scband-hotel-ranking-model-38886633898167 (READ-ONLY COPY).

The authoritative reference and input builder live on the scoring server;
editing this copy changes nothing except your own understanding.
"""

import jax, jax.numpy as jnp
import numpy as np

B, L = 4096, 20
HOTEL_VOCAB = 1000000 + 1  # StringLookup adds OOV slot
TRAVEL_VOCAB = 1000 + 1
EMBED = 128
PROJ = 256


def setup_inputs(seed: int = 0) -> dict:
    key = jax.random.key(seed)
    ks = jax.random.split(key, 16)
    inp = {}
    # forward index inputs (string lookup replaced by integer ids)
    inp["hotel_id"] = jax.random.randint(ks[0], (B, L), 0, HOTEL_VOCAB)
    inp["travel_purpose"] = jax.random.randint(ks[1], (B, L), 0, TRAVEL_VOCAB)
    inp["gender"] = jax.random.randint(ks[2], (B, L), 0, 2)
    inp["desktop"] = jax.random.randint(ks[3], (B, L), 0, 2)
    # learned parameters
    inp["hotel_table"] = jax.random.normal(ks[4], (HOTEL_VOCAB, EMBED), dtype=jnp.float32) * 0.05
    inp["travel_table"] = jax.random.normal(ks[5], (TRAVEL_VOCAB, EMBED), dtype=jnp.float32) * 0.05
    inp["gender_table"] = jax.random.normal(ks[6], (2, EMBED), dtype=jnp.float32) * 0.05
    inp["device_table"] = jax.random.normal(ks[7], (2, EMBED), dtype=jnp.float32) * 0.05
    inp["W_h"] = jax.random.normal(ks[8], (EMBED, PROJ), dtype=jnp.float32) * 0.05
    inp["b_h"] = jnp.zeros((PROJ,), dtype=jnp.float32)
    inp["W_t"] = jax.random.normal(ks[9], (EMBED, PROJ), dtype=jnp.float32) * 0.05
    inp["b_t"] = jnp.zeros((PROJ,), dtype=jnp.float32)
    inp["W_g"] = jax.random.normal(ks[10], (EMBED, PROJ), dtype=jnp.float32) * 0.05
    inp["b_g"] = jnp.zeros((PROJ,), dtype=jnp.float32)
    inp["W_d"] = jax.random.normal(ks[11], (EMBED, PROJ), dtype=jnp.float32) * 0.05
    inp["b_d"] = jnp.zeros((PROJ,), dtype=jnp.float32)
    return inp


def reference(hotel_id, travel_purpose, gender, desktop,
              hotel_table, travel_table, gender_table, device_table,
              W_h, b_h, W_t, b_t, W_g, b_g, W_d, b_d):
    # Each tower: Embedding -> Dense(256, tanh)
    hotel_embed = jnp.tanh(jnp.take(hotel_table, hotel_id, axis=0) @ W_h + b_h)
    travel_embed = jnp.tanh(jnp.take(travel_table, travel_purpose, axis=0) @ W_t + b_t)
    gender_embed = jnp.tanh(jnp.take(gender_table, gender, axis=0) @ W_g + b_g)
    device_embed = jnp.tanh(jnp.take(device_table, desktop, axis=0) @ W_d + b_d)
    # elementwise product of 4 towers, reduce over feature axis (axis=2)
    return jnp.sum(travel_embed * gender_embed * device_embed * hotel_embed, axis=2)

if __name__ == "__main__":
    import jax
    _d = setup_inputs()
    print(jax.jit(kernel)(*tuple(_d.values())))

</pallas_src>

<mosaic_0001>
#map = affine_map<(d0, d1) -> (0, 0)>
#map1 = affine_map<(d0, d1) -> (0)>
module attributes {stable_mosaic.version = 14 : i64} {
  func.func @body(%arg0: i32, %arg1: i32, %arg2: memref<1000001x128xf32, #tpu.memory_space<hbm>>, %arg3: memref<1001x128xf32, #tpu.memory_space<hbm>>, %arg4: memref<25600xi32, #tpu.memory_space<hbm>>, %arg5: memref<25600xi32, #tpu.memory_space<hbm>>, %arg6: memref<25600x128xf32, #tpu.memory_space<hbm>>, %arg7: memref<25600x128xf32, #tpu.memory_space<hbm>>, %arg8: memref<800xi32, #tpu.memory_space<vmem>>, %arg9: memref<800xi32, #tpu.memory_space<vmem>>, %arg10: memref<1001x128xf32, #tpu.memory_space<vmem_shared>>, %arg11: memref<160x128xf32, #tpu.memory_space<vmem>>, %arg12: memref<160x128xf32, #tpu.memory_space<vmem>>, %arg13: memref<160x128xf32, #tpu.memory_space<vmem>>, %arg14: memref<160x128xf32, #tpu.memory_space<vmem>>, %arg15: memref<!tpu.dma_semaphore, #tpu.memory_space<semaphore_mem>>, %arg16: memref<!tpu.dma_semaphore, #tpu.memory_space<semaphore_mem>>, %arg17: memref<!tpu.dma_semaphore, #tpu.memory_space<semaphore_mem>>, %arg18: memref<!tpu.dma_semaphore, #tpu.memory_space<semaphore_mem>>, %arg19: memref<!tpu.dma_semaphore, #tpu.memory_space<semaphore_mem>>, %arg20: memref<!tpu.dma_semaphore, #tpu.memory_space<semaphore_mem>>, %arg21: memref<!tpu.dma_semaphore, #tpu.memory_space<semaphore_mem>>, %arg22: memref<!tpu.dma_semaphore, #tpu.memory_space<semaphore_mem>>) attributes {dimension_semantics = [#tpu.dimension_semantics<core_parallel>, #tpu.dimension_semantics<subcore_parallel>], iteration_bounds = array<i64: 2, 16>, scalar_prefetch = 0 : i64, scratch_operands = 15 : i64, tpu.core_type = #tpu.core_type<sc_vector_subcore>, window_params = [{transform_indices = #map}, {transform_indices = #map}, {transform_indices = #map1}, {transform_indices = #map1}, {transform_indices = #map}, {transform_indices = #map}]} {
    %mul3A = arith.constant 2 : i32
    %mul3A_0 = arith.muli %arg1, %mul3A : i32
    %add3A = arith.addi %mul3A_0, %arg0 : i32
    %mul3A_1 = arith.constant 800 : i32
    %mul3A_2 = arith.muli %add3A, %mul3A_1 : i32
    %eq3A = arith.constant 0 : i32
    %eq3A_3 = arith.cmpi eq, %arg1, %eq3A : i32
    %convert_element_type3A = arith.extui %eq3A_3 : i1 to i32
    %cond3A = arith.constant 0 : i32
    %cond3A_4 = arith.cmpi ne, %convert_element_type3A, %cond3A : i32
    scf.if %cond3A_4 {
      "tpu.region"() ({
        %run_scoped3A = tpu.sem_alloc : memref<!tpu.dma_semaphore, #tpu.memory_space<semaphore_mem>>
        tpu.enqueue_dma source(%arg3 : memref<1001x128xf32, #tpu.memory_space<hbm>>) target(%arg10 : memref<1001x128xf32, #tpu.memory_space<vmem_shared>>) target_semaphore(%run_scoped3A : memref<!tpu.dma_semaphore, #tpu.memory_space<semaphore_mem>>)
        tpu.wait_dma2 semaphore(%run_scoped3A : memref<!tpu.dma_semaphore, #tpu.memory_space<semaphore_mem>>) src(%arg3 : memref<1001x128xf32, #tpu.memory_space<hbm>>) dst(%arg10 : memref<1001x128xf32, #tpu.memory_space<vmem_shared>>)
        tpu.yield
      }) : () -> ()
    } else {
    }
    %barrier3A = arith.constant 0 : index
    tpu.barrier barrier_id(%barrier3A)
    "tpu.region"() ({
      %run_scoped3A = tpu.sem_alloc : memref<!tpu.dma_semaphore, #tpu.memory_space<semaphore_mem>>
      %dma_start3A_203 = tpu.memref_slice %arg4[%mul3A_2] : memref<25600xi32, #tpu.memory_space<hbm>> -> memref<800xi32, #tpu.memory_space<hbm>>
      %dma_start3A_204 = tpu.memref_slice %arg4[%mul3A_2] : memref<25600xi32, #tpu.memory_space<hbm>> -> memref<800xi32, #tpu.memory_space<hbm>>
      tpu.enqueue_dma source(%dma_start3A_204 : memref<800xi32, #tpu.memory_space<hbm>>) target(%arg8 : memref<800xi32, #tpu.memory_space<vmem>>) target_semaphore(%run_scoped3A : memref<!tpu.dma_semaphore, #tpu.memory_space<semaphore_mem>>)
      %dma_wait3A_205 = tpu.memref_slice %arg4[%mul3A_2] : memref<25600xi32, #tpu.memory_space<hbm>> -> memref<800xi32, #tpu.memory_space<hbm>>
      %dma_wait3A_206 = tpu.memref_slice %arg4[%mul3A_2] : memref<25600xi32, #tpu.memory_space<hbm>> -> memref<800xi32, #tpu.memory_space<hbm>>
      tpu.wait_dma2 semaphore(%run_scoped3A : memref<!tpu.dma_semaphore, #tpu.memory_space<semaphore_mem>>) src(%dma_wait3A_206 : memref<800xi32, #tpu.memory_space<hbm>>) dst(%arg8 : memref<800xi32, #tpu.memory_space<vmem>>)
      tpu.yield
    }) : () -> ()
    "tpu.region"() ({
      %run_scoped3A = tpu.sem_alloc : memref<!tpu.dma_semaphore, #tpu.memory_space<semaphore_mem>>
      %dma_start3A_203 = tpu.memref_slice %arg5[%mul3A_2] : memref<25600xi32, #tpu.memory_space<hbm>> -> memref<800xi32, #tpu.memory_space<hbm>>
      %dma_start3A_204 = tpu.memref_slice %arg5[%mul3A_2] : memref<25600xi32, #tpu.memory_space<hbm>> -> memref<800xi32, #tpu.memory_space<hbm>>
      tpu.enqueue_dma source(%dma_start3A_204 : memref<800xi32, #tpu.memory_space<hbm>>) target(%arg9 : memref<800xi32, #tpu.memory_space<vmem>>) target_semaphore(%run_scoped3A : memref<!tpu.dma_semaphore, #tpu.memory_space<semaphore_mem>>)
      %dma_wait3A_205 = tpu.memref_slice %arg5[%mul3A_2] : memref<25600xi32, #tpu.memory_space<hbm>> -> memref<800xi32, #tpu.memory_space<hbm>>
      %dma_wait3A_206 = tpu.memref_slice %arg5[%mul3A_2] : memref<25600xi32, #tpu.memory_space<hbm>> -> memref<800xi32, #tpu.memory_space<hbm>>
      tpu.wait_dma2 semaphore(%run_scoped3A : memref<!tpu.dma_semaphore, #tpu.memory_space<semaphore_mem>>) src(%dma_wait3A_206 : memref<800xi32, #tpu.memory_space<hbm>>) dst(%arg9 : memref<800xi32, #tpu.memory_space<vmem>>)
      tpu.yield
    }) : () -> ()
    %dma_start3A = arith.constant 0 : i32
    %dma_start3A_5 = tpu.memref_slice %arg8[%dma_start3A] : memref<800xi32, #tpu.memory_space<vmem>> -> memref<160xi32, #tpu.memory_space<vmem>>
    %dma_start3A_6 = arith.constant 0 : i32
    %dma_start3A_7 = arith.constant 0 : i32
    %dma_start3A_8 = tpu.memref_slice %arg2[%dma_start3A_6, %dma_start3A_7] : memref<1000001x128xf32, #tpu.memory_space<hbm>> -> memref<1000001x128xf32, #tpu.memory_space<hbm>>
    tpu.enqueue_indirect_dma source(%dma_start3A_8 : memref<1000001x128xf32, #tpu.memory_space<hbm>>) target(%arg11 : memref<160x128xf32, #tpu.memory_space<vmem>>) offsets(%dma_start3A_5 : memref<160xi32, #tpu.memory_space<vmem>>) semaphore(%arg15 : memref<!tpu.dma_semaphore, #tpu.memory_space<semaphore_mem>>)
    %dma_start3A_9 = arith.constant 0 : i32
    %dma_start3A_10 = tpu.memref_slice %arg9[%dma_start3A_9] : memref<800xi32, #tpu.memory_space<vmem>> -> memref<160xi32, #tpu.memory_space<vmem>>
    %dma_start3A_11 = arith.constant 0 : i32
    %dma_start3A_12 = arith.constant 0 : i32
    %dma_start3A_13 = tpu.memref_slice %arg10[%dma_start3A_11, %dma_start3A_12] : memref<1001x128xf32, #tpu.memory_space<vmem_shared>> -> memref<1001x128xf32, #tpu.memory_space<vmem_shared>>
    tpu.enqueue_indirect_dma source(%dma_start3A_13 : memref<1001x128xf32, #tpu.memory_space<vmem_shared>>) target(%arg13 : memref<160x128xf32, #tpu.memory_space<vmem>>) offsets(%dma_start3A_10 : memref<160xi32, #tpu.memory_space<vmem>>) semaphore(%arg17 : memref<!tpu.dma_semaphore, #tpu.memory_space<semaphore_mem>>)
    %dma_start3A_14 = arith.constant 160 : i32
    %dma_start3A_15 = tpu.memref_slice %arg8[%dma_start3A_14] : memref<800xi32, #tpu.memory_space<vmem>> -> memref<160xi32, #tpu.memory_space<vmem>>
    %dma_start3A_16 = arith.constant 0 : i32
    %dma_start3A_17 = arith.constant 0 : i32
    %dma_start3A_18 = tpu.memref_slice %arg2[%dma_start3A_16, %dma_start3A_17] : memref<1000001x128xf32, #tpu.memory_space<hbm>> -> memref<1000001x128xf32, #tpu.memory_space<hbm>>
    tpu.enqueue_indirect_dma source(%dma_start3A_18 : memref<1000001x128xf32, #tpu.memory_space<hbm>>) target(%arg12 : memref<160x128xf32, #tpu.memory_space<vmem>>) offsets(%dma_start3A_15 : memref<160xi32, #tpu.memory_space<vmem>>) semaphore(%arg16 : memref<!tpu.dma_semaphore, #tpu.memory_space<semaphore_mem>>)
    %dma_start3A_19 = arith.constant 160 : i32
    %dma_start3A_20 = tpu.memref_slice %arg9[%dma_start3A_19] : memref<800xi32, #tpu.memory_space<vmem>> -> memref<160xi32, #tpu.memory_space<vmem>>
    %dma_start3A_21 = arith.constant 0 : i32
    %dma_start3A_22 = arith.constant 0 : i32
    %dma_start3A_23 = tpu.memref_slice %arg10[%dma_start3A_21, %dma_start3A_22] : memref<1001x128xf32, #tpu.memory_space<vmem_shared>> -> memref<1001x128xf32, #tpu.memory_space<vmem_shared>>
    tpu.enqueue_indirect_dma source(%dma_start3A_23 : memref<1001x128xf32, #tpu.memory_space<vmem_shared>>) target(%arg14 : memref<160x128xf32, #tpu.memory_space<vmem>>) offsets(%dma_start3A_20 : memref<160xi32, #tpu.memory_space<vmem>>) semaphore(%arg18 : memref<!tpu.dma_semaphore, #tpu.memory_space<semaphore_mem>>)
    %dma_wait3A = arith.constant 0 : i32
    %dma_wait3A_24 = tpu.memref_slice %arg8[%dma_wait3A] : memref<800xi32, #tpu.memory_space<vmem>> -> memref<160xi32, #tpu.memory_space<vmem>>
    %dma_wait3A_25 = arith.constant 0 : i32
    %dma_wait3A_26 = arith.constant 0 : i32
    %dma_wait3A_27 = tpu.memref_slice %arg2[%dma_wait3A_25, %dma_wait3A_26] : memref<1000001x128xf32, #tpu.memory_space<hbm>> -> memref<1000001x128xf32, #tpu.memory_space<hbm>>
    tpu.wait_indirect_dma semaphore(%arg15 : memref<!tpu.dma_semaphore, #tpu.memory_space<semaphore_mem>>) src(%dma_wait3A_27 : memref<1000001x128xf32, #tpu.memory_space<hbm>>) dst(%arg11 : memref<160x128xf32, #tpu.memory_space<vmem>>)
    %add3A_28 = arith.constant 0 : i32
    %add3A_29 = arith.addi %mul3A_2, %add3A_28 : i32
    %dma_start3A_30 = arith.constant 0 : i32
    %dma_start3A_31 = tpu.memref_slice %arg6[%add3A_29, %dma_start3A_30] : memref<25600x128xf32, #tpu.memory_space<hbm>> -> memref<160x128xf32, #tpu.memory_space<hbm>>
    %dma_start3A_32 = arith.constant 0 : i32
    %dma_start3A_33 = tpu.memref_slice %arg6[%add3A_29, %dma_start3A_32] : memref<25600x128xf32, #tpu.memory_space<hbm>> -> memref<160x128xf32, #tpu.memory_space<hbm>>
    tpu.enqueue_dma source(%arg11 : memref<160x128xf32, #tpu.memory_space<vmem>>) target(%dma_start3A_33 : memref<160x128xf32, #tpu.memory_space<hbm>>) target_semaphore(%arg19 : memref<!tpu.dma_semaphore, #tpu.memory_space<semaphore_mem>>)
    %dma_wait3A_34 = arith.constant 0 : i32
    %dma_wait3A_35 = tpu.memref_slice %arg9[%dma_wait3A_34] : memref<800xi32, #tpu.memory_space<vmem>> -> memref<160xi32, #tpu.memory_space<vmem>>
    %dma_wait3A_36 = arith.constant 0 : i32
    %dma_wait3A_37 = arith.constant 0 : i32
    %dma_wait3A_38 = tpu.memref_slice %arg10[%dma_wait3A_36, %dma_wait3A_37] : memref<1001x128xf32, #tpu.memory_space<vmem_shared>> -> memref<1001x128xf32, #tpu.memory_space<vmem_shared>>
    tpu.wait_indirect_dma semaphore(%arg17 : memref<!tpu.dma_semaphore, #tpu.memory_space<semaphore_mem>>) src(%dma_wait3A_38 : memref<1001x128xf32, #tpu.memory_space<vmem_shared>>) dst(%arg13 : memref<160x128xf32, #tpu.memory_space<vmem>>)
    %add3A_39 = arith.constant 0 : i32
    %add3A_40 = arith.addi %mul3A_2, %add3A_39 : i32
    %dma_start3A_41 = arith.constant 0 : i32
    %dma_start3A_42 = tpu.memref_slice %arg7[%add3A_40, %dma_start3A_41] : memref<25600x128xf32, #tpu.memory_space<hbm>> -> memref<160x128xf32, #tpu.memory_space<hbm>>
    %dma_start3A_43 = arith.constant 0 : i32
    %dma_start3A_44 = tpu.memref_slice %arg7[%add3A_40, %dma_start3A_43] : memref<25600x128xf32, #tpu.memory_space<hbm>> -> memref<160x128xf32, #tpu.memory_space<hbm>>
    tpu.enqueue_dma source(%arg13 : memref<160x128xf32, #tpu.memory_space<vmem>>) target(%dma_start3A_44 : memref<160x128xf32, #tpu.memory_space<hbm>>) target_semaphore(%arg21 : memref<!tpu.dma_semaphore, #tpu.memory_space<semaphore_mem>>)
    %dma_wait3A_45 = arith.constant 0 : i32
    %dma_wait3A_46 = tpu.memref_slice %arg6[%add3A_29, %dma_wait3A_45] : memref<25600x128xf32, #tpu.memory_space<hbm>> -> memref<160x128xf32, #tpu.memory_space<hbm>>
    %dma_wait3A_47 = arith.constant 0 : i32
    %dma_wait3A_48 = tpu.memref_slice %arg6[%add3A_29, %dma_wait3A_47] : memref<25600x128xf32, #tpu.memory_space<hbm>> -> memref<160x128xf32, #tpu.memory_space<hbm>>
    tpu.wait_dma2 semaphore(%arg19 : memref<!tpu.dma_semaphore, #tpu.memory_space<semaphore_mem>>) src(%arg11 : memref<160x128xf32, #tpu.memory_space<vmem>>) dst(%dma_wait3A_48 : memref<160x128xf32, #tpu.memory_space<hbm>>)
    %dma_wait3A_49 = arith.constant 0 : i32
    %dma_wait3A_50 = tpu.memref_slice %arg7[%add3A_40, %dma_wait3A_49] : memref<25600x128xf32, #tpu.memory_space<hbm>> -> memref<160x128xf32, #tpu.memory_space<hbm>>
    %dma_wait3A_51 = arith.constant 0 : i32
    %dma_wait3A_52 = tpu.memref_slice %arg7[%add3A_40, %dma_wait3A_51] : memref<25600x128xf32, #tpu.memory_space<hbm>> -> memref<160x128xf32, #tpu.memory_space<hbm>>
    tpu.wait_dma2 semaphore(%arg21 : memref<!tpu.dma_semaphore, #tpu.memory_space<semaphore_mem>>) src(%arg13 : memref<160x128xf32, #tpu.memory_space<vmem>>) dst(%dma_wait3A_52 : memref<160x128xf32, #tpu.memory_space<hbm>>)
    %dma_start3A_53 = arith.constant 320 : i32
    %dma_start3A_54 = tpu.memref_slice %arg8[%dma_start3A_53] : memref<800xi32, #tpu.memory_space<vmem>> -> memref<160xi32, #tpu.memory_space<vmem>>
    %dma_start3A_55 = arith.constant 0 : i32
    %dma_start3A_56 = arith.constant 0 : i32
    %dma_start3A_57 = tpu.memref_slice %arg2[%dma_start3A_55, %dma_start3A_56] : memref<1000001x128xf32, #tpu.memory_space<hbm>> -> memref<1000001x128xf32, #tpu.memory_space<hbm>>
    tpu.enqueue_indirect_dma source(%dma_start3A_57 : memref<1000001x128xf32, #tpu.memory_space<hbm>>) target(%arg11 : memref<160x128xf32, #tpu.memory_space<vmem>>) offsets(%dma_start3A_54 : memref<160xi32, #tpu.memory_space<vmem>>) semaphore(%arg15 : memref<!tpu.dma_semaphore, #tpu.memory_space<semaphore_mem>>)
    %dma_start3A_58 = arith.constant 320 : i32
    %dma_start3A_59 = tpu.memref_slice %arg9[%dma_start3A_58] : memref<800xi32, #tpu.memory_space<vmem>> -> memref<160xi32, #tpu.memory_space<vmem>>
    %dma_start3A_60 = arith.constant 0 : i32
    %dma_start3A_61 = arith.constant 0 : i32
    %dma_start3A_62 = tpu.memref_slice %arg10[%dma_start3A_60, %dma_start3A_61] : memref<1001x128xf32, #tpu.memory_space<vmem_shared>> -> memref<1001x128xf32, #tpu.memory_space<vmem_shared>>
    tpu.enqueue_indirect_dma source(%dma_start3A_62 : memref<1001x128xf32, #tpu.memory_space<vmem_shared>>) target(%arg13 : memref<160x128xf32, #tpu.memory_space<vmem>>) offsets(%dma_start3A_59 : memref<160xi32, #tpu.memory_space<vmem>>) semaphore(%arg17 : memref<!tpu.dma_semaphore, #tpu.memory_space<semaphore_mem>>)
    %dma_wait3A_63 = arith.constant 160 : i32
    %dma_wait3A_64 = tpu.memref_slice %arg8[%dma_wait3A_63] : memref<800xi32, #tpu.memory_space<vmem>> -> memref<160xi32, #tpu.memory_space<vmem>>
    %dma_wait3A_65 = arith.constant 0 : i32
    %dma_wait3A_66 = arith.constant 0 : i32
    %dma_wait3A_67 = tpu.memref_slice %arg2[%dma_wait3A_65, %dma_wait3A_66] : memref<1000001x128xf32, #tpu.memory_space<hbm>> -> memref<1000001x128xf32, #tpu.memory_space<hbm>>
    tpu.wait_indirect_dma semaphore(%arg16 : memref<!tpu.dma_semaphore, #tpu.memory_space<semaphore_mem>>) src(%dma_wait3A_67 : memref<1000001x128xf32, #tpu.memory_space<hbm>>) dst(%arg12 : memref<160x128xf32, #tpu.memory_space<vmem>>)
    %add3A_68 = arith.constant 160 : i32
    %add3A_69 = arith.addi %mul3A_2, %add3A_68 : i32
    %dma_start3A_70 = arith.constant 0 : i32
    %dma_start3A_71 = tpu.memref_slice %arg6[%add3A_69, %dma_start3A_70] : memref<25600x128xf32, #tpu.memory_space<hbm>> -> memref<160x128xf32, #tpu.memory_space<hbm>>
    %dma_start3A_72 = arith.constant 0 : i32
    %dma_start3A_73 = tpu.memref_slice %arg6[%add3A_69, %dma_start3A_72] : memref<25600x128xf32, #tpu.memory_space<hbm>> -> memref<160x128xf32, #tpu.memory_space<hbm>>
    tpu.enqueue_dma source(%arg12 : memref<160x128xf32, #tpu.memory_space<vmem>>) target(%dma_start3A_73 : memref<160x128xf32, #tpu.memory_space<hbm>>) target_semaphore(%arg20 : memref<!tpu.dma_semaphore, #tpu.memory_space<semaphore_mem>>)
    %dma_wait3A_74 = arith.constant 160 : i32
    %dma_wait3A_75 = tpu.memref_slice %arg9[%dma_wait3A_74] : memref<800xi32, #tpu.memory_space<vmem>> -> memref<160xi32, #tpu.memory_space<vmem>>
    %dma_wait3A_76 = arith.constant 0 : i32
    %dma_wait3A_77 = arith.constant 0 : i32
    %dma_wait3A_78 = tpu.memref_slice %arg10[%dma_wait3A_76, %dma_wait3A_77] : memref<1001x128xf32, #tpu.memory_space<vmem_shared>> -> memref<1001x128xf32, #tpu.memory_space<vmem_shared>>
    tpu.wait_indirect_dma semaphore(%arg18 : memref<!tpu.dma_semaphore, #tpu.memory_space<semaphore_mem>>) src(%dma_wait3A_78 : memref<1001x128xf32, #tpu.memory_space<vmem_shared>>) dst(%arg14 : memref<160x128xf32, #tpu.memory_space<vmem>>)
    %add3A_79 = arith.constant 160 : i32
    %add3A_80 = arith.addi %mul3A_2, %add3A_79 : i32
    %dma_start3A_81 = arith.constant 0 : i32
    %dma_start3A_82 = tpu.memref_slice %arg7[%add3A_80, %dma_start3A_81] : memref<25600x128xf32, #tpu.memory_space<hbm>> -> memref<160x128xf32, #tpu.memory_space<hbm>>
    %dma_start3A_83 = arith.constant 0 : i32
    %dma_start3A_84 = tpu.memref_slice %arg7[%add3A_80, %dma_start3A_83] : memref<25600x128xf32, #tpu.memory_space<hbm>> -> memref<160x128xf32, #tpu.memory_space<hbm>>
    tpu.enqueue_dma source(%arg14 : memref<160x128xf32, #tpu.memory_space<vmem>>) target(%dma_start3A_84 : memref<160x128xf32, #tpu.memory_space<hbm>>) target_semaphore(%arg22 : memref<!tpu.dma_semaphore, #tpu.memory_space<semaphore_mem>>)
    %dma_wait3A_85 = arith.constant 0 : i32
    %dma_wait3A_86 = tpu.memref_slice %arg6[%add3A_69, %dma_wait3A_85] : memref<25600x128xf32, #tpu.memory_space<hbm>> -> memref<160x128xf32, #tpu.memory_space<hbm>>
    %dma_wait3A_87 = arith.constant 0 : i32
    %dma_wait3A_88 = tpu.memref_slice %arg6[%add3A_69, %dma_wait3A_87] : memref<25600x128xf32, #tpu.memory_space<hbm>> -> memref<160x128xf32, #tpu.memory_space<hbm>>
    tpu.wait_dma2 semaphore(%arg20 : memref<!tpu.dma_semaphore, #tpu.memory_space<semaphore_mem>>) src(%arg12 : memref<160x128xf32, #tpu.memory_space<vmem>>) dst(%dma_wait3A_88 : memref<160x128xf32, #tpu.memory_space<hbm>>)
    %dma_wait3A_89 = arith.constant 0 : i32
    %dma_wait3A_90 = tpu.memref_slice %arg7[%add3A_80, %dma_wait3A_89] : memref<25600x128xf32, #tpu.memory_space<hbm>> -> memref<160x128xf32, #tpu.memory_space<hbm>>
    %dma_wait3A_91 = arith.constant 0 : i32
    %dma_wait3A_92 = tpu.memref_slice %arg7[%add3A_80, %dma_wait3A_91] : memref<25600x128xf32, #tpu.memory_space<hbm>> -> memref<160x128xf32, #tpu.memory_space<hbm>>
    tpu.wait_dma2 semaphore(%arg22 : memref<!tpu.dma_semaphore, #tpu.memory_space<semaphore_mem>>) src(%arg14 : memref<160x128xf32, #tpu.memory_space<vmem>>) dst(%dma_wait3A_92 : memref<160x128xf32, #tpu.memory_space<hbm>>)
    %dma_start3A_93 = arith.constant 480 : i32
    %dma_start3A_94 = tpu.memref_slice %arg8[%dma_start3A_93] : memref<800xi32, #tpu.memory_space<vmem>> -> memref<160xi32, #tpu.memory_space<vmem>>
    %dma_start3A_95 = arith.constant 0 : i32
    %dma_start3A_96 = arith.constant 0 : i32
    %dma_start3A_97 = tpu.memref_slice %arg2[%dma_start3A_95, %dma_start3A_96] : memref<1000001x128xf32, #tpu.memory_space<hbm>> -> memref<1000001x128xf32, #tpu.memory_space<hbm>>
    tpu.enqueue_indirect_dma source(%dma_start3A_97 : memref<1000001x128xf32, #tpu.memory_space<hbm>>) target(%arg12 : memref<160x128xf32, #tpu.memory_space<vmem>>) offsets(%dma_start3A_94 : memref<160xi32, #tpu.memory_space<vmem>>) semaphore(%arg16 : memref<!tpu.dma_semaphore, #tpu.memory_space<semaphore_mem>>)
    %dma_start3A_98 = arith.constant 480 : i32
    %dma_start3A_99 = tpu.memref_slice %arg9[%dma_start3A_98] : memref<800xi32, #tpu.memory_space<vmem>> -> memref<160xi32, #tpu.memory_space<vmem>>
    %dma_start3A_100 = arith.constant 0 : i32
    %dma_start3A_101 = arith.constant 0 : i32
    %dma_start3A_102 = tpu.memref_slice %arg10[%dma_start3A_100, %dma_start3A_101] : memref<1001x128xf32, #tpu.memory_space<vmem_shared>> -> memref<1001x128xf32, #tpu.memory_space<vmem_shared>>
    tpu.enqueue_indirect_dma source(%dma_start3A_102 : memref<1001x128xf32, #tpu.memory_space<vmem_shared>>) target(%arg14 : memref<160x128xf32, #tpu.memory_space<vmem>>) offsets(%dma_start3A_99 : memref<160xi32, #tpu.memory_space<vmem>>) semaphore(%arg18 : memref<!tpu.dma_semaphore, #tpu.memory_space<semaphore_mem>>)
    %dma_wait3A_103 = arith.constant 320 : i32
    %dma_wait3A_104 = tpu.memref_slice %arg8[%dma_wait3A_103] : memref<800xi32, #tpu.memory_space<vmem>> -> memref<160xi32, #tpu.memory_space<vmem>>
    %dma_wait3A_105 = arith.constant 0 : i32
    %dma_wait3A_106 = arith.constant 0 : i32
    %dma_wait3A_107 = tpu.memref_slice %arg2[%dma_wait3A_105, %dma_wait3A_106] : memref<1000001x128xf32, #tpu.memory_space<hbm>> -> memref<1000001x128xf32, #tpu.memory_space<hbm>>
    tpu.wait_indirect_dma semaphore(%arg15 : memref<!tpu.dma_semaphore, #tpu.memory_space<semaphore_mem>>) src(%dma_wait3A_107 : memref<1000001x128xf32, #tpu.memory_space<hbm>>) dst(%arg11 : memref<160x128xf32, #tpu.memory_space<vmem>>)
    %add3A_108 = arith.constant 320 : i32
    %add3A_109 = arith.addi %mul3A_2, %add3A_108 : i32
    %dma_start3A_110 = arith.constant 0 : i32
    %dma_start3A_111 = tpu.memref_slice %arg6[%add3A_109, %dma_start3A_110] : memref<25600x128xf32, #tpu.memory_space<hbm>> -> memref<160x128xf32, #tpu.memory_space<hbm>>
    %dma_start3A_112 = arith.constant 0 : i32
    %dma_start3A_113 = tpu.memref_slice %arg6[%add3A_109, %dma_start3A_112] : memref<25600x128xf32, #tpu.memory_space<hbm>> -> memref<160x128xf32, #tpu.memory_space<hbm>>
    tpu.enqueue_dma source(%arg11 : memref<160x128xf32, #tpu.memory_space<vmem>>) target(%dma_start3A_113 : memref<160x128xf32, #tpu.memory_space<hbm>>) target_semaphore(%arg19 : memref<!tpu.dma_semaphore, #tpu.memory_space<semaphore_mem>>)
    %dma_wait3A_114 = arith.constant 320 : i32
    %dma_wait3A_115 = tpu.memref_slice %arg9[%dma_wait3A_114] : memref<800xi32, #tpu.memory_space<vmem>> -> memref<160xi32, #tpu.memory_space<vmem>>
    %dma_wait3A_116 = arith.constant 0 : i32
    %dma_wait3A_117 = arith.constant 0 : i32
    %dma_wait3A_118 = tpu.memref_slice %arg10[%dma_wait3A_116, %dma_wait3A_117] : memref<1001x128xf32, #tpu.memory_space<vmem_shared>> -> memref<1001x128xf32, #tpu.memory_space<vmem_shared>>
    tpu.wait_indirect_dma semaphore(%arg17 : memref<!tpu.dma_semaphore, #tpu.memory_space<semaphore_mem>>) src(%dma_wait3A_118 : memref<1001x128xf32, #tpu.memory_space<vmem_shared>>) dst(%arg13 : memref<160x128xf32, #tpu.memory_space<vmem>>)
    %add3A_119 = arith.constant 320 : i32
    %add3A_120 = arith.addi %mul3A_2, %add3A_119 : i32
    %dma_start3A_121 = arith.constant 0 : i32
    %dma_start3A_122 = tpu.memref_slice %arg7[%add3A_120, %dma_start3A_121] : memref<25600x128xf32, #tpu.memory_space<hbm>> -> memref<160x128xf32, #tpu.memory_space<hbm>>
    %dma_start3A_123 = arith.constant 0 : i32
    %dma_start3A_124 = tpu.memref_slice %arg7[%add3A_120, %dma_start3A_123] : memref<25600x128xf32, #tpu.memory_space<hbm>> -> memref<160x128xf32, #tpu.memory_space<hbm>>
    tpu.enqueue_dma source(%arg13 : memref<160x128xf32, #tpu.memory_space<vmem>>) target(%dma_start3A_124 : memref<160x128xf32, #tpu.memory_space<hbm>>) target_semaphore(%arg21 : memref<!tpu.dma_semaphore, #tpu.memory_space<semaphore_mem>>)
    %dma_wait3A_125 = arith.constant 0 : i32
    %dma_wait3A_126 = tpu.memref_slice %arg6[%add3A_109, %dma_wait3A_125] : memref<25600x128xf32, #tpu.memory_space<hbm>> -> memref<160x128xf32, #tpu.memory_space<hbm>>
    %dma_wait3A_127 = arith.constant 0 : i32
    %dma_wait3A_128 = tpu.memref_slice %arg6[%add3A_109, %dma_wait3A_127] : memref<25600x128xf32, #tpu.memory_space<hbm>> -> memref<160x128xf32, #tpu.memory_space<hbm>>
    tpu.wait_dma2 semaphore(%arg19 : memref<!tpu.dma_semaphore, #tpu.memory_space<semaphore_mem>>) src(%arg11 : memref<160x128xf32, #tpu.memory_space<vmem>>) dst(%dma_wait3A_128 : memref<160x128xf32, #tpu.memory_space<hbm>>)
    %dma_wait3A_129 = arith.constant 0 : i32
    %dma_wait3A_130 = tpu.memref_slice %arg7[%add3A_120, %dma_wait3A_129] : memref<25600x128xf32, #tpu.memory_space<hbm>> -> memref<160x128xf32, #tpu.memory_space<hbm>>
    %dma_wait3A_131 = arith.constant 0 : i32
    %dma_wait3A_132 = tpu.memref_slice %arg7[%add3A_120, %dma_wait3A_131] : memref<25600x128xf32, #tpu.memory_space<hbm>> -> memref<160x128xf32, #tpu.memory_space<hbm>>
    tpu.wait_dma2 semaphore(%arg21 : memref<!tpu.dma_semaphore, #tpu.memory_space<semaphore_mem>>) src(%arg13 : memref<160x128xf32, #tpu.memory_space<vmem>>) dst(%dma_wait3A_132 : memref<160x128xf32, #tpu.memory_space<hbm>>)
    %dma_start3A_133 = arith.constant 640 : i32
    %dma_start3A_134 = tpu.memref_slice %arg8[%dma_start3A_133] : memref<800xi32, #tpu.memory_space<vmem>> -> memref<160xi32, #tpu.memory_space<vmem>>
    %dma_start3A_135 = arith.constant 0 : i32
    %dma_start3A_136 = arith.constant 0 : i32
    %dma_start3A_137 = tpu.memref_slice %arg2[%dma_start3A_135, %dma_start3A_136] : memref<1000001x128xf32, #tpu.memory_space<hbm>> -> memref<1000001x128xf32, #tpu.memory_space<hbm>>
    tpu.enqueue_indirect_dma source(%dma_start3A_137 : memref<1000001x128xf32, #tpu.memory_space<hbm>>) target(%arg11 : memref<160x128xf32, #tpu.memory_space<vmem>>) offsets(%dma_start3A_134 : memref<160xi32, #tpu.memory_space<vmem>>) semaphore(%arg15 : memref<!tpu.dma_semaphore, #tpu.memory_space<semaphore_mem>>)
    %dma_start3A_138 = arith.constant 640 : i32
    %dma_start3A_139 = tpu.memref_slice %arg9[%dma_start3A_138] : memref<800xi32, #tpu.memory_space<vmem>> -> memref<160xi32, #tpu.memory_space<vmem>>
    %dma_start3A_140 = arith.constant 0 : i32
    %dma_start3A_141 = arith.constant 0 : i32
    %dma_start3A_142 = tpu.memref_slice %arg10[%dma_start3A_140, %dma_start3A_141] : memref<1001x128xf32, #tpu.memory_space<vmem_shared>> -> memref<1001x128xf32, #tpu.memory_space<vmem_shared>>
    tpu.enqueue_indirect_dma source(%dma_start3A_142 : memref<1001x128xf32, #tpu.memory_space<vmem_shared>>) target(%arg13 : memref<160x128xf32, #tpu.memory_space<vmem>>) offsets(%dma_start3A_139 : memref<160xi32, #tpu.memory_space<vmem>>) semaphore(%arg17 : memref<!tpu.dma_semaphore, #tpu.memory_space<semaphore_mem>>)
    %dma_wait3A_143 = arith.constant 480 : i32
    %dma_wait3A_144 = tpu.memref_slice %arg8[%dma_wait3A_143] : memref<800xi32, #tpu.memory_space<vmem>> -> memref<160xi32, #tpu.memory_space<vmem>>
    %dma_wait3A_145 = arith.constant 0 : i32
    %dma_wait3A_146 = arith.constant 0 : i32
    %dma_wait3A_147 = tpu.memref_slice %arg2[%dma_wait3A_145, %dma_wait3A_146] : memref<1000001x128xf32, #tpu.memory_space<hbm>> -> memref<1000001x128xf32, #tpu.memory_space<hbm>>
    tpu.wait_indirect_dma semaphore(%arg16 : memref<!tpu.dma_semaphore, #tpu.memory_space<semaphore_mem>>) src(%dma_wait3A_147 : memref<1000001x128xf32, #tpu.memory_space<hbm>>) dst(%arg12 : memref<160x128xf32, #tpu.memory_space<vmem>>)
    %add3A_148 = arith.constant 480 : i32
    %add3A_149 = arith.addi %mul3A_2, %add3A_148 : i32
    %dma_start3A_150 = arith.constant 0 : i32
    %dma_start3A_151 = tpu.memref_slice %arg6[%add3A_149, %dma_start3A_150] : memref<25600x128xf32, #tpu.memory_space<hbm>> -> memref<160x128xf32, #tpu.memory_space<hbm>>
    %dma_start3A_152 = arith.constant 0 : i32
    %dma_start3A_153 = tpu.memref_slice %arg6[%add3A_149, %dma_start3A_152] : memref<25600x128xf32, #tpu.memory_space<hbm>> -> memref<160x128xf32, #tpu.memory_space<hbm>>
    tpu.enqueue_dma source(%arg12 : memref<160x128xf32, #tpu.memory_space<vmem>>) target(%dma_start3A_153 : memref<160x128xf32, #tpu.memory_space<hbm>>) target_semaphore(%arg20 : memref<!tpu.dma_semaphore, #tpu.memory_space<semaphore_mem>>)
    %dma_wait3A_154 = arith.constant 480 : i32
    %dma_wait3A_155 = tpu.memref_slice %arg9[%dma_wait3A_154] : memref<800xi32, #tpu.memory_space<vmem>> -> memref<160xi32, #tpu.memory_space<vmem>>
    %dma_wait3A_156 = arith.constant 0 : i32
    %dma_wait3A_157 = arith.constant 0 : i32
    %dma_wait3A_158 = tpu.memref_slice %arg10[%dma_wait3A_156, %dma_wait3A_157] : memref<1001x128xf32, #tpu.memory_space<vmem_shared>> -> memref<1001x128xf32, #tpu.memory_space<vmem_shared>>
    tpu.wait_indirect_dma semaphore(%arg18 : memref<!tpu.dma_semaphore, #tpu.memory_space<semaphore_mem>>) src(%dma_wait3A_158 : memref<1001x128xf32, #tpu.memory_space<vmem_shared>>) dst(%arg14 : memref<160x128xf32, #tpu.memory_space<vmem>>)
    %add3A_159 = arith.constant 480 : i32
    %add3A_160 = arith.addi %mul3A_2, %add3A_159 : i32
    %dma_start3A_161 = arith.constant 0 : i32
    %dma_start3A_162 = tpu.memref_slice %arg7[%add3A_160, %dma_start3A_161] : memref<25600x128xf32, #tpu.memory_space<hbm>> -> memref<160x128xf32, #tpu.memory_space<hbm>>
    %dma_start3A_163 = arith.constant 0 : i32
    %dma_start3A_164 = tpu.memref_slice %arg7[%add3A_160, %dma_start3A_163] : memref<25600x128xf32, #tpu.memory_space<hbm>> -> memref<160x128xf32, #tpu.memory_space<hbm>>
    tpu.enqueue_dma source(%arg14 : memref<160x128xf32, #tpu.memory_space<vmem>>) target(%dma_start3A_164 : memref<160x128xf32, #tpu.memory_space<hbm>>) target_semaphore(%arg22 : memref<!tpu.dma_semaphore, #tpu.memory_space<semaphore_mem>>)
    %dma_wait3A_165 = arith.constant 0 : i32
    %dma_wait3A_166 = tpu.memref_slice %arg6[%add3A_149, %dma_wait3A_165] : memref<25600x128xf32, #tpu.memory_space<hbm>> -> memref<160x128xf32, #tpu.memory_space<hbm>>
    %dma_wait3A_167 = arith.constant 0 : i32
    %dma_wait3A_168 = tpu.memref_slice %arg6[%add3A_149, %dma_wait3A_167] : memref<25600x128xf32, #tpu.memory_space<hbm>> -> memref<160x128xf32, #tpu.memory_space<hbm>>
    tpu.wait_dma2 semaphore(%arg20 : memref<!tpu.dma_semaphore, #tpu.memory_space<semaphore_mem>>) src(%arg12 : memref<160x128xf32, #tpu.memory_space<vmem>>) dst(%dma_wait3A_168 : memref<160x128xf32, #tpu.memory_space<hbm>>)
    %dma_wait3A_169 = arith.constant 0 : i32
    %dma_wait3A_170 = tpu.memref_slice %arg7[%add3A_160, %dma_wait3A_169] : memref<25600x128xf32, #tpu.memory_space<hbm>> -> memref<160x128xf32, #tpu.memory_space<hbm>>
    %dma_wait3A_171 = arith.constant 0 : i32
    %dma_wait3A_172 = tpu.memref_slice %arg7[%add3A_160, %dma_wait3A_171] : memref<25600x128xf32, #tpu.memory_space<hbm>> -> memref<160x128xf32, #tpu.memory_space<hbm>>
    tpu.wait_dma2 semaphore(%arg22 : memref<!tpu.dma_semaphore, #tpu.memory_space<semaphore_mem>>) src(%arg14 : memref<160x128xf32, #tpu.memory_space<vmem>>) dst(%dma_wait3A_172 : memref<160x128xf32, #tpu.memory_space<hbm>>)
    %dma_wait3A_173 = arith.constant 640 : i32
    %dma_wait3A_174 = tpu.memref_slice %arg8[%dma_wait3A_173] : memref<800xi32, #tpu.memory_space<vmem>> -> memref<160xi32, #tpu.memory_space<vmem>>
    %dma_wait3A_175 = arith.constant 0 : i32
    %dma_wait3A_176 = arith.constant 0 : i32
    %dma_wait3A_177 = tpu.memref_slice %arg2[%dma_wait3A_175, %dma_wait3A_176] : memref<1000001x128xf32, #tpu.memory_space<hbm>> -> memref<1000001x128xf32, #tpu.memory_space<hbm>>
    tpu.wait_indirect_dma semaphore(%arg15 : memref<!tpu.dma_semaphore, #tpu.memory_space<semaphore_mem>>) src(%dma_wait3A_177 : memref<1000001x128xf32, #tpu.memory_space<hbm>>) dst(%arg11 : memref<160x128xf32, #tpu.memory_space<vmem>>)
    %add3A_178 = arith.constant 640 : i32
    %add3A_179 = arith.addi %mul3A_2, %add3A_178 : i32
    %dma_start3A_180 = arith.constant 0 : i32
    %dma_start3A_181 = tpu.memref_slice %arg6[%add3A_179, %dma_start3A_180] : memref<25600x128xf32, #tpu.memory_space<hbm>> -> memref<160x128xf32, #tpu.memory_space<hbm>>
    %dma_start3A_182 = arith.constant 0 : i32
    %dma_start3A_183 = tpu.memref_slice %arg6[%add3A_179, %dma_start3A_182] : memref<25600x128xf32, #tpu.memory_space<hbm>> -> memref<160x128xf32, #tpu.memory_space<hbm>>
    tpu.enqueue_dma source(%arg11 : memref<160x128xf32, #tpu.memory_space<vmem>>) target(%dma_start3A_183 : memref<160x128xf32, #tpu.memory_space<hbm>>) target_semaphore(%arg19 : memref<!tpu.dma_semaphore, #tpu.memory_space<semaphore_mem>>)
    %dma_wait3A_184 = arith.constant 640 : i32
    %dma_wait3A_185 = tpu.memref_slice %arg9[%dma_wait3A_184] : memref<800xi32, #tpu.memory_space<vmem>> -> memref<160xi32, #tpu.memory_space<vmem>>
    %dma_wait3A_186 = arith.constant 0 : i32
    %dma_wait3A_187 = arith.constant 0 : i32
    %dma_wait3A_188 = tpu.memref_slice %arg10[%dma_wait3A_186, %dma_wait3A_187] : memref<1001x128xf32, #tpu.memory_space<vmem_shared>> -> memref<1001x128xf32, #tpu.memory_space<vmem_shared>>
    tpu.wait_indirect_dma semaphore(%arg17 : memref<!tpu.dma_semaphore, #tpu.memory_space<semaphore_mem>>) src(%dma_wait3A_188 : memref<1001x128xf32, #tpu.memory_space<vmem_shared>>) dst(%arg13 : memref<160x128xf32, #tpu.memory_space<vmem>>)
    %add3A_189 = arith.constant 640 : i32
    %add3A_190 = arith.addi %mul3A_2, %add3A_189 : i32
    %dma_start3A_191 = arith.constant 0 : i32
    %dma_start3A_192 = tpu.memref_slice %arg7[%add3A_190, %dma_start3A_191] : memref<25600x128xf32, #tpu.memory_space<hbm>> -> memref<160x128xf32, #tpu.memory_space<hbm>>
    %dma_start3A_193 = arith.constant 0 : i32
    %dma_start3A_194 = tpu.memref_slice %arg7[%add3A_190, %dma_start3A_193] : memref<25600x128xf32, #tpu.memory_space<hbm>> -> memref<160x128xf32, #tpu.memory_space<hbm>>
    tpu.enqueue_dma source(%arg13 : memref<160x128xf32, #tpu.memory_space<vmem>>) target(%dma_start3A_194 : memref<160x128xf32, #tpu.memory_space<hbm>>) target_semaphore(%arg21 : memref<!tpu.dma_semaphore, #tpu.memory_space<semaphore_mem>>)
    %dma_wait3A_195 = arith.constant 0 : i32
    %dma_wait3A_196 = tpu.memref_slice %arg6[%add3A_179, %dma_wait3A_195] : memref<25600x128xf32, #tpu.memory_space<hbm>> -> memref<160x128xf32, #tpu.memory_space<hbm>>
    %dma_wait3A_197 = arith.constant 0 : i32
    %dma_wait3A_198 = tpu.memref_slice %arg6[%add3A_179, %dma_wait3A_197] : memref<25600x128xf32, #tpu.memory_space<hbm>> -> memref<160x128xf32, #tpu.memory_space<hbm>>
    tpu.wait_dma2 semaphore(%arg19 : memref<!tpu.dma_semaphore, #tpu.memory_space<semaphore_mem>>) src(%arg11 : memref<160x128xf32, #tpu.memory_space<vmem>>) dst(%dma_wait3A_198 : memref<160x128xf32, #tpu.memory_space<hbm>>)
    %dma_wait3A_199 = arith.constant 0 : i32
    %dma_wait3A_200 = tpu.memref_slice %arg7[%add3A_190, %dma_wait3A_199] : memref<25600x128xf32, #tpu.memory_space<hbm>> -> memref<160x128xf32, #tpu.memory_space<hbm>>
    %dma_wait3A_201 = arith.constant 0 : i32
    %dma_wait3A_202 = tpu.memref_slice %arg7[%add3A_190, %dma_wait3A_201] : memref<25600x128xf32, #tpu.memory_space<hbm>> -> memref<160x128xf32, #tpu.memory_space<hbm>>
    tpu.wait_dma2 semaphore(%arg21 : memref<!tpu.dma_semaphore, #tpu.memory_space<semaphore_mem>>) src(%arg13 : memref<160x128xf32, #tpu.memory_space<vmem>>) dst(%dma_wait3A_202 : memref<160x128xf32, #tpu.memory_space<hbm>>)
    return
  }
}

#map = affine_map<(d0, d1) -> (0, 0)>
#map1 = affine_map<(d0, d1) -> (0)>
module attributes {stable_mosaic.version = 14 : i64} {
  func.func @body(%arg0: i32, %arg1: i32, %arg2: memref<1000001x128xf32, #tpu.memory_space<hbm>>, %arg3: memref<1001x128xf32, #tpu.memory_space<hbm>>, %arg4: memref<25600xi32, #tpu.memory_space<hbm>>, %arg5: memref<25600xi32, #tpu.memory_space<hbm>>, %arg6: memref<25600x128xf32, #tpu.memory_space<hbm>>, %arg7: memref<25600x128xf32, #tpu.memory_space<hbm>>, %arg8: memref<800xi32, #tpu.memory_space<vmem>>, %arg9: memref<800xi32, #tpu.memory_space<vmem>>, %arg10: memref<1001x128xf32, #tpu.memory_space<vmem_shared>>, %arg11: memref<160x128xf32, #tpu.memory_space<vmem>>, %arg12: memref<160x128xf32, #tpu.memory_space<vmem>>, %arg13: memref<160x128xf32, #tpu.memory_space<vmem>>, %arg14: memref<160x128xf32, #tpu.memory_space<vmem>>, %arg15: memref<!tpu.dma_semaphore, #tpu.memory_space<semaphore_mem>>, %arg16: memref<!tpu.dma_semaphore, #tpu.memory_space<semaphore_mem>>, %arg17: memref<!tpu.dma_semaphore, #tpu.memory_space<semaphore_mem>>, %arg18: memref<!tpu.dma_semaphore, #tpu.memory_space<semaphore_mem>>, %arg19: memref<!tpu.dma_semaphore, #tpu.memory_space<semaphore_mem>>, %arg20: memref<!tpu.dma_semaphore, #tpu.memory_space<semaphore_mem>>, %arg21: memref<!tpu.dma_semaphore, #tpu.memory_space<semaphore_mem>>, %arg22: memref<!tpu.dma_semaphore, #tpu.memory_space<semaphore_mem>>) attributes {dimension_semantics = [#tpu.dimension_semantics<core_parallel>, #tpu.dimension_semantics<subcore_parallel>], iteration_bounds = array<i64: 2, 16>, scalar_prefetch = 0 : i64, scratch_operands = 15 : i64, tpu.core_type = #tpu.core_type<sc_vector_subcore>, window_params = [{transform_indices = #map}, {transform_indices = #map}, {transform_indices = #map1}, {transform_indices = #map1}, {transform_indices = #map}, {transform_indices = #map}]} {
    %mul3A = arith.constant 2 : i32
    %mul3A_0 = arith.muli %arg1, %mul3A : i32
    %add3A = arith.addi %mul3A_0, %arg0 : i32
    %mul3A_1 = arith.constant 800 : i32
    %mul3A_2 = arith.muli %add3A, %mul3A_1 : i32
    %eq3A = arith.constant 0 : i32
    %eq3A_3 = arith.cmpi eq, %arg1, %eq3A : i32
    %convert_element_type3A = arith.extui %eq3A_3 : i1 to i32
    %cond3A = arith.constant 0 : i32
    %cond3A_4 = arith.cmpi ne, %convert_element_type3A, %cond3A : i32
    scf.if %cond3A_4 {
      "tpu.region"() ({
        %run_scoped3A = tpu.sem_alloc : memref<!tpu.dma_semaphore, #tpu.memory_space<semaphore_mem>>
        tpu.enqueue_dma source(%arg3 : memref<1001x128xf32, #tpu.memory_space<hbm>>) target(%arg10 : memref<1001x128xf32, #tpu.memory_space<vmem_shared>>) target_semaphore(%run_scoped3A : memref<!tpu.dma_semaphore, #tpu.memory_space<semaphore_mem>>)
        tpu.wait_dma2 semaphore(%run_scoped3A : memref<!tpu.dma_semaphore, #tpu.memory_space<semaphore_mem>>) src(%arg3 : memref<1001x128xf32, #tpu.memory_space<hbm>>) dst(%arg10 : memref<1001x128xf32, #tpu.memory_space<vmem_shared>>)
        tpu.yield
      }) : () -> ()
    } else {
    }
    %barrier3A = arith.constant 0 : index
    tpu.barrier barrier_id(%barrier3A)
    "tpu.region"() ({
      %run_scoped3A = tpu.sem_alloc : memref<!tpu.dma_semaphore, #tpu.memory_space<semaphore_mem>>
      %dma_start3A_203 = tpu.memref_slice %arg4[%mul3A_2] : memref<25600xi32, #tpu.memory_space<hbm>> -> memref<800xi32, #tpu.memory_space<hbm>>
      %dma_start3A_204 = tpu.memref_slice %arg4[%mul3A_2] : memref<25600xi32, #tpu.memory_space<hbm>> -> memref<800xi32, #tpu.memory_space<hbm>>
      tpu.enqueue_dma source(%dma_start3A_204 : memref<800xi32, #tpu.memory_space<hbm>>) target(%arg8 : memref<800xi32, #tpu.memory_space<vmem>>) target_semaphore(%run_scoped3A : memref<!tpu.dma_semaphore, #tpu.memory_space<semaphore_mem>>)
      %dma_wait3A_205 = tpu.memref_slice %arg4[%mul3A_2] : memref<25600xi32, #tpu.memory_space<hbm>> -> memref<800xi32, #tpu.memory_space<hbm>>
      %dma_wait3A_206 = tpu.memref_slice %arg4[%mul3A_2] : memref<25600xi32, #tpu.memory_space<hbm>> -> memref<800xi32, #tpu.memory_space<hbm>>
      tpu.wait_dma2 semaphore(%run_scoped3A : memref<!tpu.dma_semaphore, #tpu.memory_space<semaphore_mem>>) src(%dma_wait3A_206 : memref<800xi32, #tpu.memory_space<hbm>>) dst(%arg8 : memref<800xi32, #tpu.memory_space<vmem>>)
      tpu.yield
    }) : () -> ()
    "tpu.region"() ({
      %run_scoped3A = tpu.sem_alloc : memref<!tpu.dma_semaphore, #tpu.memory_space<semaphore_mem>>
      %dma_start3A_203 = tpu.memref_slice %arg5[%mul3A_2] : memref<25600xi32, #tpu.memory_space<hbm>> -> memref<800xi32, #tpu.memory_space<hbm>>
      %dma_start3A_204 = tpu.memref_slice %arg5[%mul3A_2] : memref<25600xi32, #tpu.memory_space<hbm>> -> memref<800xi32, #tpu.memory_space<hbm>>
      tpu.enqueue_dma source(%dma_start3A_204 : memref<800xi32, #tpu.memory_space<hbm>>) target(%arg9 : memref<800xi32, #tpu.memory_space<vmem>>) target_semaphore(%run_scoped3A : memref<!tpu.dma_semaphore, #tpu.memory_space<semaphore_mem>>)
      %dma_wait3A_205 = tpu.memref_slice %arg5[%mul3A_2] : memref<25600xi32, #tpu.memory_space<hbm>> -> memref<800xi32, #tpu.memory_space<hbm>>
      %dma_wait3A_206 = tpu.memref_slice %arg5[%mul3A_2] : memref<25600xi32, #tpu.memory_space<hbm>> -> memref<800xi32, #tpu.memory_space<hbm>>
      tpu.wait_dma2 semaphore(%run_scoped3A : memref<!tpu.dma_semaphore, #tpu.memory_space<semaphore_mem>>) src(%dma_wait3A_206 : memref<800xi32, #tpu.memory_space<hbm>>) dst(%arg9 : memref<800xi32, #tpu.memory_space<vmem>>)
      tpu.yield
    }) : () -> ()
    %dma_start3A = arith.constant 0 : i32
    %dma_start3A_5 = tpu.memref_slice %arg8[%dma_start3A] : memref<800xi32, #tpu.memory_space<vmem>> -> memref<160xi32, #tpu.memory_space<vmem>>
    %dma_start3A_6 = arith.constant 0 : i32
    %dma_start3A_7 = arith.constant 0 : i32
    %dma_start3A_8 = tpu.memref_slice %arg2[%dma_start3A_6, %dma_start3A_7] : memref<1000001x128xf32, #tpu.memory_space<hbm>> -> memref<1000001x128xf32, #tpu.memory_space<hbm>>
    tpu.enqueue_indirect_dma source(%dma_start3A_8 : memref<1000001x128xf32, #tpu.memory_space<hbm>>) target(%arg11 : memref<160x128xf32, #tpu.memory_space<vmem>>) offsets(%dma_start3A_5 : memref<160xi32, #tpu.memory_space<vmem>>) semaphore(%arg15 : memref<!tpu.dma_semaphore, #tpu.memory_space<semaphore_mem>>)
    %dma_start3A_9 = arith.constant 0 : i32
    %dma_start3A_10 = tpu.memref_slice %arg9[%dma_start3A_9] : memref<800xi32, #tpu.memory_space<vmem>> -> memref<160xi32, #tpu.memory_space<vmem>>
    %dma_start3A_11 = arith.constant 0 : i32
    %dma_start3A_12 = arith.constant 0 : i32
    %dma_start3A_13 = tpu.memref_slice %arg10[%dma_start3A_11, %dma_start3A_12] : memref<1001x128xf32, #tpu.memory_space<vmem_shared>> -> memref<1001x128xf32, #tpu.memory_space<vmem_shared>>
    tpu.enqueue_indirect_dma source(%dma_start3A_13 : memref<1001x128xf32, #tpu.memory_space<vmem_shared>>) target(%arg13 : memref<160x128xf32, #tpu.memory_space<vmem>>) offsets(%dma_start3A_10 : memref<160xi32, #tpu.memory_space<vmem>>) semaphore(%arg17 : memref<!tpu.dma_semaphore, #tpu.memory_space<semaphore_mem>>)
    %dma_start3A_14 = arith.constant 160 : i32
    %dma_start3A_15 = tpu.memref_slice %arg8[%dma_start3A_14] : memref<800xi32, #tpu.memory_space<vmem>> -> memref<160xi32, #tpu.memory_space<vmem>>
    %dma_start3A_16 = arith.constant 0 : i32
    %dma_start3A_17 = arith.constant 0 : i32
    %dma_start3A_18 = tpu.memref_slice %arg2[%dma_start3A_16, %dma_start3A_17] : memref<1000001x128xf32, #tpu.memory_space<hbm>> -> memref<1000001x128xf32, #tpu.memory_space<hbm>>
    tpu.enqueue_indirect_dma source(%dma_start3A_18 : memref<1000001x128xf32, #tpu.memory_space<hbm>>) target(%arg12 : memref<160x128xf32, #tpu.memory_space<vmem>>) offsets(%dma_start3A_15 : memref<160xi32, #tpu.memory_space<vmem>>) semaphore(%arg16 : memref<!tpu.dma_semaphore, #tpu.memory_space<semaphore_mem>>)
    %dma_start3A_19 = arith.constant 160 : i32
    %dma_start3A_20 = tpu.memref_slice %arg9[%dma_start3A_19] : memref<800xi32, #tpu.memory_space<vmem>> -> memref<160xi32, #tpu.memory_space<vmem>>
    %dma_start3A_21 = arith.constant 0 : i32
    %dma_start3A_22 = arith.constant 0 : i32
    %dma_start3A_23 = tpu.memref_slice %arg10[%dma_start3A_21, %dma_start3A_22] : memref<1001x128xf32, #tpu.memory_space<vmem_shared>> -> memref<1001x128xf32, #tpu.memory_space<vmem_shared>>
    tpu.enqueue_indirect_dma source(%dma_start3A_23 : memref<1001x128xf32, #tpu.memory_space<vmem_shared>>) target(%arg14 : memref<160x128xf32, #tpu.memory_space<vmem>>) offsets(%dma_start3A_20 : memref<160xi32, #tpu.memory_space<vmem>>) semaphore(%arg18 : memref<!tpu.dma_semaphore, #tpu.memory_space<semaphore_mem>>)
    %dma_wait3A = arith.constant 0 : i32
    %dma_wait3A_24 = tpu.memref_slice %arg8[%dma_wait3A] : memref<800xi32, #tpu.memory_space<vmem>> -> memref<160xi32, #tpu.memory_space<vmem>>
    %dma_wait3A_25 = arith.constant 0 : i32
    %dma_wait3A_26 = arith.constant 0 : i32
    %dma_wait3A_27 = tpu.memref_slice %arg2[%dma_wait3A_25, %dma_wait3A_26] : memref<1000001x128xf32, #tpu.memory_space<hbm>> -> memref<1000001x128xf32, #tpu.memory_space<hbm>>
    tpu.wait_indirect_dma semaphore(%arg15 : memref<!tpu.dma_semaphore, #tpu.memory_space<semaphore_mem>>) src(%dma_wait3A_27 : memref<1000001x128xf32, #tpu.memory_space<hbm>>) dst(%arg11 : memref<160x128xf32, #tpu.memory_space<vmem>>)
    %add3A_28 = arith.constant 0 : i32
    %add3A_29 = arith.addi %mul3A_2, %add3A_28 : i32
    %dma_start3A_30 = arith.constant 0 : i32
    %dma_start3A_31 = tpu.memref_slice %arg6[%add3A_29, %dma_start3A_30] : memref<25600x128xf32, #tpu.memory_space<hbm>> -> memref<160x128xf32, #tpu.memory_space<hbm>>
    %dma_start3A_32 = arith.constant 0 : i32
    %dma_start3A_33 = tpu.memref_slice %arg6[%add3A_29, %dma_start3A_32] : memref<25600x128xf32, #tpu.memory_space<hbm>> -> memref<160x128xf32, #tpu.memory_space<hbm>>
    tpu.enqueue_dma source(%arg11 : memref<160x128xf32, #tpu.memory_space<vmem>>) target(%dma_start3A_33 : memref<160x128xf32, #tpu.memory_space<hbm>>) target_semaphore(%arg19 : memref<!tpu.dma_semaphore, #tpu.memory_space<semaphore_mem>>)
    %dma_wait3A_34 = arith.constant 0 : i32
    %dma_wait3A_35 = tpu.memref_slice %arg9[%dma_wait3A_34] : memref<800xi32, #tpu.memory_space<vmem>> -> memref<160xi32, #tpu.memory_space<vmem>>
    %dma_wait3A_36 = arith.constant 0 : i32
    %dma_wait3A_37 = arith.constant 0 : i32
    %dma_wait3A_38 = tpu.memref_slice %arg10[%dma_wait3A_36, %dma_wait3A_37] : memref<1001x128xf32, #tpu.memory_space<vmem_shared>> -> memref<1001x128xf32, #tpu.memory_space<vmem_shared>>
    tpu.wait_indirect_dma semaphore(%arg17 : memref<!tpu.dma_semaphore, #tpu.memory_space<semaphore_mem>>) src(%dma_wait3A_38 : memref<1001x128xf32, #tpu.memory_space<vmem_shared>>) dst(%arg13 : memref<160x128xf32, #tpu.memory_space<vmem>>)
    %add3A_39 = arith.constant 0 : i32
    %add3A_40 = arith.addi %mul3A_2, %add3A_39 : i32
    %dma_start3A_41 = arith.constant 0 : i32
    %dma_start3A_42 = tpu.memref_slice %arg7[%add3A_40, %dma_start3A_41] : memref<25600x128xf32, #tpu.memory_space<hbm>> -> memref<160x128xf32, #tpu.memory_space<hbm>>
    %dma_start3A_43 = arith.constant 0 : i32
    %dma_start3A_44 = tpu.memref_slice %arg7[%add3A_40, %dma_start3A_43] : memref<25600x128xf32, #tpu.memory_space<hbm>> -> memref<160x128xf32, #tpu.memory_space<hbm>>
    tpu.enqueue_dma source(%arg13 : memref<160x128xf32, #tpu.memory_space<vmem>>) target(%dma_start3A_44 : memref<160x128xf32, #tpu.memory_space<hbm>>) target_semaphore(%arg21 : memref<!tpu.dma_semaphore, #tpu.memory_space<semaphore_mem>>)
    %dma_wait3A_45 = arith.constant 0 : i32
    %dma_wait3A_46 = tpu.memref_slice %arg6[%add3A_29, %dma_wait3A_45] : memref<25600x128xf32, #tpu.memory_space<hbm>> -> memref<160x128xf32, #tpu.memory_space<hbm>>
    %dma_wait3A_47 = arith.constant 0 : i32
    %dma_wait3A_48 = tpu.memref_slice %arg6[%add3A_29, %dma_wait3A_47] : memref<25600x128xf32, #tpu.memory_space<hbm>> -> memref<160x128xf32, #tpu.memory_space<hbm>>
    tpu.wait_dma2 semaphore(%arg19 : memref<!tpu.dma_semaphore, #tpu.memory_space<semaphore_mem>>) src(%arg11 : memref<160x128xf32, #tpu.memory_space<vmem>>) dst(%dma_wait3A_48 : memref<160x128xf32, #tpu.memory_space<hbm>>)
    %dma_wait3A_49 = arith.constant 0 : i32
    %dma_wait3A_50 = tpu.memref_slice %arg7[%add3A_40, %dma_wait3A_49] : memref<25600x128xf32, #tpu.memory_space<hbm>> -> memref<160x128xf32, #tpu.memory_space<hbm>>
    %dma_wait3A_51 = arith.constant 0 : i32
    %dma_wait3A_52 = tpu.memref_slice %arg7[%add3A_40, %dma_wait3A_51] : memref<25600x128xf32, #tpu.memory_space<hbm>> -> memref<160x128xf32, #tpu.memory_space<hbm>>
    tpu.wait_dma2 semaphore(%arg21 : memref<!tpu.dma_semaphore, #tpu.memory_space<semaphore_mem>>) src(%arg13 : memref<160x128xf32, #tpu.memory_space<vmem>>) dst(%dma_wait3A_52 : memref<160x128xf32, #tpu.memory_space<hbm>>)
    %dma_start3A_53 = arith.constant 320 : i32
    %dma_start3A_54 = tpu.memref_slice %arg8[%dma_start3A_53] : memref<800xi32, #tpu.memory_space<vmem>> -> memref<160xi32, #tpu.memory_space<vmem>>
    %dma_start3A_55 = arith.constant 0 : i32
    %dma_start3A_56 = arith.constant 0 : i32
    %dma_start3A_57 = tpu.memref_slice %arg2[%dma_start3A_55, %dma_start3A_56] : memref<1000001x128xf32, #tpu.memory_space<hbm>> -> memref<1000001x128xf32, #tpu.memory_space<hbm>>
    tpu.enqueue_indirect_dma source(%dma_start3A_57 : memref<1000001x128xf32, #tpu.memory_space<hbm>>) target(%arg11 : memref<160x128xf32, #tpu.memory_space<vmem>>) offsets(%dma_start3A_54 : memref<160xi32, #tpu.memory_space<vmem>>) semaphore(%arg15 : memref<!tpu.dma_semaphore, #tpu.memory_space<semaphore_mem>>)
    %dma_start3A_58 = arith.constant 320 : i32
    %dma_start3A_59 = tpu.memref_slice %arg9[%dma_start3A_58] : memref<800xi32, #tpu.memory_space<vmem>> -> memref<160xi32, #tpu.memory_space<vmem>>
    %dma_start3A_60 = arith.constant 0 : i32
    %dma_start3A_61 = arith.constant 0 : i32
    %dma_start3A_62 = tpu.memref_slice %arg10[%dma_start3A_60, %dma_start3A_61] : memref<1001x128xf32, #tpu.memory_space<vmem_shared>> -> memref<1001x128xf32, #tpu.memory_space<vmem_shared>>
    tpu.enqueue_indirect_dma source(%dma_start3A_62 : memref<1001x128xf32, #tpu.memory_space<vmem_shared>>) target(%arg13 : memref<160x128xf32, #tpu.memory_space<vmem>>) offsets(%dma_start3A_59 : memref<160xi32, #tpu.memory_space<vmem>>) semaphore(%arg17 : memref<!tpu.dma_semaphore, #tpu.memory_space<semaphore_mem>>)
    %dma_wait3A_63 = arith.constant 160 : i32
    %dma_wait3A_64 = tpu.memref_slice %arg8[%dma_wait3A_63] : memref<800xi32, #tpu.memory_space<vmem>> -> memref<160xi32, #tpu.memory_space<vmem>>
    %dma_wait3A_65 = arith.constant 0 : i32
    %dma_wait3A_66 = arith.constant 0 : i32
    %dma_wait3A_67 = tpu.memref_slice %arg2[%dma_wait3A_65, %dma_wait3A_66] : memref<1000001x128xf32, #tpu.memory_space<hbm>> -> memref<1000001x128xf32, #tpu.memory_space<hbm>>
    tpu.wait_indirect_dma semaphore(%arg16 : memref<!tpu.dma_semaphore, #tpu.memory_space<semaphore_mem>>) src(%dma_wait3A_67 : memref<1000001x128xf32, #tpu.memory_space<hbm>>) dst(%arg12 : memref<160x128xf32, #tpu.memory_space<vmem>>)
    %add3A_68 = arith.constant 160 : i32
    %add3A_69 = arith.addi %mul3A_2, %add3A_68 : i32
    %dma_start3A_70 = arith.constant 0 : i32
    %dma_start3A_71 = tpu.memref_slice %arg6[%add3A_69, %dma_start3A_70] : memref<25600x128xf32, #tpu.memory_space<hbm>> -> memref<160x128xf32, #tpu.memory_space<hbm>>
    %dma_start3A_72 = arith.constant 0 : i32
    %dma_start3A_73 = tpu.memref_slice %arg6[%add3A_69, %dma_start3A_72] : memref<25600x128xf32, #tpu.memory_space<hbm>> -> memref<160x128xf32, #tpu.memory_space<hbm>>
    tpu.enqueue_dma source(%arg12 : memref<160x128xf32, #tpu.memory_space<vmem>>) target(%dma_start3A_73 : memref<160x128xf32, #tpu.memory_space<hbm>>) target_semaphore(%arg20 : memref<!tpu.dma_semaphore, #tpu.memory_space<semaphore_mem>>)
    %dma_wait3A_74 = arith.constant 160 : i32
    %dma_wait3A_75 = tpu.memref_slice %arg9[%dma_wait3A_74] : memref<800xi32, #tpu.memory_space<vmem>> -> memref<160xi32, #tpu.memory_space<vmem>>
    %dma_wait3A_76 = arith.constant 0 : i32
    %dma_wait3A_77 = arith.constant 0 : i32
    %dma_wait3A_78 = tpu.memref_slice %arg10[%dma_wait3A_76, %dma_wait3A_77] : memref<1001x128xf32, #tpu.memory_space<vmem_shared>> -> memref<1001x128xf32, #tpu.memory_space<vmem_shared>>
    tpu.wait_indirect_dma semaphore(%arg18 : memref<!tpu.dma_semaphore, #tpu.memory_space<semaphore_mem>>) src(%dma_wait3A_78 : memref<1001x128xf32, #tpu.memory_space<vmem_shared>>) dst(%arg14 : memref<160x128xf32, #tpu.memory_space<vmem>>)
    %add3A_79 = arith.constant 160 : i32
    %add3A_80 = arith.addi %mul3A_2, %add3A_79 : i32
    %dma_start3A_81 = arith.constant 0 : i32
    %dma_start3A_82 = tpu.memref_slice %arg7[%add3A_80, %dma_start3A_81] : memref<25600x128xf32, #tpu.memory_space<hbm>> -> memref<160x128xf32, #tpu.memory_space<hbm>>
    %dma_start3A_83 = arith.constant 0 : i32
    %dma_start3A_84 = tpu.memref_slice %arg7[%add3A_80, %dma_start3A_83] : memref<25600x128xf32, #tpu.memory_space<hbm>> -> memref<160x128xf32, #tpu.memory_space<hbm>>
    tpu.enqueue_dma source(%arg14 : memref<160x128xf32, #tpu.memory_space<vmem>>) target(%dma_start3A_84 : memref<160x128xf32, #tpu.memory_space<hbm>>) target_semaphore(%arg22 : memref<!tpu.dma_semaphore, #tpu.memory_space<semaphore_mem>>)
    %dma_wait3A_85 = arith.constant 0 : i32
    %dma_wait3A_86 = tpu.memref_slice %arg6[%add3A_69, %dma_wait3A_85] : memref<25600x128xf32, #tpu.memory_space<hbm>> -> memref<160x128xf32, #tpu.memory_space<hbm>>
    %dma_wait3A_87 = arith.constant 0 : i32
    %dma_wait3A_88 = tpu.memref_slice %arg6[%add3A_69, %dma_wait3A_87] : memref<25600x128xf32, #tpu.memory_space<hbm>> -> memref<160x128xf32, #tpu.memory_space<hbm>>
    tpu.wait_dma2 semaphore(%arg20 : memref<!tpu.dma_semaphore, #tpu.memory_space<semaphore_mem>>) src(%arg12 : memref<160x128xf32, #tpu.memory_space<vmem>>) dst(%dma_wait3A_88 : memref<160x128xf32, #tpu.memory_space<hbm>>)
    %dma_wait3A_89 = arith.constant 0 : i32
    %dma_wait3A_90 = tpu.memref_slice %arg7[%add3A_80, %dma_wait3A_89] : memref<25600x128xf32, #tpu.memory_space<hbm>> -> memref<160x128xf32, #tpu.memory_space<hbm>>
    %dma_wait3A_91 = arith.constant 0 : i32
    %dma_wait3A_92 = tpu.memref_slice %arg7[%add3A_80, %dma_wait3A_91] : memref<25600x128xf32, #tpu.memory_space<hbm>> -> memref<160x128xf32, #tpu.memory_space<hbm>>
    tpu.wait_dma2 semaphore(%arg22 : memref<!tpu.dma_semaphore, #tpu.memory_space<semaphore_mem>>) src(%arg14 : memref<160x128xf32, #tpu.memory_space<vmem>>) dst(%dma_wait3A_92 : memref<160x128xf32, #tpu.memory_space<hbm>>)
    %dma_start3A_93 = arith.constant 480 : i32
    %dma_start3A_94 = tpu.memref_slice %arg8[%dma_start3A_93] : memref<800xi32, #tpu.memory_space<vmem>> -> memref<160xi32, #tpu.memory_space<vmem>>
    %dma_start3A_95 = arith.constant 0 : i32
    %dma_start3A_96 = arith.constant 0 : i32
    %dma_start3A_97 = tpu.memref_slice %arg2[%dma_start3A_95, %dma_start3A_96] : memref<1000001x128xf32, #tpu.memory_space<hbm>> -> memref<1000001x128xf32, #tpu.memory_space<hbm>>
    tpu.enqueue_indirect_dma source(%dma_start3A_97 : memref<1000001x128xf32, #tpu.memory_space<hbm>>) target(%arg12 : memref<160x128xf32, #tpu.memory_space<vmem>>) offsets(%dma_start3A_94 : memref<160xi32, #tpu.memory_space<vmem>>) semaphore(%arg16 : memref<!tpu.dma_semaphore, #tpu.memory_space<semaphore_mem>>)
    %dma_start3A_98 = arith.constant 480 : i32
    %dma_start3A_99 = tpu.memref_slice %arg9[%dma_start3A_98] : memref<800xi32, #tpu.memory_space<vmem>> -> memref<160xi32, #tpu.memory_space<vmem>>
    %dma_start3A_100 = arith.constant 0 : i32
    %dma_start3A_101 = arith.constant 0 : i32
    %dma_start3A_102 = tpu.memref_slice %arg10[%dma_start3A_100, %dma_start3A_101] : memref<1001x128xf32, #tpu.memory_space<vmem_shared>> -> memref<1001x128xf32, #tpu.memory_space<vmem_shared>>
    tpu.enqueue_indirect_dma source(%dma_start3A_102 : memref<1001x128xf32, #tpu.memory_space<vmem_shared>>) target(%arg14 : memref<160x128xf32, #tpu.memory_space<vmem>>) offsets(%dma_start3A_99 : memref<160xi32, #tpu.memory_space<vmem>>) semaphore(%arg18 : memref<!tpu.dma_semaphore, #tpu.memory_space<semaphore_mem>>)
    %dma_wait3A_103 = arith.constant 320 : i32
    %dma_wait3A_104 = tpu.memref_slice %arg8[%dma_wait3A_103] : memref<800xi32, #tpu.memory_space<vmem>> -> memref<160xi32, #tpu.memory_space<vmem>>
    %dma_wait3A_105 = arith.constant 0 : i32
    %dma_wait3A_106 = arith.constant 0 : i32
    %dma_wait3A_107 = tpu.memref_slice %arg2[%dma_wait3A_105, %dma_wait3A_106] : memref<1000001x128xf32, #tpu.memory_space<hbm>> -> memref<1000001x128xf32, #tpu.memory_space<hbm>>
    tpu.wait_indirect_dma semaphore(%arg15 : memref<!tpu.dma_semaphore, #tpu.memory_space<semaphore_mem>>) src(%dma_wait3A_107 : memref<1000001x128xf32, #tpu.memory_space<hbm>>) dst(%arg11 : memref<160x128xf32, #tpu.memory_space<vmem>>)
    %add3A_108 = arith.constant 320 : i32
    %add3A_109 = arith.addi %mul3A_2, %add3A_108 : i32
    %dma_start3A_110 = arith.constant 0 : i32
    %dma_start3A_111 = tpu.memref_slice %arg6[%add3A_109, %dma_start3A_110] : memref<25600x128xf32, #tpu.memory_space<hbm>> -> memref<160x128xf32, #tpu.memory_space<hbm>>
    %dma_start3A_112 = arith.constant 0 : i32
    %dma_start3A_113 = tpu.memref_slice %arg6[%add3A_109, %dma_start3A_112] : memref<25600x128xf32, #tpu.memory_space<hbm>> -> memref<160x128xf32, #tpu.memory_space<hbm>>
    tpu.enqueue_dma source(%arg11 : memref<160x128xf32, #tpu.memory_space<vmem>>) target(%dma_start3A_113 : memref<160x128xf32, #tpu.memory_space<hbm>>) target_semaphore(%arg19 : memref<!tpu.dma_semaphore, #tpu.memory_space<semaphore_mem>>)
    %dma_wait3A_114 = arith.constant 320 : i32
    %dma_wait3A_115 = tpu.memref_slice %arg9[%dma_wait3A_114] : memref<800xi32, #tpu.memory_space<vmem>> -> memref<160xi32, #tpu.memory_space<vmem>>
    %dma_wait3A_116 = arith.constant 0 : i32
    %dma_wait3A_117 = arith.constant 0 : i32
    %dma_wait3A_118 = tpu.memref_slice %arg10[%dma_wait3A_116, %dma_wait3A_117] : memref<1001x128xf32, #tpu.memory_space<vmem_shared>> -> memref<1001x128xf32, #tpu.memory_space<vmem_shared>>
    tpu.wait_indirect_dma semaphore(%arg17 : memref<!tpu.dma_semaphore, #tpu.memory_space<semaphore_mem>>) src(%dma_wait3A_118 : memref<1001x128xf32, #tpu.memory_space<vmem_shared>>) dst(%arg13 : memref<160x128xf32, #tpu.memory_space<vmem>>)
    %add3A_119 = arith.constant 320 : i32
    %add3A_120 = arith.addi %mul3A_2, %add3A_119 : i32
    %dma_start3A_121 = arith.constant 0 : i32
    %dma_start3A_122 = tpu.memref_slice %arg7[%add3A_120, %dma_start3A_121] : memref<25600x128xf32, #tpu.memory_space<hbm>> -> memref<160x128xf32, #tpu.memory_space<hbm>>
    %dma_start3A_123 = arith.constant 0 : i32
    %dma_start3A_124 = tpu.memref_slice %arg7[%add3A_120, %dma_start3A_123] : memref<25600x128xf32, #tpu.memory_space<hbm>> -> memref<160x128xf32, #tpu.memory_space<hbm>>
    tpu.enqueue_dma source(%arg13 : memref<160x128xf32, #tpu.memory_space<vmem>>) target(%dma_start3A_124 : memref<160x128xf32, #tpu.memory_space<hbm>>) target_semaphore(%arg21 : memref<!tpu.dma_semaphore, #tpu.memory_space<semaphore_mem>>)
    %dma_wait3A_125 = arith.constant 0 : i32
    %dma_wait3A_126 = tpu.memref_slice %arg6[%add3A_109, %dma_wait3A_125] : memref<25600x128xf32, #tpu.memory_space<hbm>> -> memref<160x128xf32, #tpu.memory_space<hbm>>
    %dma_wait3A_127 = arith.constant 0 : i32
    %dma_wait3A_128 = tpu.memref_slice %arg6[%add3A_109, %dma_wait3A_127] : memref<25600x128xf32, #tpu.memory_space<hbm>> -> memref<160x128xf32, #tpu.memory_space<hbm>>
    tpu.wait_dma2 semaphore(%arg19 : memref<!tpu.dma_semaphore, #tpu.memory_space<semaphore_mem>>) src(%arg11 : memref<160x128xf32, #tpu.memory_space<vmem>>) dst(%dma_wait3A_128 : memref<160x128xf32, #tpu.memory_space<hbm>>)
    %dma_wait3A_129 = arith.constant 0 : i32
    %dma_wait3A_130 = tpu.memref_slice %arg7[%add3A_120, %dma_wait3A_129] : memref<25600x128xf32, #tpu.memory_space<hbm>> -> memref<160x128xf32, #tpu.memory_space<hbm>>
    %dma_wait3A_131 = arith.constant 0 : i32
    %dma_wait3A_132 = tpu.memref_slice %arg7[%add3A_120, %dma_wait3A_131] : memref<25600x128xf32, #tpu.memory_space<hbm>> -> memref<160x128xf32, #tpu.memory_space<hbm>>
    tpu.wait_dma2 semaphore(%arg21 : memref<!tpu.dma_semaphore, #tpu.memory_space<semaphore_mem>>) src(%arg13 : memref<160x128xf32, #tpu.memory_space<vmem>>) dst(%dma_wait3A_132 : memref<160x128xf32, #tpu.memory_space<hbm>>)
    %dma_start3A_133 = arith.constant 640 : i32
    %dma_start3A_134 = tpu.memref_slice %arg8[%dma_start3A_133] : memref<800xi32, #tpu.memory_space<vmem>> -> memref<160xi32, #tpu.memory_space<vmem>>
    %dma_start3A_135 = arith.constant 0 : i32
    %dma_start3A_136 = arith.constant 0 : i32
    %dma_start3A_137 = tpu.memref_slice %arg2[%dma_start3A_135, %dma_start3A_136] : memref<1000001x128xf32, #tpu.memory_space<hbm>> -> memref<1000001x128xf32, #tpu.memory_space<hbm>>
    tpu.enqueue_indirect_dma source(%dma_start3A_137 : memref<1000001x128xf32, #tpu.memory_space<hbm>>) target(%arg11 : memref<160x128xf32, #tpu.memory_space<vmem>>) offsets(%dma_start3A_134 : memref<160xi32, #tpu.memory_space<vmem>>) semaphore(%arg15 : memref<!tpu.dma_semaphore, #tpu.memory_space<semaphore_mem>>)
    %dma_start3A_138 = arith.constant 640 : i32
    %dma_start3A_139 = tpu.memref_slice %arg9[%dma_start3A_138] : memref<800xi32, #tpu.memory_space<vmem>> -> memref<160xi32, #tpu.memory_space<vmem>>
    %dma_start3A_140 = arith.constant 0 : i32
    %dma_start3A_141 = arith.constant 0 : i32
    %dma_start3A_142 = tpu.memref_slice %arg10[%dma_start3A_140, %dma_start3A_141] : memref<1001x128xf32, #tpu.memory_space<vmem_shared>> -> memref<1001x128xf32, #tpu.memory_space<vmem_shared>>
    tpu.enqueue_indirect_dma source(%dma_start3A_142 : memref<1001x128xf32, #tpu.memory_space<vmem_shared>>) target(%arg13 : memref<160x128xf32, #tpu.memory_space<vmem>>) offsets(%dma_start3A_139 : memref<160xi32, #tpu.memory_space<vmem>>) semaphore(%arg17 : memref<!tpu.dma_semaphore, #tpu.memory_space<semaphore_mem>>)
    %dma_wait3A_143 = arith.constant 480 : i32
    %dma_wait3A_144 = tpu.memref_slice %arg8[%dma_wait3A_143] : memref<800xi32, #tpu.memory_space<vmem>> -> memref<160xi32, #tpu.memory_space<vmem>>
    %dma_wait3A_145 = arith.constant 0 : i32
    %dma_wait3A_146 = arith.constant 0 : i32
    %dma_wait3A_147 = tpu.memref_slice %arg2[%dma_wait3A_145, %dma_wait3A_146] : memref<1000001x128xf32, #tpu.memory_space<hbm>> -> memref<1000001x128xf32, #tpu.memory_space<hbm>>
    tpu.wait_indirect_dma semaphore(%arg16 : memref<!tpu.dma_semaphore, #tpu.memory_space<semaphore_mem>>) src(%dma_wait3A_147 : memref<1000001x128xf32, #tpu.memory_space<hbm>>) dst(%arg12 : memref<160x128xf32, #tpu.memory_space<vmem>>)
    %add3A_148 = arith.constant 480 : i32
    %add3A_149 = arith.addi %mul3A_2, %add3A_148 : i32
    %dma_start3A_150 = arith.constant 0 : i32
    %dma_start3A_151 = tpu.memref_slice %arg6[%add3A_149, %dma_start3A_150] : memref<25600x128xf32, #tpu.memory_space<hbm>> -> memref<160x128xf32, #tpu.memory_space<hbm>>
    %dma_start3A_152 = arith.constant 0 : i32
    %dma_start3A_153 = tpu.memref_slice %arg6[%add3A_149, %dma_start3A_152] : memref<25600x128xf32, #tpu.memory_space<hbm>> -> memref<160x128xf32, #tpu.memory_space<hbm>>
    tpu.enqueue_dma source(%arg12 : memref<160x128xf32, #tpu.memory_space<vmem>>) target(%dma_start3A_153 : memref<160x128xf32, #tpu.memory_space<hbm>>) target_semaphore(%arg20 : memref<!tpu.dma_semaphore, #tpu.memory_space<semaphore_mem>>)
    %dma_wait3A_154 = arith.constant 480 : i32
    %dma_wait3A_155 = tpu.memref_slice %arg9[%dma_wait3A_154] : memref<800xi32, #tpu.memory_space<vmem>> -> memref<160xi32, #tpu.memory_space<vmem>>
    %dma_wait3A_156 = arith.constant 0 : i32
    %dma_wait3A_157 = arith.constant 0 : i32
    %dma_wait3A_158 = tpu.memref_slice %arg10[%dma_wait3A_156, %dma_wait3A_157] : memref<1001x128xf32, #tpu.memory_space<vmem_shared>> -> memref<1001x128xf32, #tpu.memory_space<vmem_shared>>
    tpu.wait_indirect_dma semaphore(%arg18 : memref<!tpu.dma_semaphore, #tpu.memory_space<semaphore_mem>>) src(%dma_wait3A_158 : memref<1001x128xf32, #tpu.memory_space<vmem_shared>>) dst(%arg14 : memref<160x128xf32, #tpu.memory_space<vmem>>)
    %add3A_159 = arith.constant 480 : i32
    %add3A_160 = arith.addi %mul3A_2, %add3A_159 : i32
    %dma_start3A_161 = arith.constant 0 : i32
    %dma_start3A_162 = tpu.memref_slice %arg7[%add3A_160, %dma_start3A_161] : memref<25600x128xf32, #tpu.memory_space<hbm>> -> memref<160x128xf32, #tpu.memory_space<hbm>>
    %dma_start3A_163 = arith.constant 0 : i32
    %dma_start3A_164 = tpu.memref_slice %arg7[%add3A_160, %dma_start3A_163] : memref<25600x128xf32, #tpu.memory_space<hbm>> -> memref<160x128xf32, #tpu.memory_space<hbm>>
    tpu.enqueue_dma source(%arg14 : memref<160x128xf32, #tpu.memory_space<vmem>>) target(%dma_start3A_164 : memref<160x128xf32, #tpu.memory_space<hbm>>) target_semaphore(%arg22 : memref<!tpu.dma_semaphore, #tpu.memory_space<semaphore_mem>>)
    %dma_wait3A_165 = arith.constant 0 : i32
    %dma_wait3A_166 = tpu.memref_slice %arg6[%add3A_149, %dma_wait3A_165] : memref<25600x128xf32, #tpu.memory_space<hbm>> -> memref<160x128xf32, #tpu.memory_space<hbm>>
    %dma_wait3A_167 = arith.constant 0 : i32
    %dma_wait3A_168 = tpu.memref_slice %arg6[%add3A_149, %dma_wait3A_167] : memref<25600x128xf32, #tpu.memory_space<hbm>> -> memref<160x128xf32, #tpu.memory_space<hbm>>
    tpu.wait_dma2 semaphore(%arg20 : memref<!tpu.dma_semaphore, #tpu.memory_space<semaphore_mem>>) src(%arg12 : memref<160x128xf32, #tpu.memory_space<vmem>>) dst(%dma_wait3A_168 : memref<160x128xf32, #tpu.memory_space<hbm>>)
    %dma_wait3A_169 = arith.constant 0 : i32
    %dma_wait3A_170 = tpu.memref_slice %arg7[%add3A_160, %dma_wait3A_169] : memref<25600x128xf32, #tpu.memory_space<hbm>> -> memref<160x128xf32, #tpu.memory_space<hbm>>
    %dma_wait3A_171 = arith.constant 0 : i32
    %dma_wait3A_172 = tpu.memref_slice %arg7[%add3A_160, %dma_wait3A_171] : memref<25600x128xf32, #tpu.memory_space<hbm>> -> memref<160x128xf32, #tpu.memory_space<hbm>>
    tpu.wait_dma2 semaphore(%arg22 : memref<!tpu.dma_semaphore, #tpu.memory_space<semaphore_mem>>) src(%arg14 : memref<160x128xf32, #tpu.memory_space<vmem>>) dst(%dma_wait3A_172 : memref<160x128xf32, #tpu.memory_space<hbm>>)
    %dma_wait3A_173 = arith.constant 640 : i32
    %dma_wait3A_174 = tpu.memref_slice %arg8[%dma_wait3A_173] : memref<800xi32, #tpu.memory_space<vmem>> -> memref<160xi32, #tpu.memory_space<vmem>>
    %dma_wait3A_175 = arith.constant 0 : i32
    %dma_wait3A_176 = arith.constant 0 : i32
    %dma_wait3A_177 = tpu.memref_slice %arg2[%dma_wait3A_175, %dma_wait3A_176] : memref<1000001x128xf32, #tpu.memory_space<hbm>> -> memref<1000001x128xf32, #tpu.memory_space<hbm>>
    tpu.wait_indirect_dma semaphore(%arg15 : memref<!tpu.dma_semaphore, #tpu.memory_space<semaphore_mem>>) src(%dma_wait3A_177 : memref<1000001x128xf32, #tpu.memory_space<hbm>>) dst(%arg11 : memref<160x128xf32, #tpu.memory_space<vmem>>)
    %add3A_178 = arith.constant 640 : i32
    %add3A_179 = arith.addi %mul3A_2, %add3A_178 : i32
    %dma_start3A_180 = arith.constant 0 : i32
    %dma_start3A_181 = tpu.memref_slice %arg6[%add3A_179, %dma_start3A_180] : memref<25600x128xf32, #tpu.memory_space<hbm>> -> memref<160x128xf32, #tpu.memory_space<hbm>>
    %dma_start3A_182 = arith.constant 0 : i32
    %dma_start3A_183 = tpu.memref_slice %arg6[%add3A_179, %dma_start3A_182] : memref<25600x128xf32, #tpu.memory_space<hbm>> -> memref<160x128xf32, #tpu.memory_space<hbm>>
    tpu.enqueue_dma source(%arg11 : memref<160x128xf32, #tpu.memory_space<vmem>>) target(%dma_start3A_183 : memref<160x128xf32, #tpu.memory_space<hbm>>) target_semaphore(%arg19 : memref<!tpu.dma_semaphore, #tpu.memory_space<semaphore_mem>>)
    %dma_wait3A_184 = arith.constant 640 : i32
    %dma_wait3A_185 = tpu.memref_slice %arg9[%dma_wait3A_184] : memref<800xi32, #tpu.memory_space<vmem>> -> memref<160xi32, #tpu.memory_space<vmem>>
    %dma_wait3A_186 = arith.constant 0 : i32
    %dma_wait3A_187 = arith.constant 0 : i32
    %dma_wait3A_188 = tpu.memref_slice %arg10[%dma_wait3A_186, %dma_wait3A_187] : memref<1001x128xf32, #tpu.memory_space<vmem_shared>> -> memref<1001x128xf32, #tpu.memory_space<vmem_shared>>
    tpu.wait_indirect_dma semaphore(%arg17 : memref<!tpu.dma_semaphore, #tpu.memory_space<semaphore_mem>>) src(%dma_wait3A_188 : memref<1001x128xf32, #tpu.memory_space<vmem_shared>>) dst(%arg13 : memref<160x128xf32, #tpu.memory_space<vmem>>)
    %add3A_189 = arith.constant 640 : i32
    %add3A_190 = arith.addi %mul3A_2, %add3A_189 : i32
    %dma_start3A_191 = arith.constant 0 : i32
    %dma_start3A_192 = tpu.memref_slice %arg7[%add3A_190, %dma_start3A_191] : memref<25600x128xf32, #tpu.memory_space<hbm>> -> memref<160x128xf32, #tpu.memory_space<hbm>>
    %dma_start3A_193 = arith.constant 0 : i32
    %dma_start3A_194 = tpu.memref_slice %arg7[%add3A_190, %dma_start3A_193] : memref<25600x128xf32, #tpu.memory_space<hbm>> -> memref<160x128xf32, #tpu.memory_space<hbm>>
    tpu.enqueue_dma source(%arg13 : memref<160x128xf32, #tpu.memory_space<vmem>>) target(%dma_start3A_194 : memref<160x128xf32, #tpu.memory_space<hbm>>) target_semaphore(%arg21 : memref<!tpu.dma_semaphore, #tpu.memory_space<semaphore_mem>>)
    %dma_wait3A_195 = arith.constant 0 : i32
    %dma_wait3A_196 = tpu.memref_slice %arg6[%add3A_179, %dma_wait3A_195] : memref<25600x128xf32, #tpu.memory_space<hbm>> -> memref<160x128xf32, #tpu.memory_space<hbm>>
    %dma_wait3A_197 = arith.constant 0 : i32
    %dma_wait3A_198 = tpu.memref_slice %arg6[%add3A_179, %dma_wait3A_197] : memref<25600x128xf32, #tpu.memory_space<hbm>> -> memref<160x128xf32, #tpu.memory_space<hbm>>
    tpu.wait_dma2 semaphore(%arg19 : memref<!tpu.dma_semaphore, #tpu.memory_space<semaphore_mem>>) src(%arg11 : memref<160x128xf32, #tpu.memory_space<vmem>>) dst(%dma_wait3A_198 : memref<160x128xf32, #tpu.memory_space<hbm>>)
    %dma_wait3A_199 = arith.constant 0 : i32
    %dma_wait3A_200 = tpu.memref_slice %arg7[%add3A_190, %dma_wait3A_199] : memref<25600x128xf32, #tpu.memory_space<hbm>> -> memref<160x128xf32, #tpu.memory_space<hbm>>
    %dma_wait3A_201 = arith.constant 0 : i32
    %dma_wait3A_202 = tpu.memref_slice %arg7[%add3A_190, %dma_wait3A_201] : memref<25600x128xf32, #tpu.memory_space<hbm>> -> memref<160x128xf32, #tpu.memory_space<hbm>>
    tpu.wait_dma2 semaphore(%arg21 : memref<!tpu.dma_semaphore, #tpu.memory_space<semaphore_mem>>) src(%arg13 : memref<160x128xf32, #tpu.memory_space<vmem>>) dst(%dma_wait3A_202 : memref<160x128xf32, #tpu.memory_space<hbm>>)
    return
  }
}

#map = affine_map<(d0, d1) -> (0, 0)>
#map1 = affine_map<(d0, d1) -> (0)>
module attributes {stable_mosaic.version = 14 : i64} {
  func.func @body(%arg0: i32, %arg1: i32, %arg2: memref<1000001x128xf32, #tpu.memory_space<hbm>>, %arg3: memref<1001x128xf32, #tpu.memory_space<hbm>>, %arg4: memref<30720xi32, #tpu.memory_space<hbm>>, %arg5: memref<30720xi32, #tpu.memory_space<hbm>>, %arg6: memref<30720x128xf32, #tpu.memory_space<hbm>>, %arg7: memref<30720x128xf32, #tpu.memory_space<hbm>>, %arg8: memref<960xi32, #tpu.memory_space<vmem>>, %arg9: memref<960xi32, #tpu.memory_space<vmem>>, %arg10: memref<1001x128xf32, #tpu.memory_space<vmem_shared>>, %arg11: memref<160x128xf32, #tpu.memory_space<vmem>>, %arg12: memref<160x128xf32, #tpu.memory_space<vmem>>, %arg13: memref<160x128xf32, #tpu.memory_space<vmem>>, %arg14: memref<160x128xf32, #tpu.memory_space<vmem>>, %arg15: memref<!tpu.dma_semaphore, #tpu.memory_space<semaphore_mem>>, %arg16: memref<!tpu.dma_semaphore, #tpu.memory_space<semaphore_mem>>, %arg17: memref<!tpu.dma_semaphore, #tpu.memory_space<semaphore_mem>>, %arg18: memref<!tpu.dma_semaphore, #tpu.memory_space<semaphore_mem>>, %arg19: memref<!tpu.dma_semaphore, #tpu.memory_space<semaphore_mem>>, %arg20: memref<!tpu.dma_semaphore, #tpu.memory_space<semaphore_mem>>, %arg21: memref<!tpu.dma_semaphore, #tpu.memory_space<semaphore_mem>>, %arg22: memref<!tpu.dma_semaphore, #tpu.memory_space<semaphore_mem>>) attributes {dimension_semantics = [#tpu.dimension_semantics<core_parallel>, #tpu.dimension_semantics<subcore_parallel>], iteration_bounds = array<i64: 2, 16>, scalar_prefetch = 0 : i64, scratch_operands = 15 : i64, tpu.core_type = #tpu.core_type<sc_vector_subcore>, window_params = [{transform_indices = #map}, {transform_indices = #map}, {transform_indices = #map1}, {transform_indices = #map1}, {transform_indices = #map}, {transform_indices = #map}]} {
    %mul3A = arith.constant 2 : i32
    %mul3A_0 = arith.muli %arg1, %mul3A : i32
    %add3A = arith.addi %mul3A_0, %arg0 : i32
    %mul3A_1 = arith.constant 960 : i32
    %mul3A_2 = arith.muli %add3A, %mul3A_1 : i32
    %eq3A = arith.constant 0 : i32
    %eq3A_3 = arith.cmpi eq, %arg1, %eq3A : i32
    %convert_element_type3A = arith.extui %eq3A_3 : i1 to i32
    %cond3A = arith.constant 0 : i32
    %cond3A_4 = arith.cmpi ne, %convert_element_type3A, %cond3A : i32
    scf.if %cond3A_4 {
      "tpu.region"() ({
        %run_scoped3A = tpu.sem_alloc : memref<!tpu.dma_semaphore, #tpu.memory_space<semaphore_mem>>
        tpu.enqueue_dma source(%arg3 : memref<1001x128xf32, #tpu.memory_space<hbm>>) target(%arg10 : memref<1001x128xf32, #tpu.memory_space<vmem_shared>>) target_semaphore(%run_scoped3A : memref<!tpu.dma_semaphore, #tpu.memory_space<semaphore_mem>>)
        tpu.wait_dma2 semaphore(%run_scoped3A : memref<!tpu.dma_semaphore, #tpu.memory_space<semaphore_mem>>) src(%arg3 : memref<1001x128xf32, #tpu.memory_space<hbm>>) dst(%arg10 : memref<1001x128xf32, #tpu.memory_space<vmem_shared>>)
        tpu.yield
      }) : () -> ()
    } else {
    }
    %barrier3A = arith.constant 0 : index
    tpu.barrier barrier_id(%barrier3A)
    "tpu.region"() ({
      %run_scoped3A = tpu.sem_alloc : memref<!tpu.dma_semaphore, #tpu.memory_space<semaphore_mem>>
      %dma_start3A_243 = tpu.memref_slice %arg4[%mul3A_2] : memref<30720xi32, #tpu.memory_space<hbm>> -> memref<960xi32, #tpu.memory_space<hbm>>
      %dma_start3A_244 = tpu.memref_slice %arg4[%mul3A_2] : memref<30720xi32, #tpu.memory_space<hbm>> -> memref<960xi32, #tpu.memory_space<hbm>>
      tpu.enqueue_dma source(%dma_start3A_244 : memref<960xi32, #tpu.memory_space<hbm>>) target(%arg8 : memref<960xi32, #tpu.memory_space<vmem>>) target_semaphore(%run_scoped3A : memref<!tpu.dma_semaphore, #tpu.memory_space<semaphore_mem>>)
      %dma_wait3A_245 = tpu.memref_slice %arg4[%mul3A_2] : memref<30720xi32, #tpu.memory_space<hbm>> -> memref<960xi32, #tpu.memory_space<hbm>>
      %dma_wait3A_246 = tpu.memref_slice %arg4[%mul3A_2] : memref<30720xi32, #tpu.memory_space<hbm>> -> memref<960xi32, #tpu.memory_space<hbm>>
      tpu.wait_dma2 semaphore(%run_scoped3A : memref<!tpu.dma_semaphore, #tpu.memory_space<semaphore_mem>>) src(%dma_wait3A_246 : memref<960xi32, #tpu.memory_space<hbm>>) dst(%arg8 : memref<960xi32, #tpu.memory_space<vmem>>)
      tpu.yield
    }) : () -> ()
    "tpu.region"() ({
      %run_scoped3A = tpu.sem_alloc : memref<!tpu.dma_semaphore, #tpu.memory_space<semaphore_mem>>
      %dma_start3A_243 = tpu.memref_slice %arg5[%mul3A_2] : memref<30720xi32, #tpu.memory_space<hbm>> -> memref<960xi32, #tpu.memory_space<hbm>>
      %dma_start3A_244 = tpu.memref_slice %arg5[%mul3A_2] : memref<30720xi32, #tpu.memory_space<hbm>> -> memref<960xi32, #tpu.memory_space<hbm>>
      tpu.enqueue_dma source(%dma_start3A_244 : memref<960xi32, #tpu.memory_space<hbm>>) target(%arg9 : memref<960xi32, #tpu.memory_space<vmem>>) target_semaphore(%run_scoped3A : memref<!tpu.dma_semaphore, #tpu.memory_space<semaphore_mem>>)
      %dma_wait3A_245 = tpu.memref_slice %arg5[%mul3A_2] : memref<30720xi32, #tpu.memory_space<hbm>> -> memref<960xi32, #tpu.memory_space<hbm>>
      %dma_wait3A_246 = tpu.memref_slice %arg5[%mul3A_2] : memref<30720xi32, #tpu.memory_space<hbm>> -> memref<960xi32, #tpu.memory_space<hbm>>
      tpu.wait_dma2 semaphore(%run_scoped3A : memref<!tpu.dma_semaphore, #tpu.memory_space<semaphore_mem>>) src(%dma_wait3A_246 : memref<960xi32, #tpu.memory_space<hbm>>) dst(%arg9 : memref<960xi32, #tpu.memory_space<vmem>>)
      tpu.yield
    }) : () -> ()
    %dma_start3A = arith.constant 0 : i32
    %dma_start3A_5 = tpu.memref_slice %arg8[%dma_start3A] : memref<960xi32, #tpu.memory_space<vmem>> -> memref<160xi32, #tpu.memory_space<vmem>>
    %dma_start3A_6 = arith.constant 0 : i32
    %dma_start3A_7 = arith.constant 0 : i32
    %dma_start3A_8 = tpu.memref_slice %arg2[%dma_start3A_6, %dma_start3A_7] : memref<1000001x128xf32, #tpu.memory_space<hbm>> -> memref<1000001x128xf32, #tpu.memory_space<hbm>>
    tpu.enqueue_indirect_dma source(%dma_start3A_8 : memref<1000001x128xf32, #tpu.memory_space<hbm>>) target(%arg11 : memref<160x128xf32, #tpu.memory_space<vmem>>) offsets(%dma_start3A_5 : memref<160xi32, #tpu.memory_space<vmem>>) semaphore(%arg15 : memref<!tpu.dma_semaphore, #tpu.memory_space<semaphore_mem>>)
    %dma_start3A_9 = arith.constant 0 : i32
    %dma_start3A_10 = tpu.memref_slice %arg9[%dma_start3A_9] : memref<960xi32, #tpu.memory_space<vmem>> -> memref<160xi32, #tpu.memory_space<vmem>>
    %dma_start3A_11 = arith.constant 0 : i32
    %dma_start3A_12 = arith.constant 0 : i32
    %dma_start3A_13 = tpu.memref_slice %arg10[%dma_start3A_11, %dma_start3A_12] : memref<1001x128xf32, #tpu.memory_space<vmem_shared>> -> memref<1001x128xf32, #tpu.memory_space<vmem_shared>>
    tpu.enqueue_indirect_dma source(%dma_start3A_13 : memref<1001x128xf32, #tpu.memory_space<vmem_shared>>) target(%arg13 : memref<160x128xf32, #tpu.memory_space<vmem>>) offsets(%dma_start3A_10 : memref<160xi32, #tpu.memory_space<vmem>>) semaphore(%arg17 : memref<!tpu.dma_semaphore, #tpu.memory_space<semaphore_mem>>)
    %dma_start3A_14 = arith.constant 160 : i32
    %dma_start3A_15 = tpu.memref_slice %arg8[%dma_start3A_14] : memref<960xi32, #tpu.memory_space<vmem>> -> memref<160xi32, #tpu.memory_space<vmem>>
    %dma_start3A_16 = arith.constant 0 : i32
    %dma_start3A_17 = arith.constant 0 : i32
    %dma_start3A_18 = tpu.memref_slice %arg2[%dma_start3A_16, %dma_start3A_17] : memref<1000001x128xf32, #tpu.memory_space<hbm>> -> memref<1000001x128xf32, #tpu.memory_space<hbm>>
    tpu.enqueue_indirect_dma source(%dma_start3A_18 : memref<1000001x128xf32, #tpu.memory_space<hbm>>) target(%arg12 : memref<160x128xf32, #tpu.memory_space<vmem>>) offsets(%dma_start3A_15 : memref<160xi32, #tpu.memory_space<vmem>>) semaphore(%arg16 : memref<!tpu.dma_semaphore, #tpu.memory_space<semaphore_mem>>)
    %dma_start3A_19 = arith.constant 160 : i32
    %dma_start3A_20 = tpu.memref_slice %arg9[%dma_start3A_19] : memref<960xi32, #tpu.memory_space<vmem>> -> memref<160xi32, #tpu.memory_space<vmem>>
    %dma_start3A_21 = arith.constant 0 : i32
    %dma_start3A_22 = arith.constant 0 : i32
    %dma_start3A_23 = tpu.memref_slice %arg10[%dma_start3A_21, %dma_start3A_22] : memref<1001x128xf32, #tpu.memory_space<vmem_shared>> -> memref<1001x128xf32, #tpu.memory_space<vmem_shared>>
    tpu.enqueue_indirect_dma source(%dma_start3A_23 : memref<1001x128xf32, #tpu.memory_space<vmem_shared>>) target(%arg14 : memref<160x128xf32, #tpu.memory_space<vmem>>) offsets(%dma_start3A_20 : memref<160xi32, #tpu.memory_space<vmem>>) semaphore(%arg18 : memref<!tpu.dma_semaphore, #tpu.memory_space<semaphore_mem>>)
    %dma_wait3A = arith.constant 0 : i32
    %dma_wait3A_24 = tpu.memref_slice %arg8[%dma_wait3A] : memref<960xi32, #tpu.memory_space<vmem>> -> memref<160xi32, #tpu.memory_space<vmem>>
    %dma_wait3A_25 = arith.constant 0 : i32
    %dma_wait3A_26 = arith.constant 0 : i32
    %dma_wait3A_27 = tpu.memref_slice %arg2[%dma_wait3A_25, %dma_wait3A_26] : memref<1000001x128xf32, #tpu.memory_space<hbm>> -> memref<1000001x128xf32, #tpu.memory_space<hbm>>
    tpu.wait_indirect_dma semaphore(%arg15 : memref<!tpu.dma_semaphore, #tpu.memory_space<semaphore_mem>>) src(%dma_wait3A_27 : memref<1000001x128xf32, #tpu.memory_space<hbm>>) dst(%arg11 : memref<160x128xf32, #tpu.memory_space<vmem>>)
    %add3A_28 = arith.constant 0 : i32
    %add3A_29 = arith.addi %mul3A_2, %add3A_28 : i32
    %dma_start3A_30 = arith.constant 0 : i32
    %dma_start3A_31 = tpu.memref_slice %arg6[%add3A_29, %dma_start3A_30] : memref<30720x128xf32, #tpu.memory_space<hbm>> -> memref<160x128xf32, #tpu.memory_space<hbm>>
    %dma_start3A_32 = arith.constant 0 : i32
    %dma_start3A_33 = tpu.memref_slice %arg6[%add3A_29, %dma_start3A_32] : memref<30720x128xf32, #tpu.memory_space<hbm>> -> memref<160x128xf32, #tpu.memory_space<hbm>>
    tpu.enqueue_dma source(%arg11 : memref<160x128xf32, #tpu.memory_space<vmem>>) target(%dma_start3A_33 : memref<160x128xf32, #tpu.memory_space<hbm>>) target_semaphore(%arg19 : memref<!tpu.dma_semaphore, #tpu.memory_space<semaphore_mem>>)
    %dma_wait3A_34 = arith.constant 0 : i32
    %dma_wait3A_35 = tpu.memref_slice %arg9[%dma_wait3A_34] : memref<960xi32, #tpu.memory_space<vmem>> -> memref<160xi32, #tpu.memory_space<vmem>>
    %dma_wait3A_36 = arith.constant 0 : i32
    %dma_wait3A_37 = arith.constant 0 : i32
    %dma_wait3A_38 = tpu.memref_slice %arg10[%dma_wait3A_36, %dma_wait3A_37] : memref<1001x128xf32, #tpu.memory_space<vmem_shared>> -> memref<1001x128xf32, #tpu.memory_space<vmem_shared>>
    tpu.wait_indirect_dma semaphore(%arg17 : memref<!tpu.dma_semaphore, #tpu.memory_space<semaphore_mem>>) src(%dma_wait3A_38 : memref<1001x128xf32, #tpu.memory_space<vmem_shared>>) dst(%arg13 : memref<160x128xf32, #tpu.memory_space<vmem>>)
    %add3A_39 = arith.constant 0 : i32
    %add3A_40 = arith.addi %mul3A_2, %add3A_39 : i32
    %dma_start3A_41 = arith.constant 0 : i32
    %dma_start3A_42 = tpu.memref_slice %arg7[%add3A_40, %dma_start3A_41] : memref<30720x128xf32, #tpu.memory_space<hbm>> -> memref<160x128xf32, #tpu.memory_space<hbm>>
    %dma_start3A_43 = arith.constant 0 : i32
    %dma_start3A_44 = tpu.memref_slice %arg7[%add3A_40, %dma_start3A_43] : memref<30720x128xf32, #tpu.memory_space<hbm>> -> memref<160x128xf32, #tpu.memory_space<hbm>>
    tpu.enqueue_dma source(%arg13 : memref<160x128xf32, #tpu.memory_space<vmem>>) target(%dma_start3A_44 : memref<160x128xf32, #tpu.memory_space<hbm>>) target_semaphore(%arg21 : memref<!tpu.dma_semaphore, #tpu.memory_space<semaphore_mem>>)
    %dma_wait3A_45 = arith.constant 0 : i32
    %dma_wait3A_46 = tpu.memref_slice %arg6[%add3A_29, %dma_wait3A_45] : memref<30720x128xf32, #tpu.memory_space<hbm>> -> memref<160x128xf32, #tpu.memory_space<hbm>>
    %dma_wait3A_47 = arith.constant 0 : i32
    %dma_wait3A_48 = tpu.memref_slice %arg6[%add3A_29, %dma_wait3A_47] : memref<30720x128xf32, #tpu.memory_space<hbm>> -> memref<160x128xf32, #tpu.memory_space<hbm>>
    tpu.wait_dma2 semaphore(%arg19 : memref<!tpu.dma_semaphore, #tpu.memory_space<semaphore_mem>>) src(%arg11 : memref<160x128xf32, #tpu.memory_space<vmem>>) dst(%dma_wait3A_48 : memref<160x128xf32, #tpu.memory_space<hbm>>)
    %dma_wait3A_49 = arith.constant 0 : i32
    %dma_wait3A_50 = tpu.memref_slice %arg7[%add3A_40, %dma_wait3A_49] : memref<30720x128xf32, #tpu.memory_space<hbm>> -> memref<160x128xf32, #tpu.memory_space<hbm>>
    %dma_wait3A_51 = arith.constant 0 : i32
    %dma_wait3A_52 = tpu.memref_slice %arg7[%add3A_40, %dma_wait3A_51] : memref<30720x128xf32, #tpu.memory_space<hbm>> -> memref<160x128xf32, #tpu.memory_space<hbm>>
    tpu.wait_dma2 semaphore(%arg21 : memref<!tpu.dma_semaphore, #tpu.memory_space<semaphore_mem>>) src(%arg13 : memref<160x128xf32, #tpu.memory_space<vmem>>) dst(%dma_wait3A_52 : memref<160x128xf32, #tpu.memory_space<hbm>>)
    %dma_start3A_53 = arith.constant 320 : i32
    %dma_start3A_54 = tpu.memref_slice %arg8[%dma_start3A_53] : memref<960xi32, #tpu.memory_space<vmem>> -> memref<160xi32, #tpu.memory_space<vmem>>
    %dma_start3A_55 = arith.constant 0 : i32
    %dma_start3A_56 = arith.constant 0 : i32
    %dma_start3A_57 = tpu.memref_slice %arg2[%dma_start3A_55, %dma_start3A_56] : memref<1000001x128xf32, #tpu.memory_space<hbm>> -> memref<1000001x128xf32, #tpu.memory_space<hbm>>
    tpu.enqueue_indirect_dma source(%dma_start3A_57 : memref<1000001x128xf32, #tpu.memory_space<hbm>>) target(%arg11 : memref<160x128xf32, #tpu.memory_space<vmem>>) offsets(%dma_start3A_54 : memref<160xi32, #tpu.memory_space<vmem>>) semaphore(%arg15 : memref<!tpu.dma_semaphore, #tpu.memory_space<semaphore_mem>>)
    %dma_start3A_58 = arith.constant 320 : i32
    %dma_start3A_59 = tpu.memref_slice %arg9[%dma_start3A_58] : memref<960xi32, #tpu.memory_space<vmem>> -> memref<160xi32, #tpu.memory_space<vmem>>
    %dma_start3A_60 = arith.constant 0 : i32
    %dma_start3A_61 = arith.constant 0 : i32
    %dma_start3A_62 = tpu.memref_slice %arg10[%dma_start3A_60, %dma_start3A_61] : memref<1001x128xf32, #tpu.memory_space<vmem_shared>> -> memref<1001x128xf32, #tpu.memory_space<vmem_shared>>
    tpu.enqueue_indirect_dma source(%dma_start3A_62 : memref<1001x128xf32, #tpu.memory_space<vmem_shared>>) target(%arg13 : memref<160x128xf32, #tpu.memory_space<vmem>>) offsets(%dma_start3A_59 : memref<160xi32, #tpu.memory_space<vmem>>) semaphore(%arg17 : memref<!tpu.dma_semaphore, #tpu.memory_space<semaphore_mem>>)
    %dma_wait3A_63 = arith.constant 160 : i32
    %dma_wait3A_64 = tpu.memref_slice %arg8[%dma_wait3A_63] : memref<960xi32, #tpu.memory_space<vmem>> -> memref<160xi32, #tpu.memory_space<vmem>>
    %dma_wait3A_65 = arith.constant 0 : i32
    %dma_wait3A_66 = arith.constant 0 : i32
    %dma_wait3A_67 = tpu.memref_slice %arg2[%dma_wait3A_65, %dma_wait3A_66] : memref<1000001x128xf32, #tpu.memory_space<hbm>> -> memref<1000001x128xf32, #tpu.memory_space<hbm>>
    tpu.wait_indirect_dma semaphore(%arg16 : memref<!tpu.dma_semaphore, #tpu.memory_space<semaphore_mem>>) src(%dma_wait3A_67 : memref<1000001x128xf32, #tpu.memory_space<hbm>>) dst(%arg12 : memref<160x128xf32, #tpu.memory_space<vmem>>)
    %add3A_68 = arith.constant 160 : i32
    %add3A_69 = arith.addi %mul3A_2, %add3A_68 : i32
    %dma_start3A_70 = arith.constant 0 : i32
    %dma_start3A_71 = tpu.memref_slice %arg6[%add3A_69, %dma_start3A_70] : memref<30720x128xf32, #tpu.memory_space<hbm>> -> memref<160x128xf32, #tpu.memory_space<hbm>>
    %dma_start3A_72 = arith.constant 0 : i32
    %dma_start3A_73 = tpu.memref_slice %arg6[%add3A_69, %dma_start3A_72] : memref<30720x128xf32, #tpu.memory_space<hbm>> -> memref<160x128xf32, #tpu.memory_space<hbm>>
    tpu.enqueue_dma source(%arg12 : memref<160x128xf32, #tpu.memory_space<vmem>>) target(%dma_start3A_73 : memref<160x128xf32, #tpu.memory_space<hbm>>) target_semaphore(%arg20 : memref<!tpu.dma_semaphore, #tpu.memory_space<semaphore_mem>>)
    %dma_wait3A_74 = arith.constant 160 : i32
    %dma_wait3A_75 = tpu.memref_slice %arg9[%dma_wait3A_74] : memref<960xi32, #tpu.memory_space<vmem>> -> memref<160xi32, #tpu.memory_space<vmem>>
    %dma_wait3A_76 = arith.constant 0 : i32
    %dma_wait3A_77 = arith.constant 0 : i32
    %dma_wait3A_78 = tpu.memref_slice %arg10[%dma_wait3A_76, %dma_wait3A_77] : memref<1001x128xf32, #tpu.memory_space<vmem_shared>> -> memref<1001x128xf32, #tpu.memory_space<vmem_shared>>
    tpu.wait_indirect_dma semaphore(%arg18 : memref<!tpu.dma_semaphore, #tpu.memory_space<semaphore_mem>>) src(%dma_wait3A_78 : memref<1001x128xf32, #tpu.memory_space<vmem_shared>>) dst(%arg14 : memref<160x128xf32, #tpu.memory_space<vmem>>)
    %add3A_79 = arith.constant 160 : i32
    %add3A_80 = arith.addi %mul3A_2, %add3A_79 : i32
    %dma_start3A_81 = arith.constant 0 : i32
    %dma_start3A_82 = tpu.memref_slice %arg7[%add3A_80, %dma_start3A_81] : memref<30720x128xf32, #tpu.memory_space<hbm>> -> memref<160x128xf32, #tpu.memory_space<hbm>>
    %dma_start3A_83 = arith.constant 0 : i32
    %dma_start3A_84 = tpu.memref_slice %arg7[%add3A_80, %dma_start3A_83] : memref<30720x128xf32, #tpu.memory_space<hbm>> -> memref<160x128xf32, #tpu.memory_space<hbm>>
    tpu.enqueue_dma source(%arg14 : memref<160x128xf32, #tpu.memory_space<vmem>>) target(%dma_start3A_84 : memref<160x128xf32, #tpu.memory_space<hbm>>) target_semaphore(%arg22 : memref<!tpu.dma_semaphore, #tpu.memory_space<semaphore_mem>>)
    %dma_wait3A_85 = arith.constant 0 : i32
    %dma_wait3A_86 = tpu.memref_slice %arg6[%add3A_69, %dma_wait3A_85] : memref<30720x128xf32, #tpu.memory_space<hbm>> -> memref<160x128xf32, #tpu.memory_space<hbm>>
    %dma_wait3A_87 = arith.constant 0 : i32
    %dma_wait3A_88 = tpu.memref_slice %arg6[%add3A_69, %dma_wait3A_87] : memref<30720x128xf32, #tpu.memory_space<hbm>> -> memref<160x128xf32, #tpu.memory_space<hbm>>
    tpu.wait_dma2 semaphore(%arg20 : memref<!tpu.dma_semaphore, #tpu.memory_space<semaphore_mem>>) src(%arg12 : memref<160x128xf32, #tpu.memory_space<vmem>>) dst(%dma_wait3A_88 : memref<160x128xf32, #tpu.memory_space<hbm>>)
    %dma_wait3A_89 = arith.constant 0 : i32
    %dma_wait3A_90 = tpu.memref_slice %arg7[%add3A_80, %dma_wait3A_89] : memref<30720x128xf32, #tpu.memory_space<hbm>> -> memref<160x128xf32, #tpu.memory_space<hbm>>
    %dma_wait3A_91 = arith.constant 0 : i32
    %dma_wait3A_92 = tpu.memref_slice %arg7[%add3A_80, %dma_wait3A_91] : memref<30720x128xf32, #tpu.memory_space<hbm>> -> memref<160x128xf32, #tpu.memory_space<hbm>>
    tpu.wait_dma2 semaphore(%arg22 : memref<!tpu.dma_semaphore, #tpu.memory_space<semaphore_mem>>) src(%arg14 : memref<160x128xf32, #tpu.memory_space<vmem>>) dst(%dma_wait3A_92 : memref<160x128xf32, #tpu.memory_space<hbm>>)
    %dma_start3A_93 = arith.constant 480 : i32
    %dma_start3A_94 = tpu.memref_slice %arg8[%dma_start3A_93] : memref<960xi32, #tpu.memory_space<vmem>> -> memref<160xi32, #tpu.memory_space<vmem>>
    %dma_start3A_95 = arith.constant 0 : i32
    %dma_start3A_96 = arith.constant 0 : i32
    %dma_start3A_97 = tpu.memref_slice %arg2[%dma_start3A_95, %dma_start3A_96] : memref<1000001x128xf32, #tpu.memory_space<hbm>> -> memref<1000001x128xf32, #tpu.memory_space<hbm>>
    tpu.enqueue_indirect_dma source(%dma_start3A_97 : memref<1000001x128xf32, #tpu.memory_space<hbm>>) target(%arg12 : memref<160x128xf32, #tpu.memory_space<vmem>>) offsets(%dma_start3A_94 : memref<160xi32, #tpu.memory_space<vmem>>) semaphore(%arg16 : memref<!tpu.dma_semaphore, #tpu.memory_space<semaphore_mem>>)
    %dma_start3A_98 = arith.constant 480 : i32
    %dma_start3A_99 = tpu.memref_slice %arg9[%dma_start3A_98] : memref<960xi32, #tpu.memory_space<vmem>> -> memref<160xi32, #tpu.memory_space<vmem>>
    %dma_start3A_100 = arith.constant 0 : i32
    %dma_start3A_101 = arith.constant 0 : i32
    %dma_start3A_102 = tpu.memref_slice %arg10[%dma_start3A_100, %dma_start3A_101] : memref<1001x128xf32, #tpu.memory_space<vmem_shared>> -> memref<1001x128xf32, #tpu.memory_space<vmem_shared>>
    tpu.enqueue_indirect_dma source(%dma_start3A_102 : memref<1001x128xf32, #tpu.memory_space<vmem_shared>>) target(%arg14 : memref<160x128xf32, #tpu.memory_space<vmem>>) offsets(%dma_start3A_99 : memref<160xi32, #tpu.memory_space<vmem>>) semaphore(%arg18 : memref<!tpu.dma_semaphore, #tpu.memory_space<semaphore_mem>>)
    %dma_wait3A_103 = arith.constant 320 : i32
    %dma_wait3A_104 = tpu.memref_slice %arg8[%dma_wait3A_103] : memref<960xi32, #tpu.memory_space<vmem>> -> memref<160xi32, #tpu.memory_space<vmem>>
    %dma_wait3A_105 = arith.constant 0 : i32
    %dma_wait3A_106 = arith.constant 0 : i32
    %dma_wait3A_107 = tpu.memref_slice %arg2[%dma_wait3A_105, %dma_wait3A_106] : memref<1000001x128xf32, #tpu.memory_space<hbm>> -> memref<1000001x128xf32, #tpu.memory_space<hbm>>
    tpu.wait_indirect_dma semaphore(%arg15 : memref<!tpu.dma_semaphore, #tpu.memory_space<semaphore_mem>>) src(%dma_wait3A_107 : memref<1000001x128xf32, #tpu.memory_space<hbm>>) dst(%arg11 : memref<160x128xf32, #tpu.memory_space<vmem>>)
    %add3A_108 = arith.constant 320 : i32
    %add3A_109 = arith.addi %mul3A_2, %add3A_108 : i32
    %dma_start3A_110 = arith.constant 0 : i32
    %dma_start3A_111 = tpu.memref_slice %arg6[%add3A_109, %dma_start3A_110] : memref<30720x128xf32, #tpu.memory_space<hbm>> -> memref<160x128xf32, #tpu.memory_space<hbm>>
    %dma_start3A_112 = arith.constant 0 : i32
    %dma_start3A_113 = tpu.memref_slice %arg6[%add3A_109, %dma_start3A_112] : memref<30720x128xf32, #tpu.memory_space<hbm>> -> memref<160x128xf32, #tpu.memory_space<hbm>>
    tpu.enqueue_dma source(%arg11 : memref<160x128xf32, #tpu.memory_space<vmem>>) target(%dma_start3A_113 : memref<160x128xf32, #tpu.memory_space<hbm>>) target_semaphore(%arg19 : memref<!tpu.dma_semaphore, #tpu.memory_space<semaphore_mem>>)
    %dma_wait3A_114 = arith.constant 320 : i32
    %dma_wait3A_115 = tpu.memref_slice %arg9[%dma_wait3A_114] : memref<960xi32, #tpu.memory_space<vmem>> -> memref<160xi32, #tpu.memory_space<vmem>>
    %dma_wait3A_116 = arith.constant 0 : i32
    %dma_wait3A_117 = arith.constant 0 : i32
    %dma_wait3A_118 = tpu.memref_slice %arg10[%dma_wait3A_116, %dma_wait3A_117] : memref<1001x128xf32, #tpu.memory_space<vmem_shared>> -> memref<1001x128xf32, #tpu.memory_space<vmem_shared>>
    tpu.wait_indirect_dma semaphore(%arg17 : memref<!tpu.dma_semaphore, #tpu.memory_space<semaphore_mem>>) src(%dma_wait3A_118 : memref<1001x128xf32, #tpu.memory_space<vmem_shared>>) dst(%arg13 : memref<160x128xf32, #tpu.memory_space<vmem>>)
    %add3A_119 = arith.constant 320 : i32
    %add3A_120 = arith.addi %mul3A_2, %add3A_119 : i32
    %dma_start3A_121 = arith.constant 0 : i32
    %dma_start3A_122 = tpu.memref_slice %arg7[%add3A_120, %dma_start3A_121] : memref<30720x128xf32, #tpu.memory_space<hbm>> -> memref<160x128xf32, #tpu.memory_space<hbm>>
    %dma_start3A_123 = arith.constant 0 : i32
    %dma_start3A_124 = tpu.memref_slice %arg7[%add3A_120, %dma_start3A_123] : memref<30720x128xf32, #tpu.memory_space<hbm>> -> memref<160x128xf32, #tpu.memory_space<hbm>>
    tpu.enqueue_dma source(%arg13 : memref<160x128xf32, #tpu.memory_space<vmem>>) target(%dma_start3A_124 : memref<160x128xf32, #tpu.memory_space<hbm>>) target_semaphore(%arg21 : memref<!tpu.dma_semaphore, #tpu.memory_space<semaphore_mem>>)
    %dma_wait3A_125 = arith.constant 0 : i32
    %dma_wait3A_126 = tpu.memref_slice %arg6[%add3A_109, %dma_wait3A_125] : memref<30720x128xf32, #tpu.memory_space<hbm>> -> memref<160x128xf32, #tpu.memory_space<hbm>>
    %dma_wait3A_127 = arith.constant 0 : i32
    %dma_wait3A_128 = tpu.memref_slice %arg6[%add3A_109, %dma_wait3A_127] : memref<30720x128xf32, #tpu.memory_space<hbm>> -> memref<160x128xf32, #tpu.memory_space<hbm>>
    tpu.wait_dma2 semaphore(%arg19 : memref<!tpu.dma_semaphore, #tpu.memory_space<semaphore_mem>>) src(%arg11 : memref<160x128xf32, #tpu.memory_space<vmem>>) dst(%dma_wait3A_128 : memref<160x128xf32, #tpu.memory_space<hbm>>)
    %dma_wait3A_129 = arith.constant 0 : i32
    %dma_wait3A_130 = tpu.memref_slice %arg7[%add3A_120, %dma_wait3A_129] : memref<30720x128xf32, #tpu.memory_space<hbm>> -> memref<160x128xf32, #tpu.memory_space<hbm>>
    %dma_wait3A_131 = arith.constant 0 : i32
    %dma_wait3A_132 = tpu.memref_slice %arg7[%add3A_120, %dma_wait3A_131] : memref<30720x128xf32, #tpu.memory_space<hbm>> -> memref<160x128xf32, #tpu.memory_space<hbm>>
    tpu.wait_dma2 semaphore(%arg21 : memref<!tpu.dma_semaphore, #tpu.memory_space<semaphore_mem>>) src(%arg13 : memref<160x128xf32, #tpu.memory_space<vmem>>) dst(%dma_wait3A_132 : memref<160x128xf32, #tpu.memory_space<hbm>>)
    %dma_start3A_133 = arith.constant 640 : i32
    %dma_start3A_134 = tpu.memref_slice %arg8[%dma_start3A_133] : memref<960xi32, #tpu.memory_space<vmem>> -> memref<160xi32, #tpu.memory_space<vmem>>
    %dma_start3A_135 = arith.constant 0 : i32
    %dma_start3A_136 = arith.constant 0 : i32
    %dma_start3A_137 = tpu.memref_slice %arg2[%dma_start3A_135, %dma_start3A_136] : memref<1000001x128xf32, #tpu.memory_space<hbm>> -> memref<1000001x128xf32, #tpu.memory_space<hbm>>
    tpu.enqueue_indirect_dma source(%dma_start3A_137 : memref<1000001x128xf32, #tpu.memory_space<hbm>>) target(%arg11 : memref<160x128xf32, #tpu.memory_space<vmem>>) offsets(%dma_start3A_134 : memref<160xi32, #tpu.memory_space<vmem>>) semaphore(%arg15 : memref<!tpu.dma_semaphore, #tpu.memory_space<semaphore_mem>>)
    %dma_start3A_138 = arith.constant 640 : i32
    %dma_start3A_139 = tpu.memref_slice %arg9[%dma_start3A_138] : memref<960xi32, #tpu.memory_space<vmem>> -> memref<160xi32, #tpu.memory_space<vmem>>
    %dma_start3A_140 = arith.constant 0 : i32
    %dma_start3A_141 = arith.constant 0 : i32
    %dma_start3A_142 = tpu.memref_slice %arg10[%dma_start3A_140, %dma_start3A_141] : memref<1001x128xf32, #tpu.memory_space<vmem_shared>> -> memref<1001x128xf32, #tpu.memory_space<vmem_shared>>
    tpu.enqueue_indirect_dma source(%dma_start3A_142 : memref<1001x128xf32, #tpu.memory_space<vmem_shared>>) target(%arg13 : memref<160x128xf32, #tpu.memory_space<vmem>>) offsets(%dma_start3A_139 : memref<160xi32, #tpu.memory_space<vmem>>) semaphore(%arg17 : memref<!tpu.dma_semaphore, #tpu.memory_space<semaphore_mem>>)
    %dma_wait3A_143 = arith.constant 480 : i32
    %dma_wait3A_144 = tpu.memref_slice %arg8[%dma_wait3A_143] : memref<960xi32, #tpu.memory_space<vmem>> -> memref<160xi32, #tpu.memory_space<vmem>>
    %dma_wait3A_145 = arith.constant 0 : i32
    %dma_wait3A_146 = arith.constant 0 : i32
    %dma_wait3A_147 = tpu.memref_slice %arg2[%dma_wait3A_145, %dma_wait3A_146] : memref<1000001x128xf32, #tpu.memory_space<hbm>> -> memref<1000001x128xf32, #tpu.memory_space<hbm>>
    tpu.wait_indirect_dma semaphore(%arg16 : memref<!tpu.dma_semaphore, #tpu.memory_space<semaphore_mem>>) src(%dma_wait3A_147 : memref<1000001x128xf32, #tpu.memory_space<hbm>>) dst(%arg12 : memref<160x128xf32, #tpu.memory_space<vmem>>)
    %add3A_148 = arith.constant 480 : i32
    %add3A_149 = arith.addi %mul3A_2, %add3A_148 : i32
    %dma_start3A_150 = arith.constant 0 : i32
    %dma_start3A_151 = tpu.memref_slice %arg6[%add3A_149, %dma_start3A_150] : memref<30720x128xf32, #tpu.memory_space<hbm>> -> memref<160x128xf32, #tpu.memory_space<hbm>>
    %dma_start3A_152 = arith.constant 0 : i32
    %dma_start3A_153 = tpu.memref_slice %arg6[%add3A_149, %dma_start3A_152] : memref<30720x128xf32, #tpu.memory_space<hbm>> -> memref<160x128xf32, #tpu.memory_space<hbm>>
    tpu.enqueue_dma source(%arg12 : memref<160x128xf32, #tpu.memory_space<vmem>>) target(%dma_start3A_153 : memref<160x128xf32, #tpu.memory_space<hbm>>) target_semaphore(%arg20 : memref<!tpu.dma_semaphore, #tpu.memory_space<semaphore_mem>>)
    %dma_wait3A_154 = arith.constant 480 : i32
    %dma_wait3A_155 = tpu.memref_slice %arg9[%dma_wait3A_154] : memref<960xi32, #tpu.memory_space<vmem>> -> memref<160xi32, #tpu.memory_space<vmem>>
    %dma_wait3A_156 = arith.constant 0 : i32
    %dma_wait3A_157 = arith.constant 0 : i32
    %dma_wait3A_158 = tpu.memref_slice %arg10[%dma_wait3A_156, %dma_wait3A_157] : memref<1001x128xf32, #tpu.memory_space<vmem_shared>> -> memref<1001x128xf32, #tpu.memory_space<vmem_shared>>
    tpu.wait_indirect_dma semaphore(%arg18 : memref<!tpu.dma_semaphore, #tpu.memory_space<semaphore_mem>>) src(%dma_wait3A_158 : memref<1001x128xf32, #tpu.memory_space<vmem_shared>>) dst(%arg14 : memref<160x128xf32, #tpu.memory_space<vmem>>)
    %add3A_159 = arith.constant 480 : i32
    %add3A_160 = arith.addi %mul3A_2, %add3A_159 : i32
    %dma_start3A_161 = arith.constant 0 : i32
    %dma_start3A_162 = tpu.memref_slice %arg7[%add3A_160, %dma_start3A_161] : memref<30720x128xf32, #tpu.memory_space<hbm>> -> memref<160x128xf32, #tpu.memory_space<hbm>>
    %dma_start3A_163 = arith.constant 0 : i32
    %dma_start3A_164 = tpu.memref_slice %arg7[%add3A_160, %dma_start3A_163] : memref<30720x128xf32, #tpu.memory_space<hbm>> -> memref<160x128xf32, #tpu.memory_space<hbm>>
    tpu.enqueue_dma source(%arg14 : memref<160x128xf32, #tpu.memory_space<vmem>>) target(%dma_start3A_164 : memref<160x128xf32, #tpu.memory_space<hbm>>) target_semaphore(%arg22 : memref<!tpu.dma_semaphore, #tpu.memory_space<semaphore_mem>>)
    %dma_wait3A_165 = arith.constant 0 : i32
    %dma_wait3A_166 = tpu.memref_slice %arg6[%add3A_149, %dma_wait3A_165] : memref<30720x128xf32, #tpu.memory_space<hbm>> -> memref<160x128xf32, #tpu.memory_space<hbm>>
    %dma_wait3A_167 = arith.constant 0 : i32
    %dma_wait3A_168 = tpu.memref_slice %arg6[%add3A_149, %dma_wait3A_167] : memref<30720x128xf32, #tpu.memory_space<hbm>> -> memref<160x128xf32, #tpu.memory_space<hbm>>
    tpu.wait_dma2 semaphore(%arg20 : memref<!tpu.dma_semaphore, #tpu.memory_space<semaphore_mem>>) src(%arg12 : memref<160x128xf32, #tpu.memory_space<vmem>>) dst(%dma_wait3A_168 : memref<160x128xf32, #tpu.memory_space<hbm>>)
    %dma_wait3A_169 = arith.constant 0 : i32
    %dma_wait3A_170 = tpu.memref_slice %arg7[%add3A_160, %dma_wait3A_169] : memref<30720x128xf32, #tpu.memory_space<hbm>> -> memref<160x128xf32, #tpu.memory_space<hbm>>
    %dma_wait3A_171 = arith.constant 0 : i32
    %dma_wait3A_172 = tpu.memref_slice %arg7[%add3A_160, %dma_wait3A_171] : memref<30720x128xf32, #tpu.memory_space<hbm>> -> memref<160x128xf32, #tpu.memory_space<hbm>>
    tpu.wait_dma2 semaphore(%arg22 : memref<!tpu.dma_semaphore, #tpu.memory_space<semaphore_mem>>) src(%arg14 : memref<160x128xf32, #tpu.memory_space<vmem>>) dst(%dma_wait3A_172 : memref<160x128xf32, #tpu.memory_space<hbm>>)
    %dma_start3A_173 = arith.constant 800 : i32
    %dma_start3A_174 = tpu.memref_slice %arg8[%dma_start3A_173] : memref<960xi32, #tpu.memory_space<vmem>> -> memref<160xi32, #tpu.memory_space<vmem>>
    %dma_start3A_175 = arith.constant 0 : i32
    %dma_start3A_176 = arith.constant 0 : i32
    %dma_start3A_177 = tpu.memref_slice %arg2[%dma_start3A_175, %dma_start3A_176] : memref<1000001x128xf32, #tpu.memory_space<hbm>> -> memref<1000001x128xf32, #tpu.memory_space<hbm>>
    tpu.enqueue_indirect_dma source(%dma_start3A_177 : memref<1000001x128xf32, #tpu.memory_space<hbm>>) target(%arg12 : memref<160x128xf32, #tpu.memory_space<vmem>>) offsets(%dma_start3A_174 : memref<160xi32, #tpu.memory_space<vmem>>) semaphore(%arg16 : memref<!tpu.dma_semaphore, #tpu.memory_space<semaphore_mem>>)
    %dma_start3A_178 = arith.constant 800 : i32
    %dma_start3A_179 = tpu.memref_slice %arg9[%dma_start3A_178] : memref<960xi32, #tpu.memory_space<vmem>> -> memref<160xi32, #tpu.memory_space<vmem>>
    %dma_start3A_180 = arith.constant 0 : i32
    %dma_start3A_181 = arith.constant 0 : i32
    %dma_start3A_182 = tpu.memref_slice %arg10[%dma_start3A_180, %dma_start3A_181] : memref<1001x128xf32, #tpu.memory_space<vmem_shared>> -> memref<1001x128xf32, #tpu.memory_space<vmem_shared>>
    tpu.enqueue_indirect_dma source(%dma_start3A_182 : memref<1001x128xf32, #tpu.memory_space<vmem_shared>>) target(%arg14 : memref<160x128xf32, #tpu.memory_space<vmem>>) offsets(%dma_start3A_179 : memref<160xi32, #tpu.memory_space<vmem>>) semaphore(%arg18 : memref<!tpu.dma_semaphore, #tpu.memory_space<semaphore_mem>>)
    %dma_wait3A_183 = arith.constant 640 : i32
    %dma_wait3A_184 = tpu.memref_slice %arg8[%dma_wait3A_183] : memref<960xi32, #tpu.memory_space<vmem>> -> memref<160xi32, #tpu.memory_space<vmem>>
    %dma_wait3A_185 = arith.constant 0 : i32
    %dma_wait3A_186 = arith.constant 0 : i32
    %dma_wait3A_187 = tpu.memref_slice %arg2[%dma_wait3A_185, %dma_wait3A_186] : memref<1000001x128xf32, #tpu.memory_space<hbm>> -> memref<1000001x128xf32, #tpu.memory_space<hbm>>
    tpu.wait_indirect_dma semaphore(%arg15 : memref<!tpu.dma_semaphore, #tpu.memory_space<semaphore_mem>>) src(%dma_wait3A_187 : memref<1000001x128xf32, #tpu.memory_space<hbm>>) dst(%arg11 : memref<160x128xf32, #tpu.memory_space<vmem>>)
    %add3A_188 = arith.constant 640 : i32
    %add3A_189 = arith.addi %mul3A_2, %add3A_188 : i32
    %dma_start3A_190 = arith.constant 0 : i32
    %dma_start3A_191 = tpu.memref_slice %arg6[%add3A_189, %dma_start3A_190] : memref<30720x128xf32, #tpu.memory_space<hbm>> -> memref<160x128xf32, #tpu.memory_space<hbm>>
    %dma_start3A_192 = arith.constant 0 : i32
    %dma_start3A_193 = tpu.memref_slice %arg6[%add3A_189, %dma_start3A_192] : memref<30720x128xf32, #tpu.memory_space<hbm>> -> memref<160x128xf32, #tpu.memory_space<hbm>>
    tpu.enqueue_dma source(%arg11 : memref<160x128xf32, #tpu.memory_space<vmem>>) target(%dma_start3A_193 : memref<160x128xf32, #tpu.memory_space<hbm>>) target_semaphore(%arg19 : memref<!tpu.dma_semaphore, #tpu.memory_space<semaphore_mem>>)
    %dma_wait3A_194 = arith.constant 640 : i32
    %dma_wait3A_195 = tpu.memref_slice %arg9[%dma_wait3A_194] : memref<960xi32, #tpu.memory_space<vmem>> -> memref<160xi32, #tpu.memory_space<vmem>>
    %dma_wait3A_196 = arith.constant 0 : i32
    %dma_wait3A_197 = arith.constant 0 : i32
    %dma_wait3A_198 = tpu.memref_slice %arg10[%dma_wait3A_196, %dma_wait3A_197] : memref<1001x128xf32, #tpu.memory_space<vmem_shared>> -> memref<1001x128xf32, #tpu.memory_space<vmem_shared>>
    tpu.wait_indirect_dma semaphore(%arg17 : memref<!tpu.dma_semaphore, #tpu.memory_space<semaphore_mem>>) src(%dma_wait3A_198 : memref<1001x128xf32, #tpu.memory_space<vmem_shared>>) dst(%arg13 : memref<160x128xf32, #tpu.memory_space<vmem>>)
    %add3A_199 = arith.constant 640 : i32
    %add3A_200 = arith.addi %mul3A_2, %add3A_199 : i32
    %dma_start3A_201 = arith.constant 0 : i32
    %dma_start3A_202 = tpu.memref_slice %arg7[%add3A_200, %dma_start3A_201] : memref<30720x128xf32, #tpu.memory_space<hbm>> -> memref<160x128xf32, #tpu.memory_space<hbm>>
    %dma_start3A_203 = arith.constant 0 : i32
    %dma_start3A_204 = tpu.memref_slice %arg7[%add3A_200, %dma_start3A_203] : memref<30720x128xf32, #tpu.memory_space<hbm>> -> memref<160x128xf32, #tpu.memory_space<hbm>>
    tpu.enqueue_dma source(%arg13 : memref<160x128xf32, #tpu.memory_space<vmem>>) target(%dma_start3A_204 : memref<160x128xf32, #tpu.memory_space<hbm>>) target_semaphore(%arg21 : memref<!tpu.dma_semaphore, #tpu.memory_space<semaphore_mem>>)
    %dma_wait3A_205 = arith.constant 0 : i32
    %dma_wait3A_206 = tpu.memref_slice %arg6[%add3A_189, %dma_wait3A_205] : memref<30720x128xf32, #tpu.memory_space<hbm>> -> memref<160x128xf32, #tpu.memory_space<hbm>>
    %dma_wait3A_207 = arith.constant 0 : i32
    %dma_wait3A_208 = tpu.memref_slice %arg6[%add3A_189, %dma_wait3A_207] : memref<30720x128xf32, #tpu.memory_space<hbm>> -> memref<160x128xf32, #tpu.memory_space<hbm>>
    tpu.wait_dma2 semaphore(%arg19 : memref<!tpu.dma_semaphore, #tpu.memory_space<semaphore_mem>>) src(%arg11 : memref<160x128xf32, #tpu.memory_space<vmem>>) dst(%dma_wait3A_208 : memref<160x128xf32, #tpu.memory_space<hbm>>)
    %dma_wait3A_209 = arith.constant 0 : i32
    %dma_wait3A_210 = tpu.memref_slice %arg7[%add3A_200, %dma_wait3A_209] : memref<30720x128xf32, #tpu.memory_space<hbm>> -> memref<160x128xf32, #tpu.memory_space<hbm>>
    %dma_wait3A_211 = arith.constant 0 : i32
    %dma_wait3A_212 = tpu.memref_slice %arg7[%add3A_200, %dma_wait3A_211] : memref<30720x128xf32, #tpu.memory_space<hbm>> -> memref<160x128xf32, #tpu.memory_space<hbm>>
    tpu.wait_dma2 semaphore(%arg21 : memref<!tpu.dma_semaphore, #tpu.memory_space<semaphore_mem>>) src(%arg13 : memref<160x128xf32, #tpu.memory_space<vmem>>) dst(%dma_wait3A_212 : memref<160x128xf32, #tpu.memory_space<hbm>>)
    %dma_wait3A_213 = arith.constant 800 : i32
    %dma_wait3A_214 = tpu.memref_slice %arg8[%dma_wait3A_213] : memref<960xi32, #tpu.memory_space<vmem>> -> memref<160xi32, #tpu.memory_space<vmem>>
    %dma_wait3A_215 = arith.constant 0 : i32
    %dma_wait3A_216 = arith.constant 0 : i32
    %dma_wait3A_217 = tpu.memref_slice %arg2[%dma_wait3A_215, %dma_wait3A_216] : memref<1000001x128xf32, #tpu.memory_space<hbm>> -> memref<1000001x128xf32, #tpu.memory_space<hbm>>
    tpu.wait_indirect_dma semaphore(%arg16 : memref<!tpu.dma_semaphore, #tpu.memory_space<semaphore_mem>>) src(%dma_wait3A_217 : memref<1000001x128xf32, #tpu.memory_space<hbm>>) dst(%arg12 : memref<160x128xf32, #tpu.memory_space<vmem>>)
    %add3A_218 = arith.constant 800 : i32
    %add3A_219 = arith.addi %mul3A_2, %add3A_218 : i32
    %dma_start3A_220 = arith.constant 0 : i32
    %dma_start3A_221 = tpu.memref_slice %arg6[%add3A_219, %dma_start3A_220] : memref<30720x128xf32, #tpu.memory_space<hbm>> -> memref<160x128xf32, #tpu.memory_space<hbm>>
    %dma_start3A_222 = arith.constant 0 : i32
    %dma_start3A_223 = tpu.memref_slice %arg6[%add3A_219, %dma_start3A_222] : memref<30720x128xf32, #tpu.memory_space<hbm>> -> memref<160x128xf32, #tpu.memory_space<hbm>>
    tpu.enqueue_dma source(%arg12 : memref<160x128xf32, #tpu.memory_space<vmem>>) target(%dma_start3A_223 : memref<160x128xf32, #tpu.memory_space<hbm>>) target_semaphore(%arg20 : memref<!tpu.dma_semaphore, #tpu.memory_space<semaphore_mem>>)
    %dma_wait3A_224 = arith.constant 800 : i32
    %dma_wait3A_225 = tpu.memref_slice %arg9[%dma_wait3A_224] : memref<960xi32, #tpu.memory_space<vmem>> -> memref<160xi32, #tpu.memory_space<vmem>>
    %dma_wait3A_226 = arith.constant 0 : i32
    %dma_wait3A_227 = arith.constant 0 : i32
    %dma_wait3A_228 = tpu.memref_slice %arg10[%dma_wait3A_226, %dma_wait3A_227] : memref<1001x128xf32, #tpu.memory_space<vmem_shared>> -> memref<1001x128xf32, #tpu.memory_space<vmem_shared>>
    tpu.wait_indirect_dma semaphore(%arg18 : memref<!tpu.dma_semaphore, #tpu.memory_space<semaphore_mem>>) src(%dma_wait3A_228 : memref<1001x128xf32, #tpu.memory_space<vmem_shared>>) dst(%arg14 : memref<160x128xf32, #tpu.memory_space<vmem>>)
    %add3A_229 = arith.constant 800 : i32
    %add3A_230 = arith.addi %mul3A_2, %add3A_229 : i32
    %dma_start3A_231 = arith.constant 0 : i32
    %dma_start3A_232 = tpu.memref_slice %arg7[%add3A_230, %dma_start3A_231] : memref<30720x128xf32, #tpu.memory_space<hbm>> -> memref<160x128xf32, #tpu.memory_space<hbm>>
    %dma_start3A_233 = arith.constant 0 : i32
    %dma_start3A_234 = tpu.memref_slice %arg7[%add3A_230, %dma_start3A_233] : memref<30720x128xf32, #tpu.memory_space<hbm>> -> memref<160x128xf32, #tpu.memory_space<hbm>>
    tpu.enqueue_dma source(%arg14 : memref<160x128xf32, #tpu.memory_space<vmem>>) target(%dma_start3A_234 : memref<160x128xf32, #tpu.memory_space<hbm>>) target_semaphore(%arg22 : memref<!tpu.dma_semaphore, #tpu.memory_space<semaphore_mem>>)
    %dma_wait3A_235 = arith.constant 0 : i32
    %dma_wait3A_236 = tpu.memref_slice %arg6[%add3A_219, %dma_wait3A_235] : memref<30720x128xf32, #tpu.memory_space<hbm>> -> memref<160x128xf32, #tpu.memory_space<hbm>>
    %dma_wait3A_237 = arith.constant 0 : i32
    %dma_wait3A_238 = tpu.memref_slice %arg6[%add3A_219, %dma_wait3A_237] : memref<30720x128xf32, #tpu.memory_space<hbm>> -> memref<160x128xf32, #tpu.memory_space<hbm>>
    tpu.wait_dma2 semaphore(%arg20 : memref<!tpu.dma_semaphore, #tpu.memory_space<semaphore_mem>>) src(%arg12 : memref<160x128xf32, #tpu.memory_space<vmem>>) dst(%dma_wait3A_238 : memref<160x128xf32, #tpu.memory_space<hbm>>)
    %dma_wait3A_239 = arith.constant 0 : i32
    %dma_wait3A_240 = tpu.memref_slice %arg7[%add3A_230, %dma_wait3A_239] : memref<30720x128xf32, #tpu.memory_space<hbm>> -> memref<160x128xf32, #tpu.memory_space<hbm>>
    %dma_wait3A_241 = arith.constant 0 : i32
    %dma_wait3A_242 = tpu.memref_slice %arg7[%add3A_230, %dma_wait3A_241] : memref<30720x128xf32, #tpu.memory_space<hbm>> -> memref<160x128xf32, #tpu.memory_space<hbm>>
    tpu.wait_dma2 semaphore(%arg22 : memref<!tpu.dma_semaphore, #tpu.memory_space<semaphore_mem>>) src(%arg14 : memref<160x128xf32, #tpu.memory_space<vmem>>) dst(%dma_wait3A_242 : memref<160x128xf32, #tpu.memory_space<hbm>>)
    return
  }
}

module attributes {stable_mosaic.version = 14 : i64} {
  func.func @_tc_body(%arg0: i32, %arg1: memref<5120x128xf32, #tpu.memory_space<vmem>>, %arg2: memref<5120x128xf32, #tpu.memory_space<vmem>>, %arg3: memref<1x1x5120xf32, #tpu.memory_space<vmem>>, %arg4: memref<1x1x5120xf32, #tpu.memory_space<vmem>>, %arg5: memref<2x128xf32, #tpu.memory_space<vmem>>, %arg6: memref<2x128xf32, #tpu.memory_space<vmem>>, %arg7: memref<128x256xf32, #tpu.memory_space<vmem>>, %arg8: memref<1x256xf32, #tpu.memory_space<vmem>>, %arg9: memref<128x256xf32, #tpu.memory_space<vmem>>, %arg10: memref<1x256xf32, #tpu.memory_space<vmem>>, %arg11: memref<128x256xf32, #tpu.memory_space<vmem>>, %arg12: memref<1x256xf32, #tpu.memory_space<vmem>>, %arg13: memref<128x256xf32, #tpu.memory_space<vmem>>, %arg14: memref<1x256xf32, #tpu.memory_space<vmem>>, %arg15: memref<1x1x5120xf32, #tpu.memory_space<vmem>>) attributes {dimension_semantics = [#tpu.dimension_semantics<arbitrary>], iteration_bounds = array<i64: 5>, scalar_prefetch = 0 : i64, scratch_operands = 0 : i64, tpu.core_type = #tpu.core_type<tc>, window_params = [{transform_indices = @transform_0, window_bounds = array<i64: 5120, 128>}, {transform_indices = @transform_1, window_bounds = array<i64: 5120, 128>}, {transform_indices = @transform_2, window_bounds = array<i64: 1, 1, 5120>}, {transform_indices = @transform_3, window_bounds = array<i64: 1, 1, 5120>}, {pipeline_mode = #tpu.pipeline_mode<synchronous>, transform_indices = @transform_4, window_bounds = array<i64: 2, 128>}, {pipeline_mode = #tpu.pipeline_mode<synchronous>, transform_indices = @transform_5, window_bounds = array<i64: 2, 128>}, {pipeline_mode = #tpu.pipeline_mode<synchronous>, transform_indices = @transform_6, window_bounds = array<i64: 128, 256>}, {pipeline_mode = #tpu.pipeline_mode<synchronous>, transform_indices = @transform_7, window_bounds = array<i64: 1, 256>}, {pipeline_mode = #tpu.pipeline_mode<synchronous>, transform_indices = @transform_8, window_bounds = array<i64: 128, 256>}, {pipeline_mode = #tpu.pipeline_mode<synchronous>, transform_indices = @transform_9, window_bounds = array<i64: 1, 256>}, {pipeline_mode = #tpu.pipeline_mode<synchronous>, transform_indices = @transform_10, window_bounds = array<i64: 128, 256>}, {pipeline_mode = #tpu.pipeline_mode<synchronous>, transform_indices = @transform_11, window_bounds = array<i64: 1, 256>}, {pipeline_mode = #tpu.pipeline_mode<synchronous>, transform_indices = @transform_12, window_bounds = array<i64: 128, 256>}, {pipeline_mode = #tpu.pipeline_mode<synchronous>, transform_indices = @transform_13, window_bounds = array<i64: 1, 256>}, {transform_indices = @transform_14, window_bounds = array<i64: 1, 1, 5120>}]} {
    %get3A = arith.constant 0 : index
    %get3A_0 = arith.constant 0 : index
    %get3A_1 = vector.load %arg1[%get3A, %get3A_0] : memref<5120x128xf32, #tpu.memory_space<vmem>>, vector<5120x128xf32>
    %get3A_2 = arith.constant 0 : index
    %get3A_3 = arith.constant 0 : index
    %get3A_4 = vector.load %arg7[%get3A_2, %get3A_3] : memref<128x256xf32, #tpu.memory_space<vmem>>, vector<128x256xf32>
    %dot_general3A = arith.constant dense<0.000000e+00> : vector<5120x256xf32>
    %dot_general3A_5 = tpu.matmul %get3A_1, %get3A_4, %dot_general3A {dimension_numbers = #tpu.dot_dimension_numbers<[1], [0], [0], [1], [0, 0, 1, 1], [], []>, transpose_lhs_hint = false} : vector<5120x128xf32>, vector<128x256xf32>, vector<5120x256xf32> -> vector<5120x256xf32>
    %get3A_6 = arith.constant 0 : index
    %get3A_7 = arith.constant 0 : index
    %get3A_8 = vector.load %arg8[%get3A_6, %get3A_7] : memref<1x256xf32, #tpu.memory_space<vmem>>, vector<1x256xf32>
    %add3A = vector.broadcast %get3A_8 : vector<1x256xf32> to vector<5120x256xf32>
    %add3A_9 = arith.addf %dot_general3A_5, %add3A : vector<5120x256xf32>
    %tanh3A = math.tanh %add3A_9 : vector<5120x256xf32>
    %get3A_10 = arith.constant 0 : index
    %get3A_11 = arith.constant 0 : index
    %get3A_12 = vector.load %arg2[%get3A_10, %get3A_11] : memref<5120x128xf32, #tpu.memory_space<vmem>>, vector<5120x128xf32>
    %get3A_13 = arith.constant 0 : index
    %get3A_14 = arith.constant 0 : index
    %get3A_15 = vector.load %arg9[%get3A_13, %get3A_14] : memref<128x256xf32, #tpu.memory_space<vmem>>, vector<128x256xf32>
    %dot_general3A_16 = arith.constant dense<0.000000e+00> : vector<5120x256xf32>
    %dot_general3A_17 = tpu.matmul %get3A_12, %get3A_15, %dot_general3A_16 {dimension_numbers = #tpu.dot_dimension_numbers<[1], [0], [0], [1], [0, 0, 1, 1], [], []>, transpose_lhs_hint = false} : vector<5120x128xf32>, vector<128x256xf32>, vector<5120x256xf32> -> vector<5120x256xf32>
    %get3A_18 = arith.constant 0 : index
    %get3A_19 = arith.constant 0 : index
    %get3A_20 = vector.load %arg10[%get3A_18, %get3A_19] : memref<1x256xf32, #tpu.memory_space<vmem>>, vector<1x256xf32>
    %add3A_21 = vector.broadcast %get3A_20 : vector<1x256xf32> to vector<5120x256xf32>
    %add3A_22 = arith.addf %dot_general3A_17, %add3A_21 : vector<5120x256xf32>
    %tanh3A_23 = math.tanh %add3A_22 : vector<5120x256xf32>
    %get3A_24 = arith.constant 0 : index
    %get3A_25 = arith.constant 0 : index
    %get3A_26 = vector.load %arg5[%get3A_24, %get3A_25] : memref<2x128xf32, #tpu.memory_space<vmem>>, vector<2x128xf32>
    %get3A_27 = arith.constant 0 : index
    %get3A_28 = arith.constant 0 : index
    %get3A_29 = vector.load %arg11[%get3A_27, %get3A_28] : memref<128x256xf32, #tpu.memory_space<vmem>>, vector<128x256xf32>
    %dot_general3A_30 = arith.constant dense<0.000000e+00> : vector<2x256xf32>
    %dot_general3A_31 = tpu.matmul %get3A_26, %get3A_29, %dot_general3A_30 {dimension_numbers = #tpu.dot_dimension_numbers<[1], [0], [0], [1], [0, 0, 1, 1], [], []>, transpose_lhs_hint = false} : vector<2x128xf32>, vector<128x256xf32>, vector<2x256xf32> -> vector<2x256xf32>
    %get3A_32 = arith.constant 0 : index
    %get3A_33 = arith.constant 0 : index
    %get3A_34 = vector.load %arg12[%get3A_32, %get3A_33] : memref<1x256xf32, #tpu.memory_space<vmem>>, vector<1x256xf32>
    %add3A_35 = vector.broadcast %get3A_34 : vector<1x256xf32> to vector<2x256xf32>
    %add3A_36 = arith.addf %dot_general3A_31, %add3A_35 : vector<2x256xf32>
    %tanh3A_37 = math.tanh %add3A_36 : vector<2x256xf32>
    %get3A_38 = arith.constant 0 : index
    %get3A_39 = arith.constant 0 : index
    %get3A_40 = vector.load %arg6[%get3A_38, %get3A_39] : memref<2x128xf32, #tpu.memory_space<vmem>>, vector<2x128xf32>
    %get3A_41 = arith.constant 0 : index
    %get3A_42 = arith.constant 0 : index
    %get3A_43 = vector.load %arg13[%get3A_41, %get3A_42] : memref<128x256xf32, #tpu.memory_space<vmem>>, vector<128x256xf32>
    %dot_general3A_44 = arith.constant dense<0.000000e+00> : vector<2x256xf32>
    %dot_general3A_45 = tpu.matmul %get3A_40, %get3A_43, %dot_general3A_44 {dimension_numbers = #tpu.dot_dimension_numbers<[1], [0], [0], [1], [0, 0, 1, 1], [], []>, transpose_lhs_hint = false} : vector<2x128xf32>, vector<128x256xf32>, vector<2x256xf32> -> vector<2x256xf32>
    %get3A_46 = arith.constant 0 : index
    %get3A_47 = arith.constant 0 : index
    %get3A_48 = vector.load %arg14[%get3A_46, %get3A_47] : memref<1x256xf32, #tpu.memory_space<vmem>>, vector<1x256xf32>
    %add3A_49 = vector.broadcast %get3A_48 : vector<1x256xf32> to vector<2x256xf32>
    %add3A_50 = arith.addf %dot_general3A_45, %add3A_49 : vector<2x256xf32>
    %tanh3A_51 = math.tanh %add3A_50 : vector<2x256xf32>
    %slice3A = vector.extract_strided_slice %tanh3A_37 {offsets = [0, 0], sizes = [1, 256], strides = [1, 1]} : vector<2x256xf32> to vector<1x256xf32>
    %slice3A_52 = vector.extract_strided_slice %tanh3A_37 {offsets = [1, 0], sizes = [1, 256], strides = [1, 1]} : vector<2x256xf32> to vector<1x256xf32>
    %sub3A = arith.subf %slice3A_52, %slice3A : vector<1x256xf32>
    %slice3A_53 = vector.extract_strided_slice %tanh3A_51 {offsets = [0, 0], sizes = [1, 256], strides = [1, 1]} : vector<2x256xf32> to vector<1x256xf32>
    %slice3A_54 = vector.extract_strided_slice %tanh3A_51 {offsets = [1, 0], sizes = [1, 256], strides = [1, 1]} : vector<2x256xf32> to vector<1x256xf32>
    %sub3A_55 = arith.subf %slice3A_54, %slice3A_53 : vector<1x256xf32>
    %mul3A = arith.mulf %slice3A, %slice3A_53 : vector<1x256xf32>
    %mul3A_56 = arith.mulf %sub3A, %slice3A_53 : vector<1x256xf32>
    %mul3A_57 = arith.mulf %slice3A, %sub3A_55 : vector<1x256xf32>
    %mul3A_58 = arith.mulf %sub3A, %sub3A_55 : vector<1x256xf32>
    %concatenate3A = tpu.concatenate %mul3A, %mul3A_56, %mul3A_57, %mul3A_58 in 0 : vector<1x256xf32>, vector<1x256xf32>, vector<1x256xf32>, vector<1x256xf32> -> vector<4x256xf32>
    %mul3A_59 = arith.mulf %tanh3A, %tanh3A_23 : vector<5120x256xf32>
    %dot_general3A_60 = arith.constant dense<0.000000e+00> : vector<4x5120xf32>
    %dot_general3A_61 = tpu.matmul %concatenate3A, %mul3A_59, %dot_general3A_60 {dimension_numbers = #tpu.dot_dimension_numbers<[1], [1], [0], [0], [0, 0, 1, 0], [], []>, transpose_lhs_hint = false} : vector<4x256xf32>, vector<5120x256xf32>, vector<4x5120xf32> -> vector<4x5120xf32>
    %get3A_62 = arith.constant 0 : index
    %get3A_63 = arith.constant 0 : index
    %get3A_64 = arith.constant 0 : index
    %get3A_65 = vector.load %arg3[%get3A_62, %get3A_63, %get3A_64] : memref<1x1x5120xf32, #tpu.memory_space<vmem>>, vector<1x1x5120xf32>
    %get3A_66 = vector.shape_cast %get3A_65 : vector<1x1x5120xf32> to vector<1x5120xf32>
    %get3A_67 = arith.constant 0 : index
    %get3A_68 = arith.constant 0 : index
    %get3A_69 = arith.constant 0 : index
    %get3A_70 = vector.load %arg4[%get3A_67, %get3A_68, %get3A_69] : memref<1x1x5120xf32, #tpu.memory_space<vmem>>, vector<1x1x5120xf32>
    %get3A_71 = vector.shape_cast %get3A_70 : vector<1x1x5120xf32> to vector<1x5120xf32>
    %slice3A_72 = vector.extract_strided_slice %dot_general3A_61 {offsets = [0, 0], sizes = [1, 5120], strides = [1, 1]} : vector<4x5120xf32> to vector<1x5120xf32>
    %slice3A_73 = vector.extract_strided_slice %dot_general3A_61 {offsets = [1, 0], sizes = [1, 5120], strides = [1, 1]} : vector<4x5120xf32> to vector<1x5120xf32>
    %mul3A_74 = arith.mulf %get3A_66, %slice3A_73 : vector<1x5120xf32>
    %add3A_75 = arith.addf %slice3A_72, %mul3A_74 : vector<1x5120xf32>
    %slice3A_76 = vector.extract_strided_slice %dot_general3A_61 {offsets = [2, 0], sizes = [1, 5120], strides = [1, 1]} : vector<4x5120xf32> to vector<1x5120xf32>
    %mul3A_77 = arith.mulf %get3A_71, %slice3A_76 : vector<1x5120xf32>
    %add3A_78 = arith.addf %add3A_75, %mul3A_77 : vector<1x5120xf32>
    %mul3A_79 = arith.mulf %get3A_66, %get3A_71 : vector<1x5120xf32>
    %slice3A_80 = vector.extract_strided_slice %dot_general3A_61 {offsets = [3, 0], sizes = [1, 5120], strides = [1, 1]} : vector<4x5120xf32> to vector<1x5120xf32>
    %mul3A_81 = arith.mulf %mul3A_79, %slice3A_80 : vector<1x5120xf32>
    %add3A_82 = arith.addf %add3A_78, %mul3A_81 : vector<1x5120xf32>
    %swap3A = arith.constant 0 : index
    %swap3A_83 = arith.constant 0 : index
    %swap3A_84 = arith.constant 0 : index
    %swap3A_85 = vector.load %arg15[%swap3A, %swap3A_83, %swap3A_84] : memref<1x1x5120xf32, #tpu.memory_space<vmem>>, vector<1x1x5120xf32>
    %swap3A_86 = vector.shape_cast %swap3A_85 : vector<1x1x5120xf32> to vector<1x5120xf32>
    %swap3A_87 = vector.shape_cast %add3A_82 : vector<1x5120xf32> to vector<1x1x5120xf32>
    tpu.vector_store %arg15[%swap3A, %swap3A_83, %swap3A_84], %swap3A_87 {strides = array<i32>} : memref<1x1x5120xf32, #tpu.memory_space<vmem>>, vector<1x1x5120xf32>,
    return
  }
  func.func @transform_0(%arg0: i32) -> (i32, i32) {
    %c0_i32 = arith.constant 0 : i32
    %c0_i32_0 = arith.constant 0 : i32
    return %arg0, %c0_i32 : i32, i32
  }
  func.func @transform_1(%arg0: i32) -> (i32, i32) {
    %c0_i32 = arith.constant 0 : i32
    %c0_i32_0 = arith.constant 0 : i32
    return %arg0, %c0_i32 : i32, i32
  }
  func.func @transform_2(%arg0: i32) -> (i32, i32, i32) {
    %c0_i32 = arith.constant 0 : i32
    %c0_i32_0 = arith.constant 0 : i32
    %c0_i32_1 = arith.constant 0 : i32
    return %arg0, %c0_i32, %c0_i32_0 : i32, i32, i32
  }
  func.func @transform_3(%arg0: i32) -> (i32, i32, i32) {
    %c0_i32 = arith.constant 0 : i32
    %c0_i32_0 = arith.constant 0 : i32
    %c0_i32_1 = arith.constant 0 : i32
    return %arg0, %c0_i32, %c0_i32_0 : i32, i32, i32
  }
  func.func @transform_4(%arg0: i32) -> (i32, i32) {
    %c0_i32 = arith.constant 0 : i32
    %c0_i32_0 = arith.constant 0 : i32
    %c0_i32_1 = arith.constant 0 : i32
    return %c0_i32, %c0_i32_0 : i32, i32
  }
  func.func @transform_5(%arg0: i32) -> (i32, i32) {
    %c0_i32 = arith.constant 0 : i32
    %c0_i32_0 = arith.constant 0 : i32
    %c0_i32_1 = arith.constant 0 : i32
    return %c0_i32, %c0_i32_0 : i32, i32
  }
  func.func @transform_6(%arg0: i32) -> (i32, i32) {
    %c0_i32 = arith.constant 0 : i32
    %c0_i32_0 = arith.constant 0 : i32
    %c0_i32_1 = arith.constant 0 : i32
    return %c0_i32, %c0_i32_0 : i32, i32
  }
  func.func @transform_7(%arg0: i32) -> (i32, i32) {
    %c0_i32 = arith.constant 0 : i32
    %c0_i32_0 = arith.constant 0 : i32
    %c0_i32_1 = arith.constant 0 : i32
    return %c0_i32, %c0_i32_0 : i32, i32
  }
  func.func @transform_8(%arg0: i32) -> (i32, i32) {
    %c0_i32 = arith.constant 0 : i32
    %c0_i32_0 = arith.constant 0 : i32
    %c0_i32_1 = arith.constant 0 : i32
    return %c0_i32, %c0_i32_0 : i32, i32
  }
  func.func @transform_9(%arg0: i32) -> (i32, i32) {
    %c0_i32 = arith.constant 0 : i32
    %c0_i32_0 = arith.constant 0 : i32
    %c0_i32_1 = arith.constant 0 : i32
    return %c0_i32, %c0_i32_0 : i32, i32
  }
  func.func @transform_10(%arg0: i32) -> (i32, i32) {
    %c0_i32 = arith.constant 0 : i32
    %c0_i32_0 = arith.constant 0 : i32
    %c0_i32_1 = arith.constant 0 : i32
    return %c0_i32, %c0_i32_0 : i32, i32
  }
  func.func @transform_11(%arg0: i32) -> (i32, i32) {
    %c0_i32 = arith.constant 0 : i32
    %c0_i32_0 = arith.constant 0 : i32
    %c0_i32_1 = arith.constant 0 : i32
    return %c0_i32, %c0_i32_0 : i32, i32
  }
  func.func @transform_12(%arg0: i32) -> (i32, i32) {
    %c0_i32 = arith.constant 0 : i32
    %c0_i32_0 = arith.constant 0 : i32
    %c0_i32_1 = arith.constant 0 : i32
    return %c0_i32, %c0_i32_0 : i32, i32
  }
  func.func @transform_13(%arg0: i32) -> (i32, i32) {
    %c0_i32 = arith.constant 0 : i32
    %c0_i32_0 = arith.constant 0 : i32
    %c0_i32_1 = arith.constant 0 : i32
    return %c0_i32, %c0_i32_0 : i32, i32
  }
  func.func @transform_14(%arg0: i32) -> (i32, i32, i32) {
    %c0_i32 = arith.constant 0 : i32
    %c0_i32_0 = arith.constant 0 : i32
    %c0_i32_1 = arith.constant 0 : i32
    return %arg0, %c0_i32, %c0_i32_0 : i32, i32, i32
  }
}

module attributes {stable_mosaic.version = 14 : i64} {
  func.func @_tc_body(%arg0: i32, %arg1: memref<5120x128xf32, #tpu.memory_space<vmem>>, %arg2: memref<5120x128xf32, #tpu.memory_space<vmem>>, %arg3: memref<1x1x5120xf32, #tpu.memory_space<vmem>>, %arg4: memref<1x1x5120xf32, #tpu.memory_space<vmem>>, %arg5: memref<2x128xf32, #tpu.memory_space<vmem>>, %arg6: memref<2x128xf32, #tpu.memory_space<vmem>>, %arg7: memref<128x256xf32, #tpu.memory_space<vmem>>, %arg8: memref<1x256xf32, #tpu.memory_space<vmem>>, %arg9: memref<128x256xf32, #tpu.memory_space<vmem>>, %arg10: memref<1x256xf32, #tpu.memory_space<vmem>>, %arg11: memref<128x256xf32, #tpu.memory_space<vmem>>, %arg12: memref<1x256xf32, #tpu.memory_space<vmem>>, %arg13: memref<128x256xf32, #tpu.memory_space<vmem>>, %arg14: memref<1x256xf32, #tpu.memory_space<vmem>>, %arg15: memref<1x1x5120xf32, #tpu.memory_space<vmem>>) attributes {dimension_semantics = [#tpu.dimension_semantics<arbitrary>], iteration_bounds = array<i64: 6>, scalar_prefetch = 0 : i64, scratch_operands = 0 : i64, tpu.core_type = #tpu.core_type<tc>, window_params = [{transform_indices = @transform_0, window_bounds = array<i64: 5120, 128>}, {transform_indices = @transform_1, window_bounds = array<i64: 5120, 128>}, {transform_indices = @transform_2, window_bounds = array<i64: 1, 1, 5120>}, {transform_indices = @transform_3, window_bounds = array<i64: 1, 1, 5120>}, {pipeline_mode = #tpu.pipeline_mode<synchronous>, transform_indices = @transform_4, window_bounds = array<i64: 2, 128>}, {pipeline_mode = #tpu.pipeline_mode<synchronous>, transform_indices = @transform_5, window_bounds = array<i64: 2, 128>}, {pipeline_mode = #tpu.pipeline_mode<synchronous>, transform_indices = @transform_6, window_bounds = array<i64: 128, 256>}, {pipeline_mode = #tpu.pipeline_mode<synchronous>, transform_indices = @transform_7, window_bounds = array<i64: 1, 256>}, {pipeline_mode = #tpu.pipeline_mode<synchronous>, transform_indices = @transform_8, window_bounds = array<i64: 128, 256>}, {pipeline_mode = #tpu.pipeline_mode<synchronous>, transform_indices = @transform_9, window_bounds = array<i64: 1, 256>}, {pipeline_mode = #tpu.pipeline_mode<synchronous>, transform_indices = @transform_10, window_bounds = array<i64: 128, 256>}, {pipeline_mode = #tpu.pipeline_mode<synchronous>, transform_indices = @transform_11, window_bounds = array<i64: 1, 256>}, {pipeline_mode = #tpu.pipeline_mode<synchronous>, transform_indices = @transform_12, window_bounds = array<i64: 128, 256>}, {pipeline_mode = #tpu.pipeline_mode<synchronous>, transform_indices = @transform_13, window_bounds = array<i64: 1, 256>}, {transform_indices = @transform_14, window_bounds = array<i64: 1, 1, 5120>}]} {
    %get3A = arith.constant 0 : index
    %get3A_0 = arith.constant 0 : index
    %get3A_1 = vector.load %arg1[%get3A, %get3A_0] : memref<5120x128xf32, #tpu.memory_space<vmem>>, vector<5120x128xf32>
    %get3A_2 = arith.constant 0 : index
    %get3A_3 = arith.constant 0 : index
    %get3A_4 = vector.load %arg7[%get3A_2, %get3A_3] : memref<128x256xf32, #tpu.memory_space<vmem>>, vector<128x256xf32>
    %dot_general3A = arith.constant dense<0.000000e+00> : vector<5120x256xf32>
    %dot_general3A_5 = tpu.matmul %get3A_1, %get3A_4, %dot_general3A {dimension_numbers = #tpu.dot_dimension_numbers<[1], [0], [0], [1], [0, 0, 1, 1], [], []>, transpose_lhs_hint = false} : vector<5120x128xf32>, vector<128x256xf32>, vector<5120x256xf32> -> vector<5120x256xf32>
    %get3A_6 = arith.constant 0 : index
    %get3A_7 = arith.constant 0 : index
    %get3A_8 = vector.load %arg8[%get3A_6, %get3A_7] : memref<1x256xf32, #tpu.memory_space<vmem>>, vector<1x256xf32>
    %add3A = vector.broadcast %get3A_8 : vector<1x256xf32> to vector<5120x256xf32>
    %add3A_9 = arith.addf %dot_general3A_5, %add3A : vector<5120x256xf32>
    %tanh3A = math.tanh %add3A_9 : vector<5120x256xf32>
    %get3A_10 = arith.constant 0 : index
    %get3A_11 = arith.constant 0 : index
    %get3A_12 = vector.load %arg2[%get3A_10, %get3A_11] : memref<5120x128xf32, #tpu.memory_space<vmem>>, vector<5120x128xf32>
    %get3A_13 = arith.constant 0 : index
    %get3A_14 = arith.constant 0 : index
    %get3A_15 = vector.load %arg9[%get3A_13, %get3A_14] : memref<128x256xf32, #tpu.memory_space<vmem>>, vector<128x256xf32>
    %dot_general3A_16 = arith.constant dense<0.000000e+00> : vector<5120x256xf32>
    %dot_general3A_17 = tpu.matmul %get3A_12, %get3A_15, %dot_general3A_16 {dimension_numbers = #tpu.dot_dimension_numbers<[1], [0], [0], [1], [0, 0, 1, 1], [], []>, transpose_lhs_hint = false} : vector<5120x128xf32>, vector<128x256xf32>, vector<5120x256xf32> -> vector<5120x256xf32>
    %get3A_18 = arith.constant 0 : index
    %get3A_19 = arith.constant 0 : index
    %get3A_20 = vector.load %arg10[%get3A_18, %get3A_19] : memref<1x256xf32, #tpu.memory_space<vmem>>, vector<1x256xf32>
    %add3A_21 = vector.broadcast %get3A_20 : vector<1x256xf32> to vector<5120x256xf32>
    %add3A_22 = arith.addf %dot_general3A_17, %add3A_21 : vector<5120x256xf32>
    %tanh3A_23 = math.tanh %add3A_22 : vector<5120x256xf32>
    %get3A_24 = arith.constant 0 : index
    %get3A_25 = arith.constant 0 : index
    %get3A_26 = vector.load %arg5[%get3A_24, %get3A_25] : memref<2x128xf32, #tpu.memory_space<vmem>>, vector<2x128xf32>
    %get3A_27 = arith.constant 0 : index
    %get3A_28 = arith.constant 0 : index
    %get3A_29 = vector.load %arg11[%get3A_27, %get3A_28] : memref<128x256xf32, #tpu.memory_space<vmem>>, vector<128x256xf32>
    %dot_general3A_30 = arith.constant dense<0.000000e+00> : vector<2x256xf32>
    %dot_general3A_31 = tpu.matmul %get3A_26, %get3A_29, %dot_general3A_30 {dimension_numbers = #tpu.dot_dimension_numbers<[1], [0], [0], [1], [0, 0, 1, 1], [], []>, transpose_lhs_hint = false} : vector<2x128xf32>, vector<128x256xf32>, vector<2x256xf32> -> vector<2x256xf32>
    %get3A_32 = arith.constant 0 : index
    %get3A_33 = arith.constant 0 : index
    %get3A_34 = vector.load %arg12[%get3A_32, %get3A_33] : memref<1x256xf32, #tpu.memory_space<vmem>>, vector<1x256xf32>
    %add3A_35 = vector.broadcast %get3A_34 : vector<1x256xf32> to vector<2x256xf32>
    %add3A_36 = arith.addf %dot_general3A_31, %add3A_35 : vector<2x256xf32>
    %tanh3A_37 = math.tanh %add3A_36 : vector<2x256xf32>
    %get3A_38 = arith.constant 0 : index
    %get3A_39 = arith.constant 0 : index
    %get3A_40 = vector.load %arg6[%get3A_38, %get3A_39] : memref<2x128xf32, #tpu.memory_space<vmem>>, vector<2x128xf32>
    %get3A_41 = arith.constant 0 : index
    %get3A_42 = arith.constant 0 : index
    %get3A_43 = vector.load %arg13[%get3A_41, %get3A_42] : memref<128x256xf32, #tpu.memory_space<vmem>>, vector<128x256xf32>
    %dot_general3A_44 = arith.constant dense<0.000000e+00> : vector<2x256xf32>
    %dot_general3A_45 = tpu.matmul %get3A_40, %get3A_43, %dot_general3A_44 {dimension_numbers = #tpu.dot_dimension_numbers<[1], [0], [0], [1], [0, 0, 1, 1], [], []>, transpose_lhs_hint = false} : vector<2x128xf32>, vector<128x256xf32>, vector<2x256xf32> -> vector<2x256xf32>
    %get3A_46 = arith.constant 0 : index
    %get3A_47 = arith.constant 0 : index
    %get3A_48 = vector.load %arg14[%get3A_46, %get3A_47] : memref<1x256xf32, #tpu.memory_space<vmem>>, vector<1x256xf32>
    %add3A_49 = vector.broadcast %get3A_48 : vector<1x256xf32> to vector<2x256xf32>
    %add3A_50 = arith.addf %dot_general3A_45, %add3A_49 : vector<2x256xf32>
    %tanh3A_51 = math.tanh %add3A_50 : vector<2x256xf32>
    %slice3A = vector.extract_strided_slice %tanh3A_37 {offsets = [0, 0], sizes = [1, 256], strides = [1, 1]} : vector<2x256xf32> to vector<1x256xf32>
    %slice3A_52 = vector.extract_strided_slice %tanh3A_37 {offsets = [1, 0], sizes = [1, 256], strides = [1, 1]} : vector<2x256xf32> to vector<1x256xf32>
    %sub3A = arith.subf %slice3A_52, %slice3A : vector<1x256xf32>
    %slice3A_53 = vector.extract_strided_slice %tanh3A_51 {offsets = [0, 0], sizes = [1, 256], strides = [1, 1]} : vector<2x256xf32> to vector<1x256xf32>
    %slice3A_54 = vector.extract_strided_slice %tanh3A_51 {offsets = [1, 0], sizes = [1, 256], strides = [1, 1]} : vector<2x256xf32> to vector<1x256xf32>
    %sub3A_55 = arith.subf %slice3A_54, %slice3A_53 : vector<1x256xf32>
    %mul3A = arith.mulf %slice3A, %slice3A_53 : vector<1x256xf32>
    %mul3A_56 = arith.mulf %sub3A, %slice3A_53 : vector<1x256xf32>
    %mul3A_57 = arith.mulf %slice3A, %sub3A_55 : vector<1x256xf32>
    %mul3A_58 = arith.mulf %sub3A, %sub3A_55 : vector<1x256xf32>
    %concatenate3A = tpu.concatenate %mul3A, %mul3A_56, %mul3A_57, %mul3A_58 in 0 : vector<1x256xf32>, vector<1x256xf32>, vector<1x256xf32>, vector<1x256xf32> -> vector<4x256xf32>
    %mul3A_59 = arith.mulf %tanh3A, %tanh3A_23 : vector<5120x256xf32>
    %dot_general3A_60 = arith.constant dense<0.000000e+00> : vector<4x5120xf32>
    %dot_general3A_61 = tpu.matmul %concatenate3A, %mul3A_59, %dot_general3A_60 {dimension_numbers = #tpu.dot_dimension_numbers<[1], [1], [0], [0], [0, 0, 1, 0], [], []>, transpose_lhs_hint = false} : vector<4x256xf32>, vector<5120x256xf32>, vector<4x5120xf32> -> vector<4x5120xf32>
    %get3A_62 = arith.constant 0 : index
    %get3A_63 = arith.constant 0 : index
    %get3A_64 = arith.constant 0 : index
    %get3A_65 = vector.load %arg3[%get3A_62, %get3A_63, %get3A_64] : memref<1x1x5120xf32, #tpu.memory_space<vmem>>, vector<1x1x5120xf32>
    %get3A_66 = vector.shape_cast %get3A_65 : vector<1x1x5120xf32> to vector<1x5120xf32>
    %get3A_67 = arith.constant 0 : index
    %get3A_68 = arith.constant 0 : index
    %get3A_69 = arith.constant 0 : index
    %get3A_70 = vector.load %arg4[%get3A_67, %get3A_68, %get3A_69] : memref<1x1x5120xf32, #tpu.memory_space<vmem>>, vector<1x1x5120xf32>
    %get3A_71 = vector.shape_cast %get3A_70 : vector<1x1x5120xf32> to vector<1x5120xf32>
    %slice3A_72 = vector.extract_strided_slice %dot_general3A_61 {offsets = [0, 0], sizes = [1, 5120], strides = [1, 1]} : vector<4x5120xf32> to vector<1x5120xf32>
    %slice3A_73 = vector.extract_strided_slice %dot_general3A_61 {offsets = [1, 0], sizes = [1, 5120], strides = [1, 1]} : vector<4x5120xf32> to vector<1x5120xf32>
    %mul3A_74 = arith.mulf %get3A_66, %slice3A_73 : vector<1x5120xf32>
    %add3A_75 = arith.addf %slice3A_72, %mul3A_74 : vector<1x5120xf32>
    %slice3A_76 = vector.extract_strided_slice %dot_general3A_61 {offsets = [2, 0], sizes = [1, 5120], strides = [1, 1]} : vector<4x5120xf32> to vector<1x5120xf32>
    %mul3A_77 = arith.mulf %get3A_71, %slice3A_76 : vector<1x5120xf32>
    %add3A_78 = arith.addf %add3A_75, %mul3A_77 : vector<1x5120xf32>
    %mul3A_79 = arith.mulf %get3A_66, %get3A_71 : vector<1x5120xf32>
    %slice3A_80 = vector.extract_strided_slice %dot_general3A_61 {offsets = [3, 0], sizes = [1, 5120], strides = [1, 1]} : vector<4x5120xf32> to vector<1x5120xf32>
    %mul3A_81 = arith.mulf %mul3A_79, %slice3A_80 : vector<1x5120xf32>
    %add3A_82 = arith.addf %add3A_78, %mul3A_81 : vector<1x5120xf32>
    %swap3A = arith.constant 0 : index
    %swap3A_83 = arith.constant 0 : index
    %swap3A_84 = arith.constant 0 : index
    %swap3A_85 = vector.load %arg15[%swap3A, %swap3A_83, %swap3A_84] : memref<1x1x5120xf32, #tpu.memory_space<vmem>>, vector<1x1x5120xf32>
    %swap3A_86 = vector.shape_cast %swap3A_85 : vector<1x1x5120xf32> to vector<1x5120xf32>
    %swap3A_87 = vector.shape_cast %add3A_82 : vector<1x5120xf32> to vector<1x1x5120xf32>
    tpu.vector_store %arg15[%swap3A, %swap3A_83, %swap3A_84], %swap3A_87 {strides = array<i32>} : memref<1x1x5120xf32, #tpu.memory_space<vmem>>, vector<1x1x5120xf32>,
    return
  }
  func.func @transform_0(%arg0: i32) -> (i32, i32) {
    %c0_i32 = arith.constant 0 : i32
    %c0_i32_0 = arith.constant 0 : i32
    return %arg0, %c0_i32 : i32, i32
  }
  func.func @transform_1(%arg0: i32) -> (i32, i32) {
    %c0_i32 = arith.constant 0 : i32
    %c0_i32_0 = arith.constant 0 : i32
    return %arg0, %c0_i32 : i32, i32
  }
  func.func @transform_2(%arg0: i32) -> (i32, i32, i32) {
    %c0_i32 = arith.constant 0 : i32
    %c0_i32_0 = arith.constant 0 : i32
    %c0_i32_1 = arith.constant 0 : i32
    return %arg0, %c0_i32, %c0_i32_0 : i32, i32, i32
  }
  func.func @transform_3(%arg0: i32) -> (i32, i32, i32) {
    %c0_i32 = arith.constant 0 : i32
    %c0_i32_0 = arith.constant 0 : i32
    %c0_i32_1 = arith.constant 0 : i32
    return %arg0, %c0_i32, %c0_i32_0 : i32, i32, i32
  }
  func.func @transform_4(%arg0: i32) -> (i32, i32) {
    %c0_i32 = arith.constant 0 : i32
    %c0_i32_0 = arith.constant 0 : i32
    %c0_i32_1 = arith.constant 0 : i32
    return %c0_i32, %c0_i32_0 : i32, i32
  }
  func.func @transform_5(%arg0: i32) -> (i32, i32) {
    %c0_i32 = arith.constant 0 : i32
    %c0_i32_0 = arith.constant 0 : i32
    %c0_i32_1 = arith.constant 0 : i32
    return %c0_i32, %c0_i32_0 : i32, i32
  }
  func.func @transform_6(%arg0: i32) -> (i32, i32) {
    %c0_i32 = arith.constant 0 : i32
    %c0_i32_0 = arith.constant 0 : i32
    %c0_i32_1 = arith.constant 0 : i32
    return %c0_i32, %c0_i32_0 : i32, i32
  }
  func.func @transform_7(%arg0: i32) -> (i32, i32) {
    %c0_i32 = arith.constant 0 : i32
    %c0_i32_0 = arith.constant 0 : i32
    %c0_i32_1 = arith.constant 0 : i32
    return %c0_i32, %c0_i32_0 : i32, i32
  }
  func.func @transform_8(%arg0: i32) -> (i32, i32) {
    %c0_i32 = arith.constant 0 : i32
    %c0_i32_0 = arith.constant 0 : i32
    %c0_i32_1 = arith.constant 0 : i32
    return %c0_i32, %c0_i32_0 : i32, i32
  }
  func.func @transform_9(%arg0: i32) -> (i32, i32) {
    %c0_i32 = arith.constant 0 : i32
    %c0_i32_0 = arith.constant 0 : i32
    %c0_i32_1 = arith.constant 0 : i32
    return %c0_i32, %c0_i32_0 : i32, i32
  }
  func.func @transform_10(%arg0: i32) -> (i32, i32) {
    %c0_i32 = arith.constant 0 : i32
    %c0_i32_0 = arith.constant 0 : i32
    %c0_i32_1 = arith.constant 0 : i32
    return %c0_i32, %c0_i32_0 : i32, i32
  }
  func.func @transform_11(%arg0: i32) -> (i32, i32) {
    %c0_i32 = arith.constant 0 : i32
    %c0_i32_0 = arith.constant 0 : i32
    %c0_i32_1 = arith.constant 0 : i32
    return %c0_i32, %c0_i32_0 : i32, i32
  }
  func.func @transform_12(%arg0: i32) -> (i32, i32) {
    %c0_i32 = arith.constant 0 : i32
    %c0_i32_0 = arith.constant 0 : i32
    %c0_i32_1 = arith.constant 0 : i32
    return %c0_i32, %c0_i32_0 : i32, i32
  }
  func.func @transform_13(%arg0: i32) -> (i32, i32) {
    %c0_i32 = arith.constant 0 : i32
    %c0_i32_0 = arith.constant 0 : i32
    %c0_i32_1 = arith.constant 0 : i32
    return %c0_i32, %c0_i32_0 : i32, i32
  }
  func.func @transform_14(%arg0: i32) -> (i32, i32, i32) {
    %c0_i32 = arith.constant 0 : i32
    %c0_i32_0 = arith.constant 0 : i32
    %c0_i32_1 = arith.constant 0 : i32
    return %arg0, %c0_i32, %c0_i32_0 : i32, i32, i32
  }
}

</mosaic_0001>

<sc_bundles>
// kernel: kernel.11.cloned.1.call-start
scs
__scs_entry_jumppad:
0x0: {  	(pc) =	sbr.rel $0x88, $3  }
0x1: {  	(tag) =	ssettag $0x0;
	lr =	simm.s32 $0x1  }
0x2: {  	[smem:$0x3F91] =	sst lr;
	_ =	strace $0xD0000000  }
0x3: {  	_ = 	snop  }
0x4: {  	_ = 	snop  }
0x5: {  	_ = 	snop  }
0x6: {  	_ = 	snop  }
0x7: {  	_ = 	snop  }
__scs_overlays_trampoline_lowered:
0x8: {  	[smem:$0x3FA0] =	sst s0  }
0x9: {  	[smem:$0x3FA1] =	sst s1  }
0xa: {  	[smem:$0x3FA2] =	sst s2  }
0xb: {  	[smem:$0x3FA3] =	sst s3  }
0xc: {  	[smem:$0x3FA4] =	sst s4  }
0xd: {  	[smem:$0x3FA5] =	sst s5  }
0xe: {  	[smem:$0x3FA6] =	sst s6  }
0xf: {  	[smem:$0x3FA7] =	sst s7  }
0x10: {  	[smem:$0x3FA8] =	sst s8  }
0x11: {  	[smem:$0x3FA9] =	sst s9;
	s0 =	simm.s32 @!p0 $0x0  }
0x12: {  	s1 =	sld [smem:$0x3F8F];
	s0 =	simm.s32 @p0 $0x1  }
0x13: {  	[smem:$0x3FAA] =	sst s0;
	s0 =	simm.s32 @!p1 $0x0  }
0x14: {  	s2 =	sld [smem:$0x3F8E];
	s0 =	simm.s32 @p1 $0x1  }
0x15: {  	[smem:$0x3FAB] =	sst s0;
	s0 =	simm.s32 @!p2 $0x0  }
0x16: {  	s3 =	sld [smem:$0x3FDB];
	s0 =	simm.s32 @p2 $0x1  }
0x17: {  	s4 =	simm.s32 $0x1BF5;
	[smem:$0x3FAD] =	sst s0  }
0x18: {  	s0 =	sld [smem:$0x3F90];
	_ =	swait.ge [sflag:s4], $0x0  }
0x19: {  	s7 =	sld [smem:$0x3F91]  }
0x1a: {  	s8 =	sadd.s32 $0xFFFFE003, lr  }
0x1b: {  	s9 =	sadd.s32 $0xFFFFFEF7, lr;
	s5 =	simm.s32 $0xFFFFFFFF;
	p2 =	slt.u32 s8, $0xFFFFF086  }
0x1c: {  	p1 =	slt.u32 s9, $0xF7A;
	s5 =	simm.s32 @!p2 $0x0  }
0x1d: {  	s5 =	simm.s32 @p1 $0x1;
	p0 =	seq.s32 s7, s2  }
0x1e: {  	s7 =	smul.u32 @!p0 $0xF7A, s2;
	p2 =	seq.s32 @!p0 s5, $0x0  }
0x1f: {  	s9 =	smul.u32 $0xF7A, s1;
	s8 =	simm.s32 @!p0 $0x1BF5;
	p2 =	por !p2, p0  }
0x20: {  	[sflag:s8] =	ssyncset.s32 @!p0 $0xFFFFF086;
	s6 =	sadd.s32 @!p0 s3, s7;
	s7 =	simm.s32 @!p0 $0x108  }
0x21: {  	s3 =	sadd.s32 s3, s9;
	s6 =	sadd.s32 @!p0 $0x88, s6;
	s7 =	simm.s32 @p2 $0x1082  }
0x22: {  	[simem:s7], [sflag:s8] =	dma.local @!p0 [hbm:s6], $0xF7A  }
0x23: {  	s9 =	sor.u32 $0xD0000000, s2;
	s6 =	simm.s32 $0x108;
	_ =	swait.ge @!p0 [sflag:s8], $0x0  }
0x24: {  	s3 =	sadd.s32 $0x88, s3;
	s6 =	simm.s32 @!p1 $0x1082;
	[sflag:s4] =	ssyncset.s32 $0xFFFFF086  }
0x25: {  	[simem:s6], [sflag:s4] =	dma.local [hbm:s3], $0xF7A  }
0x26: {  	[smem:$0x3F91] =	sst s1;
	(tag) =	ssettag s2;
	_ =	strace s9  }
0x27: {  	s1 =	sld [smem:$0x3FA1]  }
0x28: {  	s2 =	sld [smem:$0x3FA2]  }
0x29: {  	s4 =	sld [smem:$0x3FA4]  }
0x2a: {  	p0 =	seq.s32 s5, $0x0;
	s5 =	sld [smem:$0x3FA5]  }
0x2b: {  	s6 =	sld [smem:$0x3FA6]  }
0x2c: {  	s7 =	sld [smem:$0x3FA7]  }
0x2d: {  	s3 =	simm.s32 $0x108;
	s8 =	sld [smem:$0x3FA8]  }
0x2e: {  	s3 =	simm.s32 @!p0 $0x1082;
	s9 =	sld [smem:$0x3FA9]  }
0x2f: {  	lr =	sadd.s32 s0, s3;
	s0 =	sld [smem:$0x3FA0]  }
0x30: {  	s3 =	sld [smem:$0x3FA3]  }
0x31: {  	[smem:$0x3FAC] =	sst s10  }
0x32: {  	s10 =	sld [smem:$0x3FAA];
	_ =	sdelay $0x3  }
0x33: {  	p0 =	seq.s32 s10, $0x1;
	s10 =	sld [smem:$0x3FAC];
	_ =	sdelay $0x3  }
0x34: {  	[smem:$0x3FAC] =	sst s10  }
0x35: {  	s10 =	sld [smem:$0x3FAB];
	_ =	sdelay $0x3  }
0x36: {  	p1 =	seq.s32 s10, $0x1;
	s10 =	sld [smem:$0x3FAC];
	_ =	sdelay $0x3  }
0x37: {  	[smem:$0x3FAC] =	sst s10  }
0x38: {  	s10 =	sld [smem:$0x3FAD]  }
0x39: {  	_ = 	snop;
	(pc) =	sbr.ind lr, $3  }
0x3a: {  	_ = 	snop  }
0x3b: {  	_ = 	snop  }
0x3c: {  	p2 =	seq.s32 s10, $0x1;
	s10 =	sld [smem:$0x3FAC]  }
0x3d: {  	_ =	shalt  }
0x3e: {  	_ =	shalt  }
0x3f: {  	_ =	shalt  }
0x40: {  	_ =	shalt  }
0x41: {  	_ =	shalt  }
0x42: {  	_ =	shalt  }
0x43: {  	_ =	shalt  }
0x44: {  	_ =	shalt  }
0x45: {  	_ =	shalt  }
0x46: {  	_ =	shalt  }
0x47: {  	_ =	shalt  }
0x48: {  	_ =	shalt  }
0x49: {  	_ =	shalt  }
0x4a: {  	_ =	shalt  }
0x4b: {  	_ =	shalt  }
0x4c: {  	_ =	shalt  }
0x4d: {  	_ =	shalt  }
0x4e: {  	_ =	shalt  }
0x4f: {  	_ =	shalt  }
0x50: {  	_ =	shalt  }
0x51: {  	_ =	shalt  }
0x52: {  	_ =	shalt  }
0x53: {  	_ =	shalt  }
0x54: {  	_ =	shalt  }
0x55: {  	_ =	shalt  }
0x56: {  	_ =	shalt  }
0x57: {  	_ =	shalt  }
0x58: {  	_ =	shalt  }
0x59: {  	_ =	shalt  }
0x5a: {  	_ =	shalt  }
0x5b: {  	_ =	shalt  }
0x5c: {  	_ =	shalt  }
0x5d: {  	_ =	shalt  }
0x5e: {  	_ =	shalt  }
0x5f: {  	_ =	shalt  }
0x60: {  	_ =	shalt  }
0x61: {  	_ =	shalt  }
0x62: {  	_ =	shalt  }
0x63: {  	_ =	shalt  }
0x64: {  	_ =	shalt  }
0x65: {  	_ =	shalt  }
0x66: {  	_ =	shalt  }
0x67: {  	_ =	shalt  }
0x68: {  	_ =	shalt  }
0x69: {  	_ =	shalt  }
0x6a: {  	_ =	shalt  }
0x6b: {  	_ =	shalt  }
0x6c: {  	_ =	shalt  }
0x6d: {  	_ =	shalt  }
0x6e: {  	_ =	shalt  }
0x6f: {  	_ =	shalt  }
0x70: {  	_ =	shalt  }
0x71: {  	_ =	shalt  }
0x72: {  	_ =	shalt  }
0x73: {  	_ =	shalt  }
0x74: {  	_ =	shalt  }
0x75: {  	_ =	shalt  }
0x76: {  	_ =	shalt  }
0x77: {  	_ =	shalt  }
0x78: {  	_ =	shalt  }
0x79: {  	_ =	shalt  }
0x7a: {  	_ =	shalt  }
0x7b: {  	_ =	shalt  }
0x7c: {  	_ =	shalt  }
0x7d: {  	_ =	shalt  }
0x7e: {  	_ =	shalt  }
0x7f: {  	_ =	shalt  }
0x80: {  	_ =	shalt  }
0x81: {  	_ =	shalt  }
0x82: {  	_ =	shalt  }
0x83: {  	_ =	shalt  }
0x84: {  	_ =	shalt  }
0x85: {  	_ =	shalt  }
0x86: {  	_ =	shalt  }
0x87: {  	_ =	shalt  }
.Lfunc_end0:
.L_simem_size_0:
called_computation.1_lowered:
.L_overlay_start_0:
0x88: {  	s2 =	sld [smem:$0x3FD9]  }
0x89: {  	s3 =	sld [smem:$0x3FFE];
	_ =	sdelay $0x1  }
0x8a: {  	s1 =	srdreg.scid  }
0x8b: {  	s0 =	sand.u32 $0x1, s1  }
0x8c: {  	s17 =	sshll.u32 s0, $0xA;
	s2 =	sadd.s32 s3, s2  }
0x8d: {  	s2 =	sadd.s32 s2, s17  }
0x8e: {  	[smem:$0x3FB8] =	sst s2  }
0x8f: {  	_ = 	snop  }
0x90: {  	s18 =	sld [smem:$0x3FC5]  }
0x91: {  	s4 =	sld [smem:$0x3FC4];
	(tm) =	ssettm $0x1  }
0x92: {  	s19 =	sld [smem:$0x3FFB];
	_ =	sdelay $0x3  }
0x93: {  	_ =	strace s19  }
0x94: {  	s2 =	sld [smem:$0x3FFC];
	_ =	sdelay $0x3  }
0x95: {  	_ =	strace s2  }
0x96: {  	s2 =	sld [smem:$0x3FFD];
	_ =	sdelay $0x3  }
0x97: {  	_ =	strace s2  }
0x98: {  	_ =	strace $0x8FFFFFFF  }
0x99: {  	s20 =	sld [smem:$0x3FDB];
	_ =	sdelay $0x1  }
0x9a: {  	s5 =	simm.s32 $_scs_section_size  }
0x9b: {  	s6 =	simm.s32 $_size__tile_overlayer_lowered;
	s7 =	simm.s32 $_tile_overlayer_lowered  }
0x9c: {  	s8 =	simm.s32 $0x1BFF;
	s21 =	sshll.u32 s7, $0x1;
	s5 =	sadd.s32 s5, s20  }
0x9d: {  	s22 =	simm.s32 $0x0;
	s6 =	sshll.u32 s6, $0x1;
	s7 =	sadd.s32 s21, s5  }
0x9e: {  	[timem:s22], [sflag:s8] =	dma.local [hbm:s7], s6  }
0x9f: {  	_ =	swait.ge [sflag:s8], s6  }
0xa0: {  	s6 =	ssub.s32 $0x0, s6;
	[sflag:s8] =	ssyncset.done $0x0  }
0xa1: {  	[sflag:s8] =	ssyncadd.s32 s6;
	_ =	sdelay $0x1  }
0xa2: {  	s23 =	simm.s32 $0x1B8B  }
0xa3: {  	_ =	swait.ge [sflag:s23], $0x1  }
0xa4: {  	[sflag:s23] =	ssyncset.done $0x0  }
0xa5: {  	[sflag:s23] =	ssyncadd.s32 $0xFFFFFFFF  }
0xa6: {  	s6 =	sld [smem:$0x0]  }
0xa7: {  	s7 =	sand.u32 $0xFFFFFFFE, s1  }
0xa8: {  	p0 =	sne.s32 s1, s7  }
0xa9: {  	s7 =	sshll.u32 @p0 s7, $0xE  }
0xaa: {  	s7 =	sadd.s32 @p0 $0x11B8D, s7;
	s8 =	sshll.u32 @p0 s6, $0x11  }
0xab: {  	s7 =	sor.u32 @p0 s8, s7  }
0xac: {  	[sflag:s7] =	ssyncadd.remote.s32 @p0 $0x1;
	_ =	sdelay $0x1  }
0xad: {  	s7 =	simm.s32 @p0 $0x1B8D  }
0xae: {  	_ =	swait.eq @p0 [sflag:s7], $0x1  }
0xaf: {  	[sflag:s7] =	ssyncadd.s32 @p0 $0xFFFFFFFF  }
0xb0: {  	s8 =	sshll.u32 @!p0 s1, $0xE  }
0xb1: {  	s8 =	sor.u32 @!p0 $0x4000, s8;
	s7 =	simm.s32 @!p0 $0x1B8D  }
0xb2: {  	s6 =	sshll.u32 @!p0 s6, $0x11;
	s8 =	sadd.s32 @!p0 $0x11B8D, s8;
	_ =	swait.eq @!p0 [sflag:s7], $0x1  }
0xb3: {  	s6 =	sor.u32 @!p0 s6, s8;
	[sflag:s7] =	ssyncadd.s32 @!p0 $0xFFFFFFFF  }
0xb4: {  	s25 =	simm.s32 $0x1B8E;
	s24 =	sld [smem:$0x3FFE];
	[sflag:s6] =	ssyncadd.remote.s32 @!p0 $0x1  }
0xb5: {  	s26 =	simm.s32 $execute0_lowered;
	[smem:$0x3FD2] =	sst s25  }
0xb6: {  	s7 =	sshll.u32 s26, $0x1;
	_ =	strace $0x80000049;
	[dreg:$0x1] =	wrdreg $0xFFFFFFFF  }
0xb7: {  	s28 =	simm.s32 $_size_execute0_lowered;
	s5 =	sadd.s32 s5, s7;
	[dreg:$0x0] =	wrdreg $0x0  }
0xb8: {  	s7 =	sshll.u32 s28, $0x1;
	[dreg:$0x2] =	wrdreg s5  }
0xb9: {  	[dreg:$0x3] =	wrdreg s7  }
0xba: {  	[dreg:$0x4] =	wrdreg $0xC0  }
0xbb: {  	_ =	task [dreg:s22], $0x5FFFF  }
0xbc: {  	[dreg:$0x1] =	wrdreg $0xFFFFFFFF  }
0xbd: {  	[dreg:$0x0] =	wrdreg $0x60  }
0xbe: {  	[dreg:$0x2] =	wrdreg s18  }
0xbf: {  	[dreg:$0x3] =	wrdreg s4  }
0xc0: {  	[dreg:$0x4] =	wrdreg s24  }
0xc1: {  	[dreg:$0x5] =	wrdreg $0x7000  }
0xc2: {  	[dreg:$0x6] =	wrdreg $0xA  }
0xc3: {  	_ =	task.clear_ibuf [dreg:s22], $0x7FFFF;
	_ =	strace $0x90000049  }
0xc4: {  	s29 =	simm.s32 $0xA;
	_ =	strace $0x8000004B  }
0xc5: {  	_ =	swait.ge [sflag:s29], $0x1  }
0xc6: {  	[sflag:s29] =	ssyncadd.s32 $0xFFFFFFFF  }
0xc7: {  	_ =	strace $0x9000004B  }
0xc8: {  	_ =	sfence  }
0xc9: {  	s30 =	sld [smem:$0x0];
	_ =	sdelay $0x2  }
0xca: {  	s31 =	sshll.u32 s1, $0xD;
	s1 =	sshrl.u32 s1, $0x2  }
0xcb: {  	s4 =	sand.u32 $0x4000, s31;
	s1 =	sadd.s32 s1, s30  }
0xcc: {  	s0 =	sor.u32 s4, s0;
	s1 =	sshll.u32 s1, $0x11  }
0xcd: {  	s0 =	sor.u32 s1, s0  }
0xce: {  	s0 =	sadd.s32 $0x8F2B, s0  }
0xcf: {  	[sflag:s0] =	ssyncadd.remote.s32 $0x1  }
0xd0: {  	_ =	sfence.sel $0xFFFF  }
0xd1: {  	[dreg:$0x0] =	wrdreg $0xFFFFFFFF;
	(pc) =	sbr.abs _section_cstart, $3  }
0xd2: {  	[dreg:$0x1] =	wrdreg $0xFFFFFFFF  }
0xd3: {  	_ =	task.clear_ibuf [dreg:s22], $0x2FFFF;
	_ =	strace $0x9FFFFFFF  }
0xd4: {  	(tm) =	ssettm $0x7FFFFFFF  }
0xd5: {  	_ =	shalt  }
tec
execute0_lowered:
.L_overlay_start_1:
0x0: {  	(tag) =	ssettag $0x1  }
0x1: {  	s2 =	rddreg [dreg:$0x0]  }
0x2: {  	s0 =	rddreg [dreg:$0x1]  }
0x3: {  	s14 =	srdreg.scid;
	s4 =	rddreg [dreg:$0x2]  }
0x4: {  	s5 =	stileid.u32;
	s3 =	rddreg [dreg:$0x3]  }
0x5: {  	s30 =	rddreg [dreg:$0x4];
	s12 =	simm.s32 $0x7648;
	s11 =	simm.s32 $0x11648  }
0x6: {  	s13 =	simm.s32 $0x8;
	p1 =	por $0x0, $0x0;
	[dreg:$0x5] =	wrdreg s0  }
0x7: {  	s0 =	sand.u32 $0x1, s14;
	s1 =	sshll.u32 s5, $0x1;
	s9 =	sadd.s32 $0xCFE00, s4  }
0x8: {  	p0 =	sne.s32 s5, $0x0;
	s14 =	simm.s32 $0xA0;
	s6 =	sor.u32 s0, s1  }
0x9: {  	s5 =	simm.s32 $0xC648;
	s1 =	simm.s32 $0x0;
	s7 =	smul.u32 $0x64, s6  }
0xa: {  	s0 =	ssub.s32 $0x2, s0;
	s28 =	sshrl.u32 @!p0 s3, $0x3;
	s8 =	smul.u32 $0x3200, s6  }
0xb: {  	[smem:$0x7FF] =	sst s1;
	s6 =	smul.u32 $0x19000, s6;
	s26 =	sshrl.u32 s0, $0x1  }
0xc: {  	_ =	strace $0x8000004A;
	s0 =	ssub.s32 s0, s26;
	s26 =	simm.s32 $0x420  }
0xd: {  	s7 =	sadd.s32 s7, s4;
	s4 =	sadd.s32 $0x133E00, s4;
	s15 =	sadd.s32 s9, s8  }
0xe: {  	s6 =	sshrl.u32 s6, $0x3;
	s0 =	smax.u32 s0, $0x1;
	s10 =	sadd.s32 $0xCF000, s7  }
0xf: {  	s7 =	sadd.s32 $0x4400, s7;
	[dreg:$0x8] =	wrdreg s15;
	s16 =	sadd.s32 s4, s8  }
0x10: {  	s17 =	sadd.s32 $0xA00, s6;
	s31 =	sadd.s32 $0xFFFFFFFF, s0;
	s0 =	rddreg [dreg:$0x5]  }
0x11: {  	s20 =	sadd.s32 $0x1400, s6;
	s23 =	sadd.s32 $0x1E00, s6;
	[dreg:$0x6] =	wrdreg s10  }
0x12: {  	s6 =	sadd.s32 $0x2800, s6;
	s8 =	simm.s32 $0x5;
	[dreg:$0x7] =	wrdreg s7  }
0x13: {  	s15 =	simm.s32 $0x6;
	[dreg:$0x9] =	wrdreg s16;
	s18 =	sadd.s32 s9, s17  }
0x14: {  	s19 =	sadd.s32 s4, s17;
	s21 =	sadd.s32 s9, s20;
	s22 =	sadd.s32 s4, s20  }
0x15: {  	s24 =	sadd.s32 s9, s23;
	s25 =	sadd.s32 s4, s23;
	[dreg:$0xa] =	wrdreg s18  }
0x16: {  	s29 =	sadd.s32 s9, s6;
	s4 =	sadd.s32 s4, s6;
	[dreg:$0xb] =	wrdreg s19  }
0x17: {  	s7 =	simm.s32 $0x2648;
	s10 =	simm.s32 $0x1;
	[dreg:$0xc] =	wrdreg s21  }
0x18: {  	s9 =	simm.s32 $0x3;
	p2 =	sne.s32 s31, $0x0;
	[dreg:$0xd] =	wrdreg s22  }
.Ltmp0:
0x19: {  	s6 =	simm.s32 $0x7;
	[dreg:$0xe] =	wrdreg s24;
	(pc) =	sbr.rel @!p2 .LBB2_5-.Ltmp0, $4  }
0x1a: {  	s23 =	simm.s32 $0x4C0;
	s17 =	simm.s32 $0x2;
	[dreg:$0xf] =	wrdreg s25  }
0x1b: {  	s16 =	simm.s32 $0x4;
	s20 =	simm.s32 $0x1E0;
	[dreg:$0x10] =	wrdreg s29  }
0x1c: {  	s25 =	simm.s32 $0x9;
	s24 =	simm.s32 $0x380;
	s22 =	simm.s32 $0x140  }
0x1d: {  	s21 =	simm.s32 $0x560;
	s18 =	simm.s32 $0x280;
	s19 =	simm.s32 $0x600  }
0x1e: {  	s29 =	simm.s32 @!p0 $0x1C09;
	s30 =	simm.s32 @!p0 $0x9  }
0x1f: {  	[spmem:s28], [sflag:s29] =	dma.local @!p0 [hbm:s0], $0x3E90  }
0x20: {  	_ =	swait.ge @!p0 [sflag:s30], $0x3E90  }
0x21: {  	[sflag:s30] =	ssyncset.done @!p0 $0x0  }
0x22: {  	[sflag:s30] =	ssyncadd.s32 @!p0 $0xFFFFC170  }
0x23: {  	[bflag:$0x0] =	sbarrier.arrive $0xFFFF  }
0x24: {  	s0 =	rddreg [dreg:$0x6]  }
0x25: {  	[tilespmem:s1], [sflag:$0x9] =	stream.linear.gather [hbm4b:s0+s1], $0x320, $0x38;
	[tilespmem:$0x16648] =	vst v63  }
0x26: {  	_ =	swait.ge [sflag:s25], $0x320  }
0x27: {  	[sflag:s25] =	ssyncset.done $0x0  }
0x28: {  	s0 =	rddreg [dreg:$0x7];
	[sflag:s25] =	ssyncadd.s32 $0xFFFFFCE0  }
0x29: {  	[tilespmem:s24], [sflag:$0x9] =	stream.linear.gather [hbm4b:s0+s1], $0x320, $0x38;
	[tilespmem:$0x16648] =	vst v63  }
0x2a: {  	_ =	swait.ge [sflag:s25], $0x320  }
0x2b: {  	[sflag:s25] =	ssyncset.done $0x0  }
0x2c: {  	[sflag:s25] =	ssyncadd.s32 $0xFFFFFCE0  }
0x2d: {  	[tilespmem:s7], [sflag:$0x1] =	stream.indirect.gather [hbm4b:s2+s14], $0x80, s1, s14, $0xb8;
	[tilespmem:$0x16648] =	vst v63  }
0x2e: {  	_ = 	snop  }
0x2f: {  	[tilespmem:s5], [sflag:$0x3] =	stream.indirect.gather [spmem:s3], $0x80, s24, s14, $0xb8;
	[tilespmem:$0x16648] =	vst v63  }
0x30: {  	_ = 	snop  }
0x31: {  	[tilespmem:s12], [sflag:$0x2] =	stream.indirect.gather [hbm4b:s2+s14], $0x80, s14, s14, $0xb8;
	[tilespmem:$0x16648] =	vst v63  }
0x32: {  	_ = 	snop  }
0x33: {  	[tilespmem:s11], [sflag:$0x4] =	stream.indirect.gather [spmem:s3], $0x80, s26, s14, $0xb8;
	[tilespmem:$0x16648] =	vst v63  }
0x34: {  	_ =	swait.ge [sflag:s10], $0x5000  }
0x35: {  	[sflag:s10] =	ssyncset.done $0x0  }
0x36: {  	s0 =	rddreg [dreg:$0x8];
	[sflag:s10] =	ssyncadd.s32 $0xFFFFB000  }
0x37: {  	[hbm4b:s0+s1] =	stream.linear.scatter [tilespmem:s7], [sflag:$0x5], $0x5000, $0x38;
	[tilespmem:$0x16648] =	vst v63  }
0x38: {  	_ =	swait.ge [sflag:s9], $0x5000  }
0x39: {  	[sflag:s9] =	ssyncset.done $0x0  }
0x3a: {  	s0 =	rddreg [dreg:$0x9];
	[sflag:s9] =	ssyncadd.s32 $0xFFFFB000  }
0x3b: {  	[hbm4b:s0+s1] =	stream.linear.scatter [tilespmem:s5], [sflag:$0x7], $0x5000, $0x38;
	[tilespmem:$0x16648] =	vst v63  }
0x3c: {  	_ =	swait.ge [sflag:s8], $0x5000  }
0x3d: {  	[sflag:s8] =	ssyncset.done $0x0  }
0x3e: {  	[sflag:s8] =	ssyncadd.s32 $0xFFFFB000  }
0x3f: {  	_ =	swait.ge [sflag:s6], $0x5000  }
0x40: {  	[sflag:s6] =	ssyncset.done $0x0  }
0x41: {  	[sflag:s6] =	ssyncadd.s32 $0xFFFFB000  }
0x42: {  	[tilespmem:s7], [sflag:$0x1] =	stream.indirect.gather [hbm4b:s2+s14], $0x80, s22, s14, $0xb8;
	[tilespmem:$0x16648] =	vst v63  }
0x43: {  	_ = 	snop  }
0x44: {  	[tilespmem:s5], [sflag:$0x3] =	stream.indirect.gather [spmem:s3], $0x80, s23, s14, $0xb8;
	[tilespmem:$0x16648] =	vst v63  }
0x45: {  	_ =	swait.ge [sflag:s17], $0x5000  }
0x46: {  	[sflag:s17] =	ssyncset.done $0x0  }
0x47: {  	s0 =	rddreg [dreg:$0xa];
	[sflag:s17] =	ssyncadd.s32 $0xFFFFB000  }
0x48: {  	[hbm4b:s0+s1] =	stream.linear.scatter [tilespmem:s12], [sflag:$0x6], $0x5000, $0x38;
	[tilespmem:$0x16648] =	vst v63  }
0x49: {  	_ =	swait.ge [sflag:s16], $0x5000  }
0x4a: {  	[sflag:s16] =	ssyncset.done $0x0  }
0x4b: {  	s0 =	rddreg [dreg:$0xb];
	[sflag:s16] =	ssyncadd.s32 $0xFFFFB000  }
0x4c: {  	[hbm4b:s0+s1] =	stream.linear.scatter [tilespmem:s11], [sflag:$0x8], $0x5000, $0x38;
	[tilespmem:$0x16648] =	vst v63  }
0x4d: {  	_ =	swait.ge [sflag:s15], $0x5000  }
0x4e: {  	[sflag:s15] =	ssyncset.done $0x0  }
0x4f: {  	[sflag:s15] =	ssyncadd.s32 $0xFFFFB000  }
0x50: {  	_ =	swait.ge [sflag:s13], $0x5000  }
0x51: {  	[sflag:s13] =	ssyncset.done $0x0  }
0x52: {  	[sflag:s13] =	ssyncadd.s32 $0xFFFFB000  }
0x53: {  	[tilespmem:s12], [sflag:$0x2] =	stream.indirect.gather [hbm4b:s2+s14], $0x80, s20, s14, $0xb8;
	[tilespmem:$0x16648] =	vst v63  }
0x54: {  	_ = 	snop  }
0x55: {  	[tilespmem:s11], [sflag:$0x4] =	stream.indirect.gather [spmem:s3], $0x80, s21, s14, $0xb8;
	[tilespmem:$0x16648] =	vst v63  }
0x56: {  	_ =	swait.ge [sflag:s10], $0x5000  }
0x57: {  	[sflag:s10] =	ssyncset.done $0x0  }
0x58: {  	s0 =	rddreg [dreg:$0xc];
	[sflag:s10] =	ssyncadd.s32 $0xFFFFB000  }
0x59: {  	[hbm4b:s0+s1] =	stream.linear.scatter [tilespmem:s7], [sflag:$0x5], $0x5000, $0x38;
	[tilespmem:$0x16648] =	vst v63  }
0x5a: {  	_ =	swait.ge [sflag:s9], $0x5000  }
0x5b: {  	[sflag:s9] =	ssyncset.done $0x0  }
0x5c: {  	s0 =	rddreg [dreg:$0xd];
	[sflag:s9] =	ssyncadd.s32 $0xFFFFB000  }
0x5d: {  	[hbm4b:s0+s1] =	stream.linear.scatter [tilespmem:s5], [sflag:$0x7], $0x5000, $0x38;
	[tilespmem:$0x16648] =	vst v63  }
0x5e: {  	_ =	swait.ge [sflag:s8], $0x5000  }
0x5f: {  	[sflag:s8] =	ssyncset.done $0x0  }
0x60: {  	[sflag:s8] =	ssyncadd.s32 $0xFFFFB000  }
0x61: {  	_ =	swait.ge [sflag:s6], $0x5000  }
0x62: {  	[sflag:s6] =	ssyncset.done $0x0  }
0x63: {  	[sflag:s6] =	ssyncadd.s32 $0xFFFFB000  }
0x64: {  	[tilespmem:s7], [sflag:$0x1] =	stream.indirect.gather [hbm4b:s2+s14], $0x80, s18, s14, $0xb8;
	[tilespmem:$0x16648] =	vst v63  }
0x65: {  	_ = 	snop  }
0x66: {  	[tilespmem:s5], [sflag:$0x3] =	stream.indirect.gather [spmem:s3], $0x80, s19, s14, $0xb8;
	[tilespmem:$0x16648] =	vst v63  }
0x67: {  	_ =	swait.ge [sflag:s17], $0x5000  }
0x68: {  	[sflag:s17] =	ssyncset.done $0x0  }
0x69: {  	s0 =	rddreg [dreg:$0xe];
	[sflag:s17] =	ssyncadd.s32 $0xFFFFB000  }
0x6a: {  	[hbm4b:s0+s1] =	stream.linear.scatter [tilespmem:s12], [sflag:$0x6], $0x5000, $0x38;
	[tilespmem:$0x16648] =	vst v63  }
0x6b: {  	_ =	swait.ge [sflag:s16], $0x5000  }
0x6c: {  	[sflag:s16] =	ssyncset.done $0x0  }
0x6d: {  	s0 =	rddreg [dreg:$0xf];
	[sflag:s16] =	ssyncadd.s32 $0xFFFFB000  }
0x6e: {  	[hbm4b:s0+s1] =	stream.linear.scatter [tilespmem:s11], [sflag:$0x8], $0x5000, $0x38;
	[tilespmem:$0x16648] =	vst v63  }
0x6f: {  	_ =	swait.ge [sflag:s15], $0x5000  }
0x70: {  	[sflag:s15] =	ssyncset.done $0x0  }
0x71: {  	[sflag:s15] =	ssyncadd.s32 $0xFFFFB000  }
0x72: {  	_ =	swait.ge [sflag:s13], $0x5000  }
0x73: {  	[sflag:s13] =	ssyncset.done $0x0  }
0x74: {  	[sflag:s13] =	ssyncadd.s32 $0xFFFFB000  }
0x75: {  	_ =	swait.ge [sflag:s10], $0x5000  }
0x76: {  	[sflag:s10] =	ssyncset.done $0x0  }
0x77: {  	s0 =	rddreg [dreg:$0x10];
	[sflag:s10] =	ssyncadd.s32 $0xFFFFB000  }
0x78: {  	[hbm4b:s0+s1] =	stream.linear.scatter [tilespmem:s7], [sflag:$0x5], $0x5000, $0x38;
	[tilespmem:$0x16648] =	vst v63  }
0x79: {  	_ =	swait.ge [sflag:s9], $0x5000  }
0x7a: {  	s31 =	sadd.s32 $0xFFFFFFFF, s31;
	[sflag:s9] =	ssyncset.done $0x0  }
0x7b: {  	p2 =	sne.s32 s31, $0x0;
	[sflag:s9] =	ssyncadd.s32 $0xFFFFB000  }
0x7c: {  	[hbm4b:s4+s1] =	stream.linear.scatter [tilespmem:s5], [sflag:$0x7], $0x5000, $0x38;
	[tilespmem:$0x16648] =	vst v63  }
.Ltmp1:
0x7d: {  	_ =	swait.ge [sflag:s8], $0x5000;
	(pc) =	sbr.rel @!p2 .LBB2_2-.Ltmp1, $4  }
0x7e: {  	[sflag:s8] =	ssyncset.done $0x0  }
0x7f: {  	[sflag:s8] =	ssyncadd.s32 $0xFFFFB000  }
0x80: {  	_ =	swait.ge [sflag:s6], $0x5000  }
0x81: {  	p1 =	por $0x1, $0x1;
	s0 =	rddreg [dreg:$0x5];
	[sflag:s6] =	ssyncset.done $0x0  }
.LBB2_3:
0x82: {  	[sflag:s6] =	ssyncadd.s32 $0xFFFFB000  }
0x83: {  	[spmem:s28], [sflag:s29] =	dma.local @!p0 [hbm:s0], $0x3E90  }
0x84: {  	_ =	swait.ge @!p0 [sflag:s30], $0x3E90  }
0x85: {  	[sflag:s30] =	ssyncset.done @!p0 $0x0  }
0x86: {  	[sflag:s30] =	ssyncadd.s32 @!p0 $0xFFFFC170  }
0x87: {  	[bflag:$0x0] =	sbarrier.arrive $0xFFFF  }
0x88: {  	s0 =	rddreg [dreg:$0x6]  }
0x89: {  	[tilespmem:s1], [sflag:$0x9] =	stream.linear.gather [hbm4b:s0+s1], $0x320, $0x38;
	[tilespmem:$0x16648] =	vst v63  }
0x8a: {  	_ =	swait.ge [sflag:s25], $0x320  }
0x8b: {  	[sflag:s25] =	ssyncset.done $0x0  }
0x8c: {  	s0 =	rddreg [dreg:$0x7];
	[sflag:s25] =	ssyncadd.s32 $0xFFFFFCE0  }
0x8d: {  	[tilespmem:s24], [sflag:$0x9] =	stream.linear.gather [hbm4b:s0+s1], $0x320, $0x38;
	[tilespmem:$0x16648] =	vst v63  }
0x8e: {  	_ =	swait.ge [sflag:s25], $0x320  }
0x8f: {  	[sflag:s25] =	ssyncset.done $0x0  }
0x90: {  	[sflag:s25] =	ssyncadd.s32 $0xFFFFFCE0  }
0x91: {  	[tilespmem:s7], [sflag:$0x1] =	stream.indirect.gather [hbm4b:s2+s14], $0x80, s1, s14, $0xb8;
	[tilespmem:$0x16648] =	vst v63  }
0x92: {  	_ = 	snop  }
0x93: {  	[tilespmem:s5], [sflag:$0x3] =	stream.indirect.gather [spmem:s3], $0x80, s24, s14, $0xb8;
	[tilespmem:$0x16648] =	vst v63  }
0x94: {  	_ = 	snop  }
0x95: {  	[tilespmem:s12], [sflag:$0x2] =	stream.indirect.gather [hbm4b:s2+s14], $0x80, s14, s14, $0xb8;
	[tilespmem:$0x16648] =	vst v63  }
0x96: {  	_ = 	snop  }
0x97: {  	[tilespmem:s11], [sflag:$0x4] =	stream.indirect.gather [spmem:s3], $0x80, s26, s14, $0xb8;
	[tilespmem:$0x16648] =	vst v63  }
0x98: {  	_ =	swait.ge [sflag:s10], $0x5000  }
0x99: {  	[sflag:s10] =	ssyncset.done $0x0  }
0x9a: {  	s0 =	rddreg [dreg:$0x8];
	[sflag:s10] =	ssyncadd.s32 $0xFFFFB000  }
0x9b: {  	[hbm4b:s0+s1] =	stream.linear.scatter [tilespmem:s7], [sflag:$0x5], $0x5000, $0x38;
	[tilespmem:$0x16648] =	vst v63  }
0x9c: {  	_ =	swait.ge [sflag:s9], $0x5000  }
0x9d: {  	[sflag:s9] =	ssyncset.done $0x0  }
0x9e: {  	s0 =	rddreg [dreg:$0x9];
	[sflag:s9] =	ssyncadd.s32 $0xFFFFB000  }
0x9f: {  	[hbm4b:s0+s1] =	stream.linear.scatter [tilespmem:s5], [sflag:$0x7], $0x5000, $0x38;
	[tilespmem:$0x16648] =	vst v63  }
0xa0: {  	_ =	swait.ge [sflag:s8], $0x5000  }
0xa1: {  	[sflag:s8] =	ssyncset.done $0x0  }
0xa2: {  	[sflag:s8] =	ssyncadd.s32 $0xFFFFB000  }
0xa3: {  	_ =	swait.ge [sflag:s6], $0x5000  }
0xa4: {  	[sflag:s6] =	ssyncset.done $0x0  }
0xa5: {  	[sflag:s6] =	ssyncadd.s32 $0xFFFFB000  }
0xa6: {  	[tilespmem:s7], [sflag:$0x1] =	stream.indirect.gather [hbm4b:s2+s14], $0x80, s22, s14, $0xb8;
	[tilespmem:$0x16648] =	vst v63  }
0xa7: {  	_ = 	snop  }
0xa8: {  	[tilespmem:s5], [sflag:$0x3] =	stream.indirect.gather [spmem:s3], $0x80, s23, s14, $0xb8;
	[tilespmem:$0x16648] =	vst v63  }
0xa9: {  	_ =	swait.ge [sflag:s17], $0x5000  }
0xaa: {  	[sflag:s17] =	ssyncset.done $0x0  }
0xab: {  	s0 =	rddreg [dreg:$0xa];
	[sflag:s17] =	ssyncadd.s32 $0xFFFFB000  }
0xac: {  	[hbm4b:s0+s1] =	stream.linear.scatter [tilespmem:s12], [sflag:$0x6], $0x5000, $0x38;
	[tilespmem:$0x16648] =	vst v63  }
0xad: {  	_ =	swait.ge [sflag:s16], $0x5000  }
0xae: {  	[sflag:s16] =	ssyncset.done $0x0  }
0xaf: {  	s0 =	rddreg [dreg:$0xb];
	[sflag:s16] =	ssyncadd.s32 $0xFFFFB000  }
0xb0: {  	[hbm4b:s0+s1] =	stream.linear.scatter [tilespmem:s11], [sflag:$0x8], $0x5000, $0x38;
	[tilespmem:$0x16648] =	vst v63  }
0xb1: {  	_ =	swait.ge [sflag:s15], $0x5000  }
0xb2: {  	[sflag:s15] =	ssyncset.done $0x0  }
0xb3: {  	[sflag:s15] =	ssyncadd.s32 $0xFFFFB000  }
0xb4: {  	_ =	swait.ge [sflag:s13], $0x5000  }
0xb5: {  	[sflag:s13] =	ssyncset.done $0x0  }
0xb6: {  	[sflag:s13] =	ssyncadd.s32 $0xFFFFB000  }
0xb7: {  	[tilespmem:s12], [sflag:$0x2] =	stream.indirect.gather [hbm4b:s2+s14], $0x80, s20, s14, $0xb8;
	[tilespmem:$0x16648] =	vst v63  }
0xb8: {  	_ = 	snop  }
0xb9: {  	[tilespmem:s11], [sflag:$0x4] =	stream.indirect.gather [spmem:s3], $0x80, s21, s14, $0xb8;
	[tilespmem:$0x16648] =	vst v63  }
0xba: {  	_ =	swait.ge [sflag:s10], $0x5000  }
0xbb: {  	[sflag:s10] =	ssyncset.done $0x0  }
0xbc: {  	s0 =	rddreg [dreg:$0xc];
	[sflag:s10] =	ssyncadd.s32 $0xFFFFB000  }
0xbd: {  	[hbm4b:s0+s1] =	stream.linear.scatter [tilespmem:s7], [sflag:$0x5], $0x5000, $0x38;
	[tilespmem:$0x16648] =	vst v63  }
0xbe: {  	_ =	swait.ge [sflag:s9], $0x5000  }
0xbf: {  	[sflag:s9] =	ssyncset.done $0x0  }
0xc0: {  	s0 =	rddreg [dreg:$0xd];
	[sflag:s9] =	ssyncadd.s32 $0xFFFFB000  }
0xc1: {  	[hbm4b:s0+s1] =	stream.linear.scatter [tilespmem:s5], [sflag:$0x7], $0x5000, $0x38;
	[tilespmem:$0x16648] =	vst v63  }
0xc2: {  	_ =	swait.ge [sflag:s8], $0x5000  }
0xc3: {  	[sflag:s8] =	ssyncset.done $0x0  }
0xc4: {  	[sflag:s8] =	ssyncadd.s32 $0xFFFFB000  }
0xc5: {  	_ =	swait.ge [sflag:s6], $0x5000  }
0xc6: {  	[sflag:s6] =	ssyncset.done $0x0  }
0xc7: {  	[sflag:s6] =	ssyncadd.s32 $0xFFFFB000  }
0xc8: {  	[tilespmem:s7], [sflag:$0x1] =	stream.indirect.gather [hbm4b:s2+s14], $0x80, s18, s14, $0xb8;
	[tilespmem:$0x16648] =	vst v63  }
0xc9: {  	_ = 	snop  }
0xca: {  	[tilespmem:s5], [sflag:$0x3] =	stream.indirect.gather [spmem:s3], $0x80, s19, s14, $0xb8;
	[tilespmem:$0x16648] =	vst v63  }
0xcb: {  	_ =	swait.ge [sflag:s17], $0x5000  }
0xcc: {  	[sflag:s17] =	ssyncset.done $0x0  }
0xcd: {  	s0 =	rddreg [dreg:$0xe];
	[sflag:s17] =	ssyncadd.s32 $0xFFFFB000  }
0xce: {  	[hbm4b:s0+s1] =	stream.linear.scatter [tilespmem:s12], [sflag:$0x6], $0x5000, $0x38;
	[tilespmem:$0x16648] =	vst v63  }
0xcf: {  	_ =	swait.ge [sflag:s16], $0x5000  }
0xd0: {  	[sflag:s16] =	ssyncset.done $0x0  }
0xd1: {  	s0 =	rddreg [dreg:$0xf];
	[sflag:s16] =	ssyncadd.s32 $0xFFFFB000  }
0xd2: {  	[hbm4b:s0+s1] =	stream.linear.scatter [tilespmem:s11], [sflag:$0x8], $0x5000, $0x38;
	[tilespmem:$0x16648] =	vst v63  }
0xd3: {  	_ =	swait.ge [sflag:s15], $0x5000  }
0xd4: {  	[sflag:s15] =	ssyncset.done $0x0  }
0xd5: {  	[sflag:s15] =	ssyncadd.s32 $0xFFFFB000  }
0xd6: {  	_ =	swait.ge [sflag:s13], $0x5000  }
0xd7: {  	[sflag:s13] =	ssyncset.done $0x0  }
0xd8: {  	[sflag:s13] =	ssyncadd.s32 $0xFFFFB000  }
0xd9: {  	_ =	swait.ge [sflag:s10], $0x5000  }
0xda: {  	[sflag:s10] =	ssyncset.done $0x0  }
0xdb: {  	s0 =	rddreg [dreg:$0x10];
	[sflag:s10] =	ssyncadd.s32 $0xFFFFB000  }
0xdc: {  	[hbm4b:s0+s1] =	stream.linear.scatter [tilespmem:s7], [sflag:$0x5], $0x5000, $0x38;
	[tilespmem:$0x16648] =	vst v63  }
0xdd: {  	_ =	swait.ge [sflag:s9], $0x5000  }
0xde: {  	s31 =	sadd.s32 $0xFFFFFFFF, s31;
	[sflag:s9] =	ssyncset.done $0x0  }
0xdf: {  	p2 =	sne.s32 s31, $0x0;
	[sflag:s9] =	ssyncadd.s32 $0xFFFFB000  }
0xe0: {  	[hbm4b:s4+s1] =	stream.linear.scatter [tilespmem:s5], [sflag:$0x7], $0x5000, $0x38;
	[tilespmem:$0x16648] =	vst v63  }
.Ltmp2:
0xe1: {  	_ =	swait.ge [sflag:s8], $0x5000;
	(pc) =	sbr.rel @p2 .LBB2_3-.Ltmp2, $4  }
0xe2: {  	[sflag:s8] =	ssyncset.done $0x0  }
0xe3: {  	[sflag:s8] =	ssyncadd.s32 $0xFFFFB000  }
0xe4: {  	_ =	swait.ge [sflag:s6], $0x5000  }
0xe5: {  	s0 =	rddreg [dreg:$0x5];
	[sflag:s6] =	ssyncset.done $0x0  }
0xe6: {  	s30 =	rddreg [dreg:$0x4]  }
.LBB2_5:
0xe7: {  	[sflag:s6] =	ssyncadd.s32 @p1 $0xFFFFB000;
	s29 =	simm.s32 @!p0 $0x1C09  }
0xe8: {  	[spmem:s28], [sflag:s29] =	dma.local @!p0 [hbm:s0], $0x3E90  }
0xe9: {  	s0 =	simm.s32 @!p0 $0x9  }
0xea: {  	_ =	swait.ge @!p0 [sflag:s0], $0x3E90  }
0xeb: {  	[sflag:s0] =	ssyncset.done @!p0 $0x0  }
0xec: {  	[sflag:s0] =	ssyncadd.s32 @!p0 $0xFFFFC170  }
0xed: {  	[bflag:$0x0] =	sbarrier.arrive $0xFFFF  }
0xee: {  	s31 =	rddreg [dreg:$0x6]  }
0xef: {  	[tilespmem:s1], [sflag:$0x9] =	stream.linear.gather [hbm4b:s31+s1], $0x320, $0x38;
	[tilespmem:$0x16648] =	vst v63  }
0xf0: {  	_ =	swait.ge [sflag:s25], $0x320  }
0xf1: {  	[sflag:s25] =	ssyncset.done $0x0  }
0xf2: {  	s28 =	rddreg [dreg:$0x7];
	[sflag:s25] =	ssyncadd.s32 $0xFFFFFCE0  }
0xf3: {  	[tilespmem:s24], [sflag:$0x9] =	stream.linear.gather [hbm4b:s28+s1], $0x320, $0x38;
	[tilespmem:$0x16648] =	vst v63  }
0xf4: {  	_ =	swait.ge [sflag:s25], $0x320  }
0xf5: {  	[sflag:s25] =	ssyncset.done $0x0  }
0xf6: {  	[sflag:s25] =	ssyncadd.s32 $0xFFFFFCE0  }
0xf7: {  	[tilespmem:s7], [sflag:$0x1] =	stream.indirect.gather [hbm4b:s2+s14], $0x80, s1, s14, $0xb8;
	[tilespmem:$0x16648] =	vst v63  }
0xf8: {  	_ = 	snop  }
0xf9: {  	[tilespmem:s5], [sflag:$0x3] =	stream.indirect.gather [spmem:s3], $0x80, s24, s14, $0xb8;
	[tilespmem:$0x16648] =	vst v63  }
0xfa: {  	_ = 	snop  }
0xfb: {  	[tilespmem:s12], [sflag:$0x2] =	stream.indirect.gather [hbm4b:s2+s14], $0x80, s14, s14, $0xb8;
	[tilespmem:$0x16648] =	vst v63  }
0xfc: {  	_ = 	snop  }
0xfd: {  	[tilespmem:s11], [sflag:$0x4] =	stream.indirect.gather [spmem:s3], $0x80, s26, s14, $0xb8;
	[tilespmem:$0x16648] =	vst v63  }
0xfe: {  	_ =	swait.ge [sflag:s10], $0x5000  }
0xff: {  	[sflag:s10] =	ssyncset.done $0x0  }
0x100: {  	s29 =	rddreg [dreg:$0x8];
	[sflag:s10] =	ssyncadd.s32 $0xFFFFB000  }
0x101: {  	[hbm4b:s29+s1] =	stream.linear.scatter [tilespmem:s7], [sflag:$0x5], $0x5000, $0x38;
	[tilespmem:$0x16648] =	vst v63  }
0x102: {  	_ =	swait.ge [sflag:s9], $0x5000  }
0x103: {  	[sflag:s9] =	ssyncset.done $0x0  }
0x104: {  	s31 =	rddreg [dreg:$0x9];
	[sflag:s9] =	ssyncadd.s32 $0xFFFFB000  }
0x105: {  	[hbm4b:s31+s1] =	stream.linear.scatter [tilespmem:s5], [sflag:$0x7], $0x5000, $0x38;
	[tilespmem:$0x16648] =	vst v63  }
0x106: {  	_ =	swait.ge [sflag:s8], $0x5000  }
0x107: {  	[sflag:s8] =	ssyncset.done $0x0  }
0x108: {  	[sflag:s8] =	ssyncadd.s32 $0xFFFFB000  }
0x109: {  	_ =	swait.ge [sflag:s6], $0x5000  }
0x10a: {  	[sflag:s6] =	ssyncset.done $0x0  }
0x10b: {  	[sflag:s6] =	ssyncadd.s32 $0xFFFFB000  }
0x10c: {  	[tilespmem:s7], [sflag:$0x1] =	stream.indirect.gather [hbm4b:s2+s14], $0x80, s22, s14, $0xb8;
	[tilespmem:$0x16648] =	vst v63  }
0x10d: {  	_ = 	snop  }
0x10e: {  	[tilespmem:s5], [sflag:$0x3] =	stream.indirect.gather [spmem:s3], $0x80, s23, s14, $0xb8;
	[tilespmem:$0x16648] =	vst v63  }
0x10f: {  	_ =	swait.ge [sflag:s17], $0x5000  }
0x110: {  	[sflag:s17] =	ssyncset.done $0x0  }
0x111: {  	s23 =	rddreg [dreg:$0xa];
	[sflag:s17] =	ssyncadd.s32 $0xFFFFB000  }
0x112: {  	[hbm4b:s23+s1] =	stream.linear.scatter [tilespmem:s12], [sflag:$0x6], $0x5000, $0x38;
	[tilespmem:$0x16648] =	vst v63  }
0x113: {  	_ =	swait.ge [sflag:s16], $0x5000  }
0x114: {  	[sflag:s16] =	ssyncset.done $0x0  }
0x115: {  	s24 =	rddreg [dreg:$0xb];
	[sflag:s16] =	ssyncadd.s32 $0xFFFFB000  }
0x116: {  	[hbm4b:s24+s1] =	stream.linear.scatter [tilespmem:s11], [sflag:$0x8], $0x5000, $0x38;
	[tilespmem:$0x16648] =	vst v63  }
0x117: {  	_ =	swait.ge [sflag:s15], $0x5000  }
0x118: {  	[sflag:s15] =	ssyncset.done $0x0  }
0x119: {  	[sflag:s15] =	ssyncadd.s32 $0xFFFFB000  }
0x11a: {  	_ =	swait.ge [sflag:s13], $0x5000  }
0x11b: {  	[sflag:s13] =	ssyncset.done $0x0  }
0x11c: {  	[sflag:s13] =	ssyncadd.s32 $0xFFFFB000  }
0x11d: {  	[tilespmem:s12], [sflag:$0x2] =	stream.indirect.gather [hbm4b:s2+s14], $0x80, s20, s14, $0xb8;
	[tilespmem:$0x16648] =	vst v63  }
0x11e: {  	_ = 	snop  }
0x11f: {  	[tilespmem:s11], [sflag:$0x4] =	stream.indirect.gather [spmem:s3], $0x80, s21, s14, $0xb8;
	[tilespmem:$0x16648] =	vst v63  }
0x120: {  	_ =	swait.ge [sflag:s10], $0x5000  }
0x121: {  	[sflag:s10] =	ssyncset.done $0x0  }
0x122: {  	s25 =	rddreg [dreg:$0xc];
	[sflag:s10] =	ssyncadd.s32 $0xFFFFB000  }
0x123: {  	[hbm4b:s25+s1] =	stream.linear.scatter [tilespmem:s7], [sflag:$0x5], $0x5000, $0x38;
	[tilespmem:$0x16648] =	vst v63  }
0x124: {  	_ =	swait.ge [sflag:s9], $0x5000  }
0x125: {  	[sflag:s9] =	ssyncset.done $0x0  }
0x126: {  	s26 =	rddreg [dreg:$0xd];
	[sflag:s9] =	ssyncadd.s32 $0xFFFFB000  }
0x127: {  	[hbm4b:s26+s1] =	stream.linear.scatter [tilespmem:s5], [sflag:$0x7], $0x5000, $0x38;
	[tilespmem:$0x16648] =	vst v63  }
0x128: {  	_ =	swait.ge [sflag:s8], $0x5000  }
0x129: {  	[sflag:s8] =	ssyncset.done $0x0  }
0x12a: {  	[sflag:s8] =	ssyncadd.s32 $0xFFFFB000  }
0x12b: {  	_ =	swait.ge [sflag:s6], $0x5000  }
0x12c: {  	[sflag:s6] =	ssyncset.done $0x0  }
0x12d: {  	[sflag:s6] =	ssyncadd.s32 $0xFFFFB000  }
0x12e: {  	[tilespmem:s7], [sflag:$0x1] =	stream.indirect.gather [hbm4b:s2+s14], $0x80, s18, s14, $0xb8;
	[tilespmem:$0x16648] =	vst v63  }
0x12f: {  	_ = 	snop  }
0x130: {  	[tilespmem:s5], [sflag:$0x3] =	stream.indirect.gather [spmem:s3], $0x80, s19, s14, $0xb8;
	[tilespmem:$0x16648] =	vst v63  }
0x131: {  	_ =	swait.ge [sflag:s17], $0x5000  }
0x132: {  	[sflag:s17] =	ssyncset.done $0x0  }
0x133: {  	s28 =	rddreg [dreg:$0xe];
	[sflag:s17] =	ssyncadd.s32 $0xFFFFB000  }
0x134: {  	[hbm4b:s28+s1] =	stream.linear.scatter [tilespmem:s12], [sflag:$0x6], $0x5000, $0x38;
	[tilespmem:$0x16648] =	vst v63  }
0x135: {  	_ =	swait.ge [sflag:s16], $0x5000  }
0x136: {  	[sflag:s16] =	ssyncset.done $0x0  }
0x137: {  	s29 =	rddreg [dreg:$0xf];
	[sflag:s16] =	ssyncadd.s32 $0xFFFFB000  }
0x138: {  	[hbm4b:s29+s1] =	stream.linear.scatter [tilespmem:s11], [sflag:$0x8], $0x5000, $0x38;
	[tilespmem:$0x16648] =	vst v63  }
0x139: {  	_ =	swait.ge [sflag:s15], $0x5000  }
0x13a: {  	[sflag:s15] =	ssyncset.done $0x0  }
0x13b: {  	[sflag:s15] =	ssyncadd.s32 $0xFFFFB000  }
0x13c: {  	_ =	swait.ge [sflag:s13], $0x5000  }
0x13d: {  	[sflag:s13] =	ssyncset.done $0x0  }
0x13e: {  	[sflag:s13] =	ssyncadd.s32 $0xFFFFB000  }
0x13f: {  	_ =	swait.ge [sflag:s10], $0x5000  }
0x140: {  	[sflag:s10] =	ssyncset.done $0x0  }
0x141: {  	s31 =	rddreg [dreg:$0x10];
	[sflag:s10] =	ssyncadd.s32 $0xFFFFB000  }
0x142: {  	[hbm4b:s31+s1] =	stream.linear.scatter [tilespmem:s7], [sflag:$0x5], $0x5000, $0x38;
	[tilespmem:$0x16648] =	vst v63  }
0x143: {  	_ =	swait.ge [sflag:s9], $0x5000  }
0x144: {  	[sflag:s9] =	ssyncset.done $0x0  }
0x145: {  	[sflag:s9] =	ssyncadd.s32 $0xFFFFB000  }
0x146: {  	[hbm4b:s4+s1] =	stream.linear.scatter [tilespmem:s5], [sflag:$0x7], $0x5000, $0x38;
	[tilespmem:$0x16648] =	vst v63  }
0x147: {  	_ =	swait.ge [sflag:s8], $0x5000  }
0x148: {  	[sflag:s8] =	ssyncset.done $0x0  }
0x149: {  	[sflag:s8] =	ssyncadd.s32 $0xFFFFB000  }
0x14a: {  	_ =	swait.ge [sflag:s6], $0x5000  }
0x14b: {  	[sflag:s6] =	ssyncset.done $0x0  }
0x14c: {  	[sflag:s6] =	ssyncadd.s32 $0xFFFFB000  }
0x14d: {  	_ =	sfence.sel $0x180000  }
0x14e: {  	[bflag:$0x0] =	sbarrier.arrive $0xFFFF  }
0x14f: {  	_ =	strace $0x9000004A  }
0x150: {  	s0 =	sadd.s32 @!p0 $0x100000, s30;
	[bflag:$0x2] =	sbarrier.arrive $0xFFFF  }
0x151: {  	[sflag:s0] =	ssyncadd.tile.s32 @!p0 $0x1;
	_ =	shalt  }
.LBB2_2:
.Ltmp3:
0x152: {  	(pc) =	sbr.rel .LBB2_5-.Ltmp3, $2  }
0x153: {  	_ =	sdelay $0x2  }
0x154: {  	s30 =	rddreg [dreg:$0x4]  }
.Lfunc_end2:
_tile_overlayer_lowered:
.L_overlay_start_2:
0x155: {  	(tag) =	ssettag $0x2  }
0x156: {  	s0 =	rddreg [dreg:$0x0];
	s2 =	stileid.u32  }
0x157: {  	s1 =	rddreg [dreg:$0x1];
	p0 =	sne.s32 s2, $0x0  }
0x158: {  	s3 =	rddreg [dreg:$0x2];
	[bflag:$0x3] =	sbarrier.arrive $0xFFFF;
	s2 =	simm.s32 @!p0 $0x1C09  }
0x159: {  	[timem:s3], [sflag:s2] =	dma.local @!p0 [hbm:s0], s1  }
0x15a: {  	s0 =	simm.s32 @!p0 $0x9  }
0x15b: {  	_ =	swait.ge @!p0 [sflag:s0], s1  }
0x15c: {  	s1 =	ssub.s32 @!p0 $0x0, s1;
	[sflag:s0] =	ssyncset.done @!p0 $0x0  }
0x15d: {  	[sflag:s0] =	ssyncadd.s32 @!p0 s1  }
0x15e: {  	[bflag:$0x3] =	sbarrier.arrive $0xFFFF  }
0x15f: {  	_ =	shalt  }

// kernel: kernel.14.cloned.1.call-start
scs
__scs_entry_jumppad:
0x0: {  	(pc) =	sbr.rel $0x88, $3  }
0x1: {  	(tag) =	ssettag $0x0;
	lr =	simm.s32 $0x1  }
0x2: {  	[smem:$0x3F91] =	sst lr;
	_ =	strace $0xD0000000  }
0x3: {  	_ = 	snop  }
0x4: {  	_ = 	snop  }
0x5: {  	_ = 	snop  }
0x6: {  	_ = 	snop  }
0x7: {  	_ = 	snop  }
__scs_overlays_trampoline_lowered:
0x8: {  	[smem:$0x3FA0] =	sst s0  }
0x9: {  	[smem:$0x3FA1] =	sst s1  }
0xa: {  	[smem:$0x3FA2] =	sst s2  }
0xb: {  	[smem:$0x3FA3] =	sst s3  }
0xc: {  	[smem:$0x3FA4] =	sst s4  }
0xd: {  	[smem:$0x3FA5] =	sst s5  }
0xe: {  	[smem:$0x3FA6] =	sst s6  }
0xf: {  	[smem:$0x3FA7] =	sst s7  }
0x10: {  	[smem:$0x3FA8] =	sst s8  }
0x11: {  	[smem:$0x3FA9] =	sst s9;
	s0 =	simm.s32 @!p0 $0x0  }
0x12: {  	s1 =	sld [smem:$0x3F8F];
	s0 =	simm.s32 @p0 $0x1  }
0x13: {  	[smem:$0x3FAA] =	sst s0;
	s0 =	simm.s32 @!p1 $0x0  }
0x14: {  	s2 =	sld [smem:$0x3F8E];
	s0 =	simm.s32 @p1 $0x1  }
0x15: {  	[smem:$0x3FAB] =	sst s0;
	s0 =	simm.s32 @!p2 $0x0  }
0x16: {  	s3 =	sld [smem:$0x3FDB];
	s0 =	simm.s32 @p2 $0x1  }
0x17: {  	s4 =	simm.s32 $0x1BF5;
	[smem:$0x3FAD] =	sst s0  }
0x18: {  	s0 =	sld [smem:$0x3F90];
	_ =	swait.ge [sflag:s4], $0x0  }
0x19: {  	s7 =	sld [smem:$0x3F91]  }
0x1a: {  	s8 =	sadd.s32 $0xFFFFE003, lr  }
0x1b: {  	s9 =	sadd.s32 $0xFFFFFEF7, lr;
	s5 =	simm.s32 $0xFFFFFFFF;
	p2 =	slt.u32 s8, $0xFFFFF086  }
0x1c: {  	p1 =	slt.u32 s9, $0xF7A;
	s5 =	simm.s32 @!p2 $0x0  }
0x1d: {  	s5 =	simm.s32 @p1 $0x1;
	p0 =	seq.s32 s7, s2  }
0x1e: {  	s7 =	smul.u32 @!p0 $0xF7A, s2;
	p2 =	seq.s32 @!p0 s5, $0x0  }
0x1f: {  	s9 =	smul.u32 $0xF7A, s1;
	s8 =	simm.s32 @!p0 $0x1BF5;
	p2 =	por !p2, p0  }
0x20: {  	[sflag:s8] =	ssyncset.s32 @!p0 $0xFFFFF086;
	s6 =	sadd.s32 @!p0 s3, s7;
	s7 =	simm.s32 @!p0 $0x108  }
0x21: {  	s3 =	sadd.s32 s3, s9;
	s6 =	sadd.s32 @!p0 $0x88, s6;
	s7 =	simm.s32 @p2 $0x1082  }
0x22: {  	[simem:s7], [sflag:s8] =	dma.local @!p0 [hbm:s6], $0xF7A  }
0x23: {  	s9 =	sor.u32 $0xD0000000, s2;
	s6 =	simm.s32 $0x108;
	_ =	swait.ge @!p0 [sflag:s8], $0x0  }
0x24: {  	s3 =	sadd.s32 $0x88, s3;
	s6 =	simm.s32 @!p1 $0x1082;
	[sflag:s4] =	ssyncset.s32 $0xFFFFF086  }
0x25: {  	[simem:s6], [sflag:s4] =	dma.local [hbm:s3], $0xF7A  }
0x26: {  	[smem:$0x3F91] =	sst s1;
	(tag) =	ssettag s2;
	_ =	strace s9  }
0x27: {  	s1 =	sld [smem:$0x3FA1]  }
0x28: {  	s2 =	sld [smem:$0x3FA2]  }
0x29: {  	s4 =	sld [smem:$0x3FA4]  }
0x2a: {  	p0 =	seq.s32 s5, $0x0;
	s5 =	sld [smem:$0x3FA5]  }
0x2b: {  	s6 =	sld [smem:$0x3FA6]  }
0x2c: {  	s7 =	sld [smem:$0x3FA7]  }
0x2d: {  	s3 =	simm.s32 $0x108;
	s8 =	sld [smem:$0x3FA8]  }
0x2e: {  	s3 =	simm.s32 @!p0 $0x1082;
	s9 =	sld [smem:$0x3FA9]  }
0x2f: {  	lr =	sadd.s32 s0, s3;
	s0 =	sld [smem:$0x3FA0]  }
0x30: {  	s3 =	sld [smem:$0x3FA3]  }
0x31: {  	[smem:$0x3FAC] =	sst s10  }
0x32: {  	s10 =	sld [smem:$0x3FAA];
	_ =	sdelay $0x3  }
0x33: {  	p0 =	seq.s32 s10, $0x1;
	s10 =	sld [smem:$0x3FAC];
	_ =	sdelay $0x3  }
0x34: {  	[smem:$0x3FAC] =	sst s10  }
0x35: {  	s10 =	sld [smem:$0x3FAB];
	_ =	sdelay $0x3  }
0x36: {  	p1 =	seq.s32 s10, $0x1;
	s10 =	sld [smem:$0x3FAC];
	_ =	sdelay $0x3  }
0x37: {  	[smem:$0x3FAC] =	sst s10  }
0x38: {  	s10 =	sld [smem:$0x3FAD]  }
0x39: {  	_ = 	snop;
	(pc) =	sbr.ind lr, $3  }
0x3a: {  	_ = 	snop  }
0x3b: {  	_ = 	snop  }
0x3c: {  	p2 =	seq.s32 s10, $0x1;
	s10 =	sld [smem:$0x3FAC]  }
0x3d: {  	_ =	shalt  }
0x3e: {  	_ =	shalt  }
0x3f: {  	_ =	shalt  }
0x40: {  	_ =	shalt  }
0x41: {  	_ =	shalt  }
0x42: {  	_ =	shalt  }
0x43: {  	_ =	shalt  }
0x44: {  	_ =	shalt  }
0x45: {  	_ =	shalt  }
0x46: {  	_ =	shalt  }
0x47: {  	_ =	shalt  }
0x48: {  	_ =	shalt  }
0x49: {  	_ =	shalt  }
0x4a: {  	_ =	shalt  }
0x4b: {  	_ =	shalt  }
0x4c: {  	_ =	shalt  }
0x4d: {  	_ =	shalt  }
0x4e: {  	_ =	shalt  }
0x4f: {  	_ =	shalt  }
0x50: {  	_ =	shalt  }
0x51: {  	_ =	shalt  }
0x52: {  	_ =	shalt  }
0x53: {  	_ =	shalt  }
0x54: {  	_ =	shalt  }
0x55: {  	_ =	shalt  }
0x56: {  	_ =	shalt  }
0x57: {  	_ =	shalt  }
0x58: {  	_ =	shalt  }
0x59: {  	_ =	shalt  }
0x5a: {  	_ =	shalt  }
0x5b: {  	_ =	shalt  }
0x5c: {  	_ =	shalt  }
0x5d: {  	_ =	shalt  }
0x5e: {  	_ =	shalt  }
0x5f: {  	_ =	shalt  }
0x60: {  	_ =	shalt  }
0x61: {  	_ =	shalt  }
0x62: {  	_ =	shalt  }
0x63: {  	_ =	shalt  }
0x64: {  	_ =	shalt  }
0x65: {  	_ =	shalt  }
0x66: {  	_ =	shalt  }
0x67: {  	_ =	shalt  }
0x68: {  	_ =	shalt  }
0x69: {  	_ =	shalt  }
0x6a: {  	_ =	shalt  }
0x6b: {  	_ =	shalt  }
0x6c: {  	_ =	shalt  }
0x6d: {  	_ =	shalt  }
0x6e: {  	_ =	shalt  }
0x6f: {  	_ =	shalt  }
0x70: {  	_ =	shalt  }
0x71: {  	_ =	shalt  }
0x72: {  	_ =	shalt  }
0x73: {  	_ =	shalt  }
0x74: {  	_ =	shalt  }
0x75: {  	_ =	shalt  }
0x76: {  	_ =	shalt  }
0x77: {  	_ =	shalt  }
0x78: {  	_ =	shalt  }
0x79: {  	_ =	shalt  }
0x7a: {  	_ =	shalt  }
0x7b: {  	_ =	shalt  }
0x7c: {  	_ =	shalt  }
0x7d: {  	_ =	shalt  }
0x7e: {  	_ =	shalt  }
0x7f: {  	_ =	shalt  }
0x80: {  	_ =	shalt  }
0x81: {  	_ =	shalt  }
0x82: {  	_ =	shalt  }
0x83: {  	_ =	shalt  }
0x84: {  	_ =	shalt  }
0x85: {  	_ =	shalt  }
0x86: {  	_ =	shalt  }
0x87: {  	_ =	shalt  }
.Lfunc_end0:
.L_simem_size_0:
called_computation.2_lowered:
.L_overlay_start_0:
0x88: {  	s2 =	sld [smem:$0x3FD9]  }
0x89: {  	s3 =	sld [smem:$0x3FFE];
	_ =	sdelay $0x1  }
0x8a: {  	s1 =	srdreg.scid  }
0x8b: {  	s0 =	sand.u32 $0x1, s1  }
0x8c: {  	s17 =	sshll.u32 s0, $0xA;
	s2 =	sadd.s32 s3, s2  }
0x8d: {  	s2 =	sadd.s32 s2, s17  }
0x8e: {  	[smem:$0x3FB8] =	sst s2  }
0x8f: {  	_ = 	snop  }
0x90: {  	s2 =	sld [smem:$0x3FC5]  }
0x91: {  	s18 =	sld [smem:$0x3FC4];
	(tm) =	ssettm $0x1  }
0x92: {  	s4 =	sld [smem:$0x3FFB];
	_ =	sdelay $0x3  }
0x93: {  	_ =	strace s4  }
0x94: {  	s4 =	sld [smem:$0x3FFC];
	_ =	sdelay $0x3  }
0x95: {  	_ =	strace s4  }
0x96: {  	s4 =	sld [smem:$0x3FFD];
	_ =	sdelay $0x3  }
0x97: {  	_ =	strace s4  }
0x98: {  	_ =	strace $0x8FFFFFFF  }
0x99: {  	s19 =	sld [smem:$0x3FDB];
	_ =	sdelay $0x1  }
0x9a: {  	s5 =	simm.s32 $_scs_section_size  }
0x9b: {  	s6 =	simm.s32 $_size__tile_overlayer_lowered;
	s7 =	simm.s32 $_tile_overlayer_lowered  }
0x9c: {  	s22 =	simm.s32 $0x1BFF;
	s21 =	sshll.u32 s7, $0x1;
	s4 =	sadd.s32 s5, s19  }
0x9d: {  	s8 =	simm.s32 $0x0;
	s20 =	sshll.u32 s6, $0x1;
	s6 =	sadd.s32 s21, s4  }
0x9e: {  	[timem:s8], [sflag:s22] =	dma.local [hbm:s6], s20  }
0x9f: {  	_ =	swait.ge [sflag:s22], s20  }
0xa0: {  	s5 =	ssub.s32 $0x0, s20;
	[sflag:s22] =	ssyncset.done $0x0  }
0xa1: {  	[sflag:s22] =	ssyncadd.s32 s5;
	_ =	sdelay $0x1  }
0xa2: {  	s23 =	simm.s32 $0x1B8B  }
0xa3: {  	_ =	swait.ge [sflag:s23], $0x1  }
0xa4: {  	[sflag:s23] =	ssyncset.done $0x0  }
0xa5: {  	s25 =	simm.s32 $0x1B8E;
	s24 =	sld [smem:$0x3FFE];
	[sflag:s23] =	ssyncadd.s32 $0xFFFFFFFF  }
0xa6: {  	s26 =	simm.s32 $execute0_lowered;
	[smem:$0x3FD2] =	sst s25  }
0xa7: {  	s6 =	sshll.u32 s26, $0x1;
	_ =	strace $0x80000046;
	[dreg:$0x1] =	wrdreg $0xFFFFFFFF  }
0xa8: {  	s28 =	simm.s32 $_size_execute0_lowered;
	s4 =	sadd.s32 s4, s6;
	[dreg:$0x0] =	wrdreg $0x0  }
0xa9: {  	s6 =	sshll.u32 s28, $0x1;
	[dreg:$0x2] =	wrdreg s4  }
0xaa: {  	[dreg:$0x3] =	wrdreg s6  }
0xab: {  	[dreg:$0x4] =	wrdreg $0xC0  }
0xac: {  	_ =	task [dreg:s8], $0x5FFFF  }
0xad: {  	[dreg:$0x1] =	wrdreg $0xFFFFFFFF  }
0xae: {  	[dreg:$0x0] =	wrdreg $0x60  }
0xaf: {  	[dreg:$0x2] =	wrdreg s2  }
0xb0: {  	[dreg:$0x3] =	wrdreg s18  }
0xb1: {  	[dreg:$0x4] =	wrdreg s24  }
0xb2: {  	[dreg:$0x5] =	wrdreg $0x7000  }
0xb3: {  	[dreg:$0x6] =	wrdreg $0xB  }
0xb4: {  	_ =	task.clear_ibuf [dreg:s8], $0x7FFFF;
	_ =	strace $0x90000046  }
0xb5: {  	s29 =	simm.s32 $0xB;
	_ =	strace $0x80000048  }
0xb6: {  	_ =	swait.ge [sflag:s29], $0x1  }
0xb7: {  	[sflag:s29] =	ssyncadd.s32 $0xFFFFFFFF  }
0xb8: {  	_ =	strace $0x90000048  }
0xb9: {  	_ =	sfence  }
0xba: {  	s30 =	sld [smem:$0x0];
	_ =	sdelay $0x2  }
0xbb: {  	s31 =	sshll.u32 s1, $0xD;
	s1 =	sshrl.u32 s1, $0x2  }
0xbc: {  	s3 =	sand.u32 $0x4000, s31;
	s1 =	sadd.s32 s1, s30  }
0xbd: {  	s0 =	sor.u32 s3, s0;
	s1 =	sshll.u32 s1, $0x11  }
0xbe: {  	s0 =	sor.u32 s1, s0  }
0xbf: {  	s0 =	sadd.s32 $0x8F2B, s0  }
0xc0: {  	[sflag:s0] =	ssyncadd.remote.s32 $0x1  }
0xc1: {  	_ =	sfence.sel $0xFFFF  }
0xc2: {  	[dreg:$0x0] =	wrdreg $0xFFFFFFFF;
	(pc) =	sbr.abs _section_cstart, $3  }
0xc3: {  	[dreg:$0x1] =	wrdreg $0xFFFFFFFF  }
0xc4: {  	_ =	task.clear_ibuf [dreg:s8], $0x2FFFF;
	_ =	strace $0x9FFFFFFF  }
0xc5: {  	(tm) =	ssettm $0x7FFFFFFF  }
tec
execute0_lowered:
.L_overlay_start_1:
0x0: {  	(tag) =	ssettag $0x1  }
0x1: {  	s2 =	rddreg [dreg:$0x0]  }
0x2: {  	s0 =	rddreg [dreg:$0x1]  }
0x3: {  	s14 =	srdreg.scid;
	s4 =	rddreg [dreg:$0x2]  }
0x4: {  	s5 =	stileid.u32;
	s3 =	rddreg [dreg:$0x3]  }
0x5: {  	s30 =	rddreg [dreg:$0x4];
	s12 =	simm.s32 $0x7648;
	s11 =	simm.s32 $0x11648  }
0x6: {  	s13 =	simm.s32 $0x8;
	p1 =	por $0x0, $0x0;
	[dreg:$0x5] =	wrdreg s0  }
0x7: {  	s0 =	sand.u32 $0x1, s14;
	s1 =	sshll.u32 s5, $0x1;
	s9 =	sadd.s32 $0x7000, s4  }
0x8: {  	p0 =	sne.s32 s5, $0x0;
	s14 =	simm.s32 $0xA0;
	s6 =	sor.u32 s0, s1  }
0x9: {  	s5 =	simm.s32 $0xC648;
	s1 =	simm.s32 $0x0;
	s7 =	smul.u32 $0x64, s6  }
0xa: {  	s0 =	ssub.s32 $0x2, s0;
	s28 =	sshrl.u32 @!p0 s3, $0x3;
	s8 =	smul.u32 $0x3200, s6  }
0xb: {  	[smem:$0x7FF] =	sst s1;
	s6 =	smul.u32 $0x19000, s6;
	s26 =	sshrl.u32 s0, $0x1  }
0xc: {  	_ =	strace $0x80000047;
	s0 =	ssub.s32 s0, s26;
	s26 =	simm.s32 $0x420  }
0xd: {  	s7 =	sadd.s32 s7, s4;
	s4 =	sadd.s32 $0x6B000, s4;
	s15 =	sadd.s32 s9, s8  }
0xe: {  	s6 =	sshrl.u32 s6, $0x3;
	s0 =	smax.u32 s0, $0x1;
	s10 =	sadd.s32 $0x6200, s7  }
0xf: {  	s7 =	sadd.s32 $0x5400, s7;
	[dreg:$0x8] =	wrdreg s15;
	s16 =	sadd.s32 s4, s8  }
0x10: {  	s17 =	sadd.s32 $0xA00, s6;
	s31 =	sadd.s32 $0xFFFFFFFF, s0;
	s0 =	rddreg [dreg:$0x5]  }
0x11: {  	s20 =	sadd.s32 $0x1400, s6;
	s23 =	sadd.s32 $0x1E00, s6;
	[dreg:$0x6] =	wrdreg s10  }
0x12: {  	s6 =	sadd.s32 $0x2800, s6;
	s8 =	simm.s32 $0x5;
	[dreg:$0x7] =	wrdreg s7  }
0x13: {  	s15 =	simm.s32 $0x6;
	[dreg:$0x9] =	wrdreg s16;
	s18 =	sadd.s32 s9, s17  }
0x14: {  	s19 =	sadd.s32 s4, s17;
	s21 =	sadd.s32 s9, s20;
	s22 =	sadd.s32 s4, s20  }
0x15: {  	s24 =	sadd.s32 s9, s23;
	s25 =	sadd.s32 s4, s23;
	[dreg:$0xa] =	wrdreg s18  }
0x16: {  	s29 =	sadd.s32 s9, s6;
	s4 =	sadd.s32 s4, s6;
	[dreg:$0xb] =	wrdreg s19  }
0x17: {  	s7 =	simm.s32 $0x2648;
	s10 =	simm.s32 $0x1;
	[dreg:$0xc] =	wrdreg s21  }
0x18: {  	s9 =	simm.s32 $0x3;
	p2 =	sne.s32 s31, $0x0;
	[dreg:$0xd] =	wrdreg s22  }
.Ltmp0:
0x19: {  	s6 =	simm.s32 $0x7;
	[dreg:$0xe] =	wrdreg s24;
	(pc) =	sbr.rel @!p2 .LBB2_5-.Ltmp0, $4  }
0x1a: {  	s23 =	simm.s32 $0x4C0;
	s17 =	simm.s32 $0x2;
	[dreg:$0xf] =	wrdreg s25  }
0x1b: {  	s16 =	simm.s32 $0x4;
	s20 =	simm.s32 $0x1E0;
	[dreg:$0x10] =	wrdreg s29  }
0x1c: {  	s25 =	simm.s32 $0x9;
	s24 =	simm.s32 $0x380;
	s22 =	simm.s32 $0x140  }
0x1d: {  	s21 =	simm.s32 $0x560;
	s18 =	simm.s32 $0x280;
	s19 =	simm.s32 $0x600  }
0x1e: {  	s29 =	simm.s32 @!p0 $0x1C09;
	s30 =	simm.s32 @!p0 $0x9  }
0x1f: {  	[spmem:s28], [sflag:s29] =	dma.local @!p0 [hbm:s0], $0x3E90  }
0x20: {  	_ =	swait.ge @!p0 [sflag:s30], $0x3E90  }
0x21: {  	[sflag:s30] =	ssyncset.done @!p0 $0x0  }
0x22: {  	[sflag:s30] =	ssyncadd.s32 @!p0 $0xFFFFC170  }
0x23: {  	[bflag:$0x0] =	sbarrier.arrive $0xFFFF  }
0x24: {  	s0 =	rddreg [dreg:$0x6]  }
0x25: {  	[tilespmem:s1], [sflag:$0x9] =	stream.linear.gather [hbm4b:s0+s1], $0x320, $0x38;
	[tilespmem:$0x16648] =	vst v63  }
0x26: {  	_ =	swait.ge [sflag:s25], $0x320  }
0x27: {  	[sflag:s25] =	ssyncset.done $0x0  }
0x28: {  	s0 =	rddreg [dreg:$0x7];
	[sflag:s25] =	ssyncadd.s32 $0xFFFFFCE0  }
0x29: {  	[tilespmem:s24], [sflag:$0x9] =	stream.linear.gather [hbm4b:s0+s1], $0x320, $0x38;
	[tilespmem:$0x16648] =	vst v63  }
0x2a: {  	_ =	swait.ge [sflag:s25], $0x320  }
0x2b: {  	[sflag:s25] =	ssyncset.done $0x0  }
0x2c: {  	[sflag:s25] =	ssyncadd.s32 $0xFFFFFCE0  }
0x2d: {  	[tilespmem:s7], [sflag:$0x1] =	stream.indirect.gather [hbm4b:s2+s14], $0x80, s1, s14, $0xb8;
	[tilespmem:$0x16648] =	vst v63  }
0x2e: {  	_ = 	snop  }
0x2f: {  	[tilespmem:s5], [sflag:$0x3] =	stream.indirect.gather [spmem:s3], $0x80, s24, s14, $0xb8;
	[tilespmem:$0x16648] =	vst v63  }
0x30: {  	_ = 	snop  }
0x31: {  	[tilespmem:s12], [sflag:$0x2] =	stream.indirect.gather [hbm4b:s2+s14], $0x80, s14, s14, $0xb8;
	[tilespmem:$0x16648] =	vst v63  }
0x32: {  	_ = 	snop  }
0x33: {  	[tilespmem:s11], [sflag:$0x4] =	stream.indirect.gather [spmem:s3], $0x80, s26, s14, $0xb8;
	[tilespmem:$0x16648] =	vst v63  }
0x34: {  	_ =	swait.ge [sflag:s10], $0x5000  }
0x35: {  	[sflag:s10] =	ssyncset.done $0x0  }
0x36: {  	s0 =	rddreg [dreg:$0x8];
	[sflag:s10] =	ssyncadd.s32 $0xFFFFB000  }
0x37: {  	[hbm4b:s0+s1] =	stream.linear.scatter [tilespmem:s7], [sflag:$0x5], $0x5000, $0x38;
	[tilespmem:$0x16648] =	vst v63  }
0x38: {  	_ =	swait.ge [sflag:s9], $0x5000  }
0x39: {  	[sflag:s9] =	ssyncset.done $0x0  }
0x3a: {  	s0 =	rddreg [dreg:$0x9];
	[sflag:s9] =	ssyncadd.s32 $0xFFFFB000  }
0x3b: {  	[hbm4b:s0+s1] =	stream.linear.scatter [tilespmem:s5], [sflag:$0x7], $0x5000, $0x38;
	[tilespmem:$0x16648] =	vst v63  }
0x3c: {  	_ =	swait.ge [sflag:s8], $0x5000  }
0x3d: {  	[sflag:s8] =	ssyncset.done $0x0  }
0x3e: {  	[sflag:s8] =	ssyncadd.s32 $0xFFFFB000  }
0x3f: {  	_ =	swait.ge [sflag:s6], $0x5000  }
0x40: {  	[sflag:s6] =	ssyncset.done $0x0  }
0x41: {  	[sflag:s6] =	ssyncadd.s32 $0xFFFFB000  }
0x42: {  	[tilespmem:s7], [sflag:$0x1] =	stream.indirect.gather [hbm4b:s2+s14], $0x80, s22, s14, $0xb8;
	[tilespmem:$0x16648] =	vst v63  }
0x43: {  	_ = 	snop  }
0x44: {  	[tilespmem:s5], [sflag:$0x3] =	stream.indirect.gather [spmem:s3], $0x80, s23, s14, $0xb8;
	[tilespmem:$0x16648] =	vst v63  }
0x45: {  	_ =	swait.ge [sflag:s17], $0x5000  }
0x46: {  	[sflag:s17] =	ssyncset.done $0x0  }
0x47: {  	s0 =	rddreg [dreg:$0xa];
	[sflag:s17] =	ssyncadd.s32 $0xFFFFB000  }
0x48: {  	[hbm4b:s0+s1] =	stream.linear.scatter [tilespmem:s12], [sflag:$0x6], $0x5000, $0x38;
	[tilespmem:$0x16648] =	vst v63  }
0x49: {  	_ =	swait.ge [sflag:s16], $0x5000  }
0x4a: {  	[sflag:s16] =	ssyncset.done $0x0  }
0x4b: {  	s0 =	rddreg [dreg:$0xb];
	[sflag:s16] =	ssyncadd.s32 $0xFFFFB000  }
0x4c: {  	[hbm4b:s0+s1] =	stream.linear.scatter [tilespmem:s11], [sflag:$0x8], $0x5000, $0x38;
	[tilespmem:$0x16648] =	vst v63  }
0x4d: {  	_ =	swait.ge [sflag:s15], $0x5000  }
0x4e: {  	[sflag:s15] =	ssyncset.done $0x0  }
0x4f: {  	[sflag:s15] =	ssyncadd.s32 $0xFFFFB000  }
0x50: {  	_ =	swait.ge [sflag:s13], $0x5000  }
0x51: {  	[sflag:s13] =	ssyncset.done $0x0  }
0x52: {  	[sflag:s13] =	ssyncadd.s32 $0xFFFFB000  }
0x53: {  	[tilespmem:s12], [sflag:$0x2] =	stream.indirect.gather [hbm4b:s2+s14], $0x80, s20, s14, $0xb8;
	[tilespmem:$0x16648] =	vst v63  }
0x54: {  	_ = 	snop  }
0x55: {  	[tilespmem:s11], [sflag:$0x4] =	stream.indirect.gather [spmem:s3], $0x80, s21, s14, $0xb8;
	[tilespmem:$0x16648] =	vst v63  }
0x56: {  	_ =	swait.ge [sflag:s10], $0x5000  }
0x57: {  	[sflag:s10] =	ssyncset.done $0x0  }
0x58: {  	s0 =	rddreg [dreg:$0xc];
	[sflag:s10] =	ssyncadd.s32 $0xFFFFB000  }
0x59: {  	[hbm4b:s0+s1] =	stream.linear.scatter [tilespmem:s7], [sflag:$0x5], $0x5000, $0x38;
	[tilespmem:$0x16648] =	vst v63  }
0x5a: {  	_ =	swait.ge [sflag:s9], $0x5000  }
0x5b: {  	[sflag:s9] =	ssyncset.done $0x0  }
0x5c: {  	s0 =	rddreg [dreg:$0xd];
	[sflag:s9] =	ssyncadd.s32 $0xFFFFB000  }
0x5d: {  	[hbm4b:s0+s1] =	stream.linear.scatter [tilespmem:s5], [sflag:$0x7], $0x5000, $0x38;
	[tilespmem:$0x16648] =	vst v63  }
0x5e: {  	_ =	swait.ge [sflag:s8], $0x5000  }
0x5f: {  	[sflag:s8] =	ssyncset.done $0x0  }
0x60: {  	[sflag:s8] =	ssyncadd.s32 $0xFFFFB000  }
0x61: {  	_ =	swait.ge [sflag:s6], $0x5000  }
0x62: {  	[sflag:s6] =	ssyncset.done $0x0  }
0x63: {  	[sflag:s6] =	ssyncadd.s32 $0xFFFFB000  }
0x64: {  	[tilespmem:s7], [sflag:$0x1] =	stream.indirect.gather [hbm4b:s2+s14], $0x80, s18, s14, $0xb8;
	[tilespmem:$0x16648] =	vst v63  }
0x65: {  	_ = 	snop  }
0x66: {  	[tilespmem:s5], [sflag:$0x3] =	stream.indirect.gather [spmem:s3], $0x80, s19, s14, $0xb8;
	[tilespmem:$0x16648] =	vst v63  }
0x67: {  	_ =	swait.ge [sflag:s17], $0x5000  }
0x68: {  	[sflag:s17] =	ssyncset.done $0x0  }
0x69: {  	s0 =	rddreg [dreg:$0xe];
	[sflag:s17] =	ssyncadd.s32 $0xFFFFB000  }
0x6a: {  	[hbm4b:s0+s1] =	stream.linear.scatter [tilespmem:s12], [sflag:$0x6], $0x5000, $0x38;
	[tilespmem:$0x16648] =	vst v63  }
0x6b: {  	_ =	swait.ge [sflag:s16], $0x5000  }
0x6c: {  	[sflag:s16] =	ssyncset.done $0x0  }
0x6d: {  	s0 =	rddreg [dreg:$0xf];
	[sflag:s16] =	ssyncadd.s32 $0xFFFFB000  }
0x6e: {  	[hbm4b:s0+s1] =	stream.linear.scatter [tilespmem:s11], [sflag:$0x8], $0x5000, $0x38;
	[tilespmem:$0x16648] =	vst v63  }
0x6f: {  	_ =	swait.ge [sflag:s15], $0x5000  }
0x70: {  	[sflag:s15] =	ssyncset.done $0x0  }
0x71: {  	[sflag:s15] =	ssyncadd.s32 $0xFFFFB000  }
0x72: {  	_ =	swait.ge [sflag:s13], $0x5000  }
0x73: {  	[sflag:s13] =	ssyncset.done $0x0  }
0x74: {  	[sflag:s13] =	ssyncadd.s32 $0xFFFFB000  }
0x75: {  	_ =	swait.ge [sflag:s10], $0x5000  }
0x76: {  	[sflag:s10] =	ssyncset.done $0x0  }
0x77: {  	s0 =	rddreg [dreg:$0x10];
	[sflag:s10] =	ssyncadd.s32 $0xFFFFB000  }
0x78: {  	[hbm4b:s0+s1] =	stream.linear.scatter [tilespmem:s7], [sflag:$0x5], $0x5000, $0x38;
	[tilespmem:$0x16648] =	vst v63  }
0x79: {  	_ =	swait.ge [sflag:s9], $0x5000  }
0x7a: {  	s31 =	sadd.s32 $0xFFFFFFFF, s31;
	[sflag:s9] =	ssyncset.done $0x0  }
0x7b: {  	p2 =	sne.s32 s31, $0x0;
	[sflag:s9] =	ssyncadd.s32 $0xFFFFB000  }
0x7c: {  	[hbm4b:s4+s1] =	stream.linear.scatter [tilespmem:s5], [sflag:$0x7], $0x5000, $0x38;
	[tilespmem:$0x16648] =	vst v63  }
.Ltmp1:
0x7d: {  	_ =	swait.ge [sflag:s8], $0x5000;
	(pc) =	sbr.rel @!p2 .LBB2_2-.Ltmp1, $4  }
0x7e: {  	[sflag:s8] =	ssyncset.done $0x0  }
0x7f: {  	[sflag:s8] =	ssyncadd.s32 $0xFFFFB000  }
0x80: {  	_ =	swait.ge [sflag:s6], $0x5000  }
0x81: {  	p1 =	por $0x1, $0x1;
	s0 =	rddreg [dreg:$0x5];
	[sflag:s6] =	ssyncset.done $0x0  }
.LBB2_3:
0x82: {  	[sflag:s6] =	ssyncadd.s32 $0xFFFFB000  }
0x83: {  	[spmem:s28], [sflag:s29] =	dma.local @!p0 [hbm:s0], $0x3E90  }
0x84: {  	_ =	swait.ge @!p0 [sflag:s30], $0x3E90  }
0x85: {  	[sflag:s30] =	ssyncset.done @!p0 $0x0  }
0x86: {  	[sflag:s30] =	ssyncadd.s32 @!p0 $0xFFFFC170  }
0x87: {  	[bflag:$0x0] =	sbarrier.arrive $0xFFFF  }
0x88: {  	s0 =	rddreg [dreg:$0x6]  }
0x89: {  	[tilespmem:s1], [sflag:$0x9] =	stream.linear.gather [hbm4b:s0+s1], $0x320, $0x38;
	[tilespmem:$0x16648] =	vst v63  }
0x8a: {  	_ =	swait.ge [sflag:s25], $0x320  }
0x8b: {  	[sflag:s25] =	ssyncset.done $0x0  }
0x8c: {  	s0 =	rddreg [dreg:$0x7];
	[sflag:s25] =	ssyncadd.s32 $0xFFFFFCE0  }
0x8d: {  	[tilespmem:s24], [sflag:$0x9] =	stream.linear.gather [hbm4b:s0+s1], $0x320, $0x38;
	[tilespmem:$0x16648] =	vst v63  }
0x8e: {  	_ =	swait.ge [sflag:s25], $0x320  }
0x8f: {  	[sflag:s25] =	ssyncset.done $0x0  }
0x90: {  	[sflag:s25] =	ssyncadd.s32 $0xFFFFFCE0  }
0x91: {  	[tilespmem:s7], [sflag:$0x1] =	stream.indirect.gather [hbm4b:s2+s14], $0x80, s1, s14, $0xb8;
	[tilespmem:$0x16648] =	vst v63  }
0x92: {  	_ = 	snop  }
0x93: {  	[tilespmem:s5], [sflag:$0x3] =	stream.indirect.gather [spmem:s3], $0x80, s24, s14, $0xb8;
	[tilespmem:$0x16648] =	vst v63  }
0x94: {  	_ = 	snop  }
0x95: {  	[tilespmem:s12], [sflag:$0x2] =	stream.indirect.gather [hbm4b:s2+s14], $0x80, s14, s14, $0xb8;
	[tilespmem:$0x16648] =	vst v63  }
0x96: {  	_ = 	snop  }
0x97: {  	[tilespmem:s11], [sflag:$0x4] =	stream.indirect.gather [spmem:s3], $0x80, s26, s14, $0xb8;
	[tilespmem:$0x16648] =	vst v63  }
0x98: {  	_ =	swait.ge [sflag:s10], $0x5000  }
0x99: {  	[sflag:s10] =	ssyncset.done $0x0  }
0x9a: {  	s0 =	rddreg [dreg:$0x8];
	[sflag:s10] =	ssyncadd.s32 $0xFFFFB000  }
0x9b: {  	[hbm4b:s0+s1] =	stream.linear.scatter [tilespmem:s7], [sflag:$0x5], $0x5000, $0x38;
	[tilespmem:$0x16648] =	vst v63  }
0x9c: {  	_ =	swait.ge [sflag:s9], $0x5000  }
0x9d: {  	[sflag:s9] =	ssyncset.done $0x0  }
0x9e: {  	s0 =	rddreg [dreg:$0x9];
	[sflag:s9] =	ssyncadd.s32 $0xFFFFB000  }
0x9f: {  	[hbm4b:s0+s1] =	stream.linear.scatter [tilespmem:s5], [sflag:$0x7], $0x5000, $0x38;
	[tilespmem:$0x16648] =	vst v63  }
0xa0: {  	_ =	swait.ge [sflag:s8], $0x5000  }
0xa1: {  	[sflag:s8] =	ssyncset.done $0x0  }
0xa2: {  	[sflag:s8] =	ssyncadd.s32 $0xFFFFB000  }
0xa3: {  	_ =	swait.ge [sflag:s6], $0x5000  }
0xa4: {  	[sflag:s6] =	ssyncset.done $0x0  }
0xa5: {  	[sflag:s6] =	ssyncadd.s32 $0xFFFFB000  }
0xa6: {  	[tilespmem:s7], [sflag:$0x1] =	stream.indirect.gather [hbm4b:s2+s14], $0x80, s22, s14, $0xb8;
	[tilespmem:$0x16648] =	vst v63  }
0xa7: {  	_ = 	snop  }
0xa8: {  	[tilespmem:s5], [sflag:$0x3] =	stream.indirect.gather [spmem:s3], $0x80, s23, s14, $0xb8;
	[tilespmem:$0x16648] =	vst v63  }
0xa9: {  	_ =	swait.ge [sflag:s17], $0x5000  }
0xaa: {  	[sflag:s17] =	ssyncset.done $0x0  }
0xab: {  	s0 =	rddreg [dreg:$0xa];
	[sflag:s17] =	ssyncadd.s32 $0xFFFFB000  }
0xac: {  	[hbm4b:s0+s1] =	stream.linear.scatter [tilespmem:s12], [sflag:$0x6], $0x5000, $0x38;
	[tilespmem:$0x16648] =	vst v63  }
0xad: {  	_ =	swait.ge [sflag:s16], $0x5000  }
0xae: {  	[sflag:s16] =	ssyncset.done $0x0  }
0xaf: {  	s0 =	rddreg [dreg:$0xb];
	[sflag:s16] =	ssyncadd.s32 $0xFFFFB000  }
0xb0: {  	[hbm4b:s0+s1] =	stream.linear.scatter [tilespmem:s11], [sflag:$0x8], $0x5000, $0x38;
	[tilespmem:$0x16648] =	vst v63  }
0xb1: {  	_ =	swait.ge [sflag:s15], $0x5000  }
0xb2: {  	[sflag:s15] =	ssyncset.done $0x0  }
0xb3: {  	[sflag:s15] =	ssyncadd.s32 $0xFFFFB000  }
0xb4: {  	_ =	swait.ge [sflag:s13], $0x5000  }
0xb5: {  	[sflag:s13] =	ssyncset.done $0x0  }
0xb6: {  	[sflag:s13] =	ssyncadd.s32 $0xFFFFB000  }
0xb7: {  	[tilespmem:s12], [sflag:$0x2] =	stream.indirect.gather [hbm4b:s2+s14], $0x80, s20, s14, $0xb8;
	[tilespmem:$0x16648] =	vst v63  }
0xb8: {  	_ = 	snop  }
0xb9: {  	[tilespmem:s11], [sflag:$0x4] =	stream.indirect.gather [spmem:s3], $0x80, s21, s14, $0xb8;
	[tilespmem:$0x16648] =	vst v63  }
0xba: {  	_ =	swait.ge [sflag:s10], $0x5000  }
0xbb: {  	[sflag:s10] =	ssyncset.done $0x0  }
0xbc: {  	s0 =	rddreg [dreg:$0xc];
	[sflag:s10] =	ssyncadd.s32 $0xFFFFB000  }
0xbd: {  	[hbm4b:s0+s1] =	stream.linear.scatter [tilespmem:s7], [sflag:$0x5], $0x5000, $0x38;
	[tilespmem:$0x16648] =	vst v63  }
0xbe: {  	_ =	swait.ge [sflag:s9], $0x5000  }
0xbf: {  	[sflag:s9] =	ssyncset.done $0x0  }
0xc0: {  	s0 =	rddreg [dreg:$0xd];
	[sflag:s9] =	ssyncadd.s32 $0xFFFFB000  }
0xc1: {  	[hbm4b:s0+s1] =	stream.linear.scatter [tilespmem:s5], [sflag:$0x7], $0x5000, $0x38;
	[tilespmem:$0x16648] =	vst v63  }
0xc2: {  	_ =	swait.ge [sflag:s8], $0x5000  }
0xc3: {  	[sflag:s8] =	ssyncset.done $0x0  }
0xc4: {  	[sflag:s8] =	ssyncadd.s32 $0xFFFFB000  }
0xc5: {  	_ =	swait.ge [sflag:s6], $0x5000  }
0xc6: {  	[sflag:s6] =	ssyncset.done $0x0  }
0xc7: {  	[sflag:s6] =	ssyncadd.s32 $0xFFFFB000  }
0xc8: {  	[tilespmem:s7], [sflag:$0x1] =	stream.indirect.gather [hbm4b:s2+s14], $0x80, s18, s14, $0xb8;
	[tilespmem:$0x16648] =	vst v63  }
0xc9: {  	_ = 	snop  }
0xca: {  	[tilespmem:s5], [sflag:$0x3] =	stream.indirect.gather [spmem:s3], $0x80, s19, s14, $0xb8;
	[tilespmem:$0x16648] =	vst v63  }
0xcb: {  	_ =	swait.ge [sflag:s17], $0x5000  }
0xcc: {  	[sflag:s17] =	ssyncset.done $0x0  }
0xcd: {  	s0 =	rddreg [dreg:$0xe];
	[sflag:s17] =	ssyncadd.s32 $0xFFFFB000  }
0xce: {  	[hbm4b:s0+s1] =	stream.linear.scatter [tilespmem:s12], [sflag:$0x6], $0x5000, $0x38;
	[tilespmem:$0x16648] =	vst v63  }
0xcf: {  	_ =	swait.ge [sflag:s16], $0x5000  }
0xd0: {  	[sflag:s16] =	ssyncset.done $0x0  }
0xd1: {  	s0 =	rddreg [dreg:$0xf];
	[sflag:s16] =	ssyncadd.s32 $0xFFFFB000  }
0xd2: {  	[hbm4b:s0+s1] =	stream.linear.scatter [tilespmem:s11], [sflag:$0x8], $0x5000, $0x38;
	[tilespmem:$0x16648] =	vst v63  }
0xd3: {  	_ =	swait.ge [sflag:s15], $0x5000  }
0xd4: {  	[sflag:s15] =	ssyncset.done $0x0  }
0xd5: {  	[sflag:s15] =	ssyncadd.s32 $0xFFFFB000  }
0xd6: {  	_ =	swait.ge [sflag:s13], $0x5000  }
0xd7: {  	[sflag:s13] =	ssyncset.done $0x0  }
0xd8: {  	[sflag:s13] =	ssyncadd.s32 $0xFFFFB000  }
0xd9: {  	_ =	swait.ge [sflag:s10], $0x5000  }
0xda: {  	[sflag:s10] =	ssyncset.done $0x0  }
0xdb: {  	s0 =	rddreg [dreg:$0x10];
	[sflag:s10] =	ssyncadd.s32 $0xFFFFB000  }
0xdc: {  	[hbm4b:s0+s1] =	stream.linear.scatter [tilespmem:s7], [sflag:$0x5], $0x5000, $0x38;
	[tilespmem:$0x16648] =	vst v63  }
0xdd: {  	_ =	swait.ge [sflag:s9], $0x5000  }
0xde: {  	s31 =	sadd.s32 $0xFFFFFFFF, s31;
	[sflag:s9] =	ssyncset.done $0x0  }
0xdf: {  	p2 =	sne.s32 s31, $0x0;
	[sflag:s9] =	ssyncadd.s32 $0xFFFFB000  }
0xe0: {  	[hbm4b:s4+s1] =	stream.linear.scatter [tilespmem:s5], [sflag:$0x7], $0x5000, $0x38;
	[tilespmem:$0x16648] =	vst v63  }
.Ltmp2:
0xe1: {  	_ =	swait.ge [sflag:s8], $0x5000;
	(pc) =	sbr.rel @p2 .LBB2_3-.Ltmp2, $4  }
0xe2: {  	[sflag:s8] =	ssyncset.done $0x0  }
0xe3: {  	[sflag:s8] =	ssyncadd.s32 $0xFFFFB000  }
0xe4: {  	_ =	swait.ge [sflag:s6], $0x5000  }
0xe5: {  	s0 =	rddreg [dreg:$0x5];
	[sflag:s6] =	ssyncset.done $0x0  }
0xe6: {  	s30 =	rddreg [dreg:$0x4]  }
.LBB2_5:
0xe7: {  	[sflag:s6] =	ssyncadd.s32 @p1 $0xFFFFB000;
	s29 =	simm.s32 @!p0 $0x1C09  }
0xe8: {  	[spmem:s28], [sflag:s29] =	dma.local @!p0 [hbm:s0], $0x3E90  }
0xe9: {  	s0 =	simm.s32 @!p0 $0x9  }
0xea: {  	_ =	swait.ge @!p0 [sflag:s0], $0x3E90  }
0xeb: {  	[sflag:s0] =	ssyncset.done @!p0 $0x0  }
0xec: {  	[sflag:s0] =	ssyncadd.s32 @!p0 $0xFFFFC170  }
0xed: {  	[bflag:$0x0] =	sbarrier.arrive $0xFFFF  }
0xee: {  	s31 =	rddreg [dreg:$0x6]  }
0xef: {  	[tilespmem:s1], [sflag:$0x9] =	stream.linear.gather [hbm4b:s31+s1], $0x320, $0x38;
	[tilespmem:$0x16648] =	vst v63  }
0xf0: {  	_ =	swait.ge [sflag:s25], $0x320  }
0xf1: {  	[sflag:s25] =	ssyncset.done $0x0  }
0xf2: {  	s28 =	rddreg [dreg:$0x7];
	[sflag:s25] =	ssyncadd.s32 $0xFFFFFCE0  }
0xf3: {  	[tilespmem:s24], [sflag:$0x9] =	stream.linear.gather [hbm4b:s28+s1], $0x320, $0x38;
	[tilespmem:$0x16648] =	vst v63  }
0xf4: {  	_ =	swait.ge [sflag:s25], $0x320  }
0xf5: {  	[sflag:s25] =	ssyncset.done $0x0  }
0xf6: {  	[sflag:s25] =	ssyncadd.s32 $0xFFFFFCE0  }
0xf7: {  	[tilespmem:s7], [sflag:$0x1] =	stream.indirect.gather [hbm4b:s2+s14], $0x80, s1, s14, $0xb8;
	[tilespmem:$0x16648] =	vst v63  }
0xf8: {  	_ = 	snop  }
0xf9: {  	[tilespmem:s5], [sflag:$0x3] =	stream.indirect.gather [spmem:s3], $0x80, s24, s14, $0xb8;
	[tilespmem:$0x16648] =	vst v63  }
0xfa: {  	_ = 	snop  }
0xfb: {  	[tilespmem:s12], [sflag:$0x2] =	stream.indirect.gather [hbm4b:s2+s14], $0x80, s14, s14, $0xb8;
	[tilespmem:$0x16648] =	vst v63  }
0xfc: {  	_ = 	snop  }
0xfd: {  	[tilespmem:s11], [sflag:$0x4] =	stream.indirect.gather [spmem:s3], $0x80, s26, s14, $0xb8;
	[tilespmem:$0x16648] =	vst v63  }
0xfe: {  	_ =	swait.ge [sflag:s10], $0x5000  }
0xff: {  	[sflag:s10] =	ssyncset.done $0x0  }
0x100: {  	s29 =	rddreg [dreg:$0x8];
	[sflag:s10] =	ssyncadd.s32 $0xFFFFB000  }
0x101: {  	[hbm4b:s29+s1] =	stream.linear.scatter [tilespmem:s7], [sflag:$0x5], $0x5000, $0x38;
	[tilespmem:$0x16648] =	vst v63  }
0x102: {  	_ =	swait.ge [sflag:s9], $0x5000  }
0x103: {  	[sflag:s9] =	ssyncset.done $0x0  }
0x104: {  	s31 =	rddreg [dreg:$0x9];
	[sflag:s9] =	ssyncadd.s32 $0xFFFFB000  }
0x105: {  	[hbm4b:s31+s1] =	stream.linear.scatter [tilespmem:s5], [sflag:$0x7], $0x5000, $0x38;
	[tilespmem:$0x16648] =	vst v63  }
0x106: {  	_ =	swait.ge [sflag:s8], $0x5000  }
0x107: {  	[sflag:s8] =	ssyncset.done $0x0  }
0x108: {  	[sflag:s8] =	ssyncadd.s32 $0xFFFFB000  }
0x109: {  	_ =	swait.ge [sflag:s6], $0x5000  }
0x10a: {  	[sflag:s6] =	ssyncset.done $0x0  }
0x10b: {  	[sflag:s6] =	ssyncadd.s32 $0xFFFFB000  }
0x10c: {  	[tilespmem:s7], [sflag:$0x1] =	stream.indirect.gather [hbm4b:s2+s14], $0x80, s22, s14, $0xb8;
	[tilespmem:$0x16648] =	vst v63  }
0x10d: {  	_ = 	snop  }
0x10e: {  	[tilespmem:s5], [sflag:$0x3] =	stream.indirect.gather [spmem:s3], $0x80, s23, s14, $0xb8;
	[tilespmem:$0x16648] =	vst v63  }
0x10f: {  	_ =	swait.ge [sflag:s17], $0x5000  }
0x110: {  	[sflag:s17] =	ssyncset.done $0x0  }
0x111: {  	s23 =	rddreg [dreg:$0xa];
	[sflag:s17] =	ssyncadd.s32 $0xFFFFB000  }
0x112: {  	[hbm4b:s23+s1] =	stream.linear.scatter [tilespmem:s12], [sflag:$0x6], $0x5000, $0x38;
	[tilespmem:$0x16648] =	vst v63  }
0x113: {  	_ =	swait.ge [sflag:s16], $0x5000  }
0x114: {  	[sflag:s16] =	ssyncset.done $0x0  }
0x115: {  	s24 =	rddreg [dreg:$0xb];
	[sflag:s16] =	ssyncadd.s32 $0xFFFFB000  }
0x116: {  	[hbm4b:s24+s1] =	stream.linear.scatter [tilespmem:s11], [sflag:$0x8], $0x5000, $0x38;
	[tilespmem:$0x16648] =	vst v63  }
0x117: {  	_ =	swait.ge [sflag:s15], $0x5000  }
0x118: {  	[sflag:s15] =	ssyncset.done $0x0  }
0x119: {  	[sflag:s15] =	ssyncadd.s32 $0xFFFFB000  }
0x11a: {  	_ =	swait.ge [sflag:s13], $0x5000  }
0x11b: {  	[sflag:s13] =	ssyncset.done $0x0  }
0x11c: {  	[sflag:s13] =	ssyncadd.s32 $0xFFFFB000  }
0x11d: {  	[tilespmem:s12], [sflag:$0x2] =	stream.indirect.gather [hbm4b:s2+s14], $0x80, s20, s14, $0xb8;
	[tilespmem:$0x16648] =	vst v63  }
0x11e: {  	_ = 	snop  }
0x11f: {  	[tilespmem:s11], [sflag:$0x4] =	stream.indirect.gather [spmem:s3], $0x80, s21, s14, $0xb8;
	[tilespmem:$0x16648] =	vst v63  }
0x120: {  	_ =	swait.ge [sflag:s10], $0x5000  }
0x121: {  	[sflag:s10] =	ssyncset.done $0x0  }
0x122: {  	s25 =	rddreg [dreg:$0xc];
	[sflag:s10] =	ssyncadd.s32 $0xFFFFB000  }
0x123: {  	[hbm4b:s25+s1] =	stream.linear.scatter [tilespmem:s7], [sflag:$0x5], $0x5000, $0x38;
	[tilespmem:$0x16648] =	vst v63  }
0x124: {  	_ =	swait.ge [sflag:s9], $0x5000  }
0x125: {  	[sflag:s9] =	ssyncset.done $0x0  }
0x126: {  	s26 =	rddreg [dreg:$0xd];
	[sflag:s9] =	ssyncadd.s32 $0xFFFFB000  }
0x127: {  	[hbm4b:s26+s1] =	stream.linear.scatter [tilespmem:s5], [sflag:$0x7], $0x5000, $0x38;
	[tilespmem:$0x16648] =	vst v63  }
0x128: {  	_ =	swait.ge [sflag:s8], $0x5000  }
0x129: {  	[sflag:s8] =	ssyncset.done $0x0  }
0x12a: {  	[sflag:s8] =	ssyncadd.s32 $0xFFFFB000  }
0x12b: {  	_ =	swait.ge [sflag:s6], $0x5000  }
0x12c: {  	[sflag:s6] =	ssyncset.done $0x0  }
0x12d: {  	[sflag:s6] =	ssyncadd.s32 $0xFFFFB000  }
0x12e: {  	[tilespmem:s7], [sflag:$0x1] =	stream.indirect.gather [hbm4b:s2+s14], $0x80, s18, s14, $0xb8;
	[tilespmem:$0x16648] =	vst v63  }
0x12f: {  	_ = 	snop  }
0x130: {  	[tilespmem:s5], [sflag:$0x3] =	stream.indirect.gather [spmem:s3], $0x80, s19, s14, $0xb8;
	[tilespmem:$0x16648] =	vst v63  }
0x131: {  	_ =	swait.ge [sflag:s17], $0x5000  }
0x132: {  	[sflag:s17] =	ssyncset.done $0x0  }
0x133: {  	s28 =	rddreg [dreg:$0xe];
	[sflag:s17] =	ssyncadd.s32 $0xFFFFB000  }
0x134: {  	[hbm4b:s28+s1] =	stream.linear.scatter [tilespmem:s12], [sflag:$0x6], $0x5000, $0x38;
	[tilespmem:$0x16648] =	vst v63  }
0x135: {  	_ =	swait.ge [sflag:s16], $0x5000  }
0x136: {  	[sflag:s16] =	ssyncset.done $0x0  }
0x137: {  	s29 =	rddreg [dreg:$0xf];
	[sflag:s16] =	ssyncadd.s32 $0xFFFFB000  }
0x138: {  	[hbm4b:s29+s1] =	stream.linear.scatter [tilespmem:s11], [sflag:$0x8], $0x5000, $0x38;
	[tilespmem:$0x16648] =	vst v63  }
0x139: {  	_ =	swait.ge [sflag:s15], $0x5000  }
0x13a: {  	[sflag:s15] =	ssyncset.done $0x0  }
0x13b: {  	[sflag:s15] =	ssyncadd.s32 $0xFFFFB000  }
0x13c: {  	_ =	swait.ge [sflag:s13], $0x5000  }
0x13d: {  	[sflag:s13] =	ssyncset.done $0x0  }
0x13e: {  	[sflag:s13] =	ssyncadd.s32 $0xFFFFB000  }
0x13f: {  	_ =	swait.ge [sflag:s10], $0x5000  }
0x140: {  	[sflag:s10] =	ssyncset.done $0x0  }
0x141: {  	s31 =	rddreg [dreg:$0x10];
	[sflag:s10] =	ssyncadd.s32 $0xFFFFB000  }
0x142: {  	[hbm4b:s31+s1] =	stream.linear.scatter [tilespmem:s7], [sflag:$0x5], $0x5000, $0x38;
	[tilespmem:$0x16648] =	vst v63  }
0x143: {  	_ =	swait.ge [sflag:s9], $0x5000  }
0x144: {  	[sflag:s9] =	ssyncset.done $0x0  }
0x145: {  	[sflag:s9] =	ssyncadd.s32 $0xFFFFB000  }
0x146: {  	[hbm4b:s4+s1] =	stream.linear.scatter [tilespmem:s5], [sflag:$0x7], $0x5000, $0x38;
	[tilespmem:$0x16648] =	vst v63  }
0x147: {  	_ =	swait.ge [sflag:s8], $0x5000  }
0x148: {  	[sflag:s8] =	ssyncset.done $0x0  }
0x149: {  	[sflag:s8] =	ssyncadd.s32 $0xFFFFB000  }
0x14a: {  	_ =	swait.ge [sflag:s6], $0x5000  }
0x14b: {  	[sflag:s6] =	ssyncset.done $0x0  }
0x14c: {  	[sflag:s6] =	ssyncadd.s32 $0xFFFFB000  }
0x14d: {  	_ =	sfence.sel $0x180000  }
0x14e: {  	[bflag:$0x0] =	sbarrier.arrive $0xFFFF  }
0x14f: {  	_ =	strace $0x90000047  }
0x150: {  	s0 =	sadd.s32 @!p0 $0x100000, s30;
	[bflag:$0x2] =	sbarrier.arrive $0xFFFF  }
0x151: {  	[sflag:s0] =	ssyncadd.tile.s32 @!p0 $0x1;
	_ =	shalt  }
.LBB2_2:
.Ltmp3:
0x152: {  	(pc) =	sbr.rel .LBB2_5-.Ltmp3, $2  }
0x153: {  	_ =	sdelay $0x2  }
0x154: {  	s30 =	rddreg [dreg:$0x4]  }
.Lfunc_end2:
_tile_overlayer_lowered:
.L_overlay_start_2:
0x155: {  	(tag) =	ssettag $0x2  }
0x156: {  	s0 =	rddreg [dreg:$0x0];
	s2 =	stileid.u32  }
0x157: {  	s1 =	rddreg [dreg:$0x1];
	p0 =	sne.s32 s2, $0x0  }
0x158: {  	s3 =	rddreg [dreg:$0x2];
	[bflag:$0x3] =	sbarrier.arrive $0xFFFF;
	s2 =	simm.s32 @!p0 $0x1C09  }
0x159: {  	[timem:s3], [sflag:s2] =	dma.local @!p0 [hbm:s0], s1  }
0x15a: {  	s0 =	simm.s32 @!p0 $0x9  }
0x15b: {  	_ =	swait.ge @!p0 [sflag:s0], s1  }
0x15c: {  	s1 =	ssub.s32 @!p0 $0x0, s1;
	[sflag:s0] =	ssyncset.done @!p0 $0x0  }
0x15d: {  	[sflag:s0] =	ssyncadd.s32 @!p0 s1  }
0x15e: {  	[bflag:$0x3] =	sbarrier.arrive $0xFFFF  }
0x15f: {  	_ =	shalt  }

// kernel: kernel.8.cloned.1.call-start
scs
__scs_entry_jumppad:
0x0: {  	(pc) =	sbr.rel $0x88, $3  }
0x1: {  	(tag) =	ssettag $0x0;
	lr =	simm.s32 $0x1  }
0x2: {  	[smem:$0x3F91] =	sst lr;
	_ =	strace $0xD0000000  }
0x3: {  	_ = 	snop  }
0x4: {  	_ = 	snop  }
0x5: {  	_ = 	snop  }
0x6: {  	_ = 	snop  }
0x7: {  	_ = 	snop  }
__scs_overlays_trampoline_lowered:
0x8: {  	[smem:$0x3FA0] =	sst s0  }
0x9: {  	[smem:$0x3FA1] =	sst s1  }
0xa: {  	[smem:$0x3FA2] =	sst s2  }
0xb: {  	[smem:$0x3FA3] =	sst s3  }
0xc: {  	[smem:$0x3FA4] =	sst s4  }
0xd: {  	[smem:$0x3FA5] =	sst s5  }
0xe: {  	[smem:$0x3FA6] =	sst s6  }
0xf: {  	[smem:$0x3FA7] =	sst s7  }
0x10: {  	[smem:$0x3FA8] =	sst s8  }
0x11: {  	[smem:$0x3FA9] =	sst s9;
	s0 =	simm.s32 @!p0 $0x0  }
0x12: {  	s1 =	sld [smem:$0x3F8F];
	s0 =	simm.s32 @p0 $0x1  }
0x13: {  	[smem:$0x3FAA] =	sst s0;
	s0 =	simm.s32 @!p1 $0x0  }
0x14: {  	s2 =	sld [smem:$0x3F8E];
	s0 =	simm.s32 @p1 $0x1  }
0x15: {  	[smem:$0x3FAB] =	sst s0;
	s0 =	simm.s32 @!p2 $0x0  }
0x16: {  	s3 =	sld [smem:$0x3FDB];
	s0 =	simm.s32 @p2 $0x1  }
0x17: {  	s4 =	simm.s32 $0x1BF5;
	[smem:$0x3FAD] =	sst s0  }
0x18: {  	s0 =	sld [smem:$0x3F90];
	_ =	swait.ge [sflag:s4], $0x0  }
0x19: {  	s7 =	sld [smem:$0x3F91]  }
0x1a: {  	s8 =	sadd.s32 $0xFFFFE003, lr  }
0x1b: {  	s9 =	sadd.s32 $0xFFFFFEF7, lr;
	s5 =	simm.s32 $0xFFFFFFFF;
	p2 =	slt.u32 s8, $0xFFFFF086  }
0x1c: {  	p1 =	slt.u32 s9, $0xF7A;
	s5 =	simm.s32 @!p2 $0x0  }
0x1d: {  	s5 =	simm.s32 @p1 $0x1;
	p0 =	seq.s32 s7, s2  }
0x1e: {  	s7 =	smul.u32 @!p0 $0xF7A, s2;
	p2 =	seq.s32 @!p0 s5, $0x0  }
0x1f: {  	s9 =	smul.u32 $0xF7A, s1;
	s8 =	simm.s32 @!p0 $0x1BF5;
	p2 =	por !p2, p0  }
0x20: {  	[sflag:s8] =	ssyncset.s32 @!p0 $0xFFFFF086;
	s6 =	sadd.s32 @!p0 s3, s7;
	s7 =	simm.s32 @!p0 $0x108  }
0x21: {  	s3 =	sadd.s32 s3, s9;
	s6 =	sadd.s32 @!p0 $0x88, s6;
	s7 =	simm.s32 @p2 $0x1082  }
0x22: {  	[simem:s7], [sflag:s8] =	dma.local @!p0 [hbm:s6], $0xF7A  }
0x23: {  	s9 =	sor.u32 $0xD0000000, s2;
	s6 =	simm.s32 $0x108;
	_ =	swait.ge @!p0 [sflag:s8], $0x0  }
0x24: {  	s3 =	sadd.s32 $0x88, s3;
	s6 =	simm.s32 @!p1 $0x1082;
	[sflag:s4] =	ssyncset.s32 $0xFFFFF086  }
0x25: {  	[simem:s6], [sflag:s4] =	dma.local [hbm:s3], $0xF7A  }
0x26: {  	[smem:$0x3F91] =	sst s1;
	(tag) =	ssettag s2;
	_ =	strace s9  }
0x27: {  	s1 =	sld [smem:$0x3FA1]  }
0x28: {  	s2 =	sld [smem:$0x3FA2]  }
0x29: {  	s4 =	sld [smem:$0x3FA4]  }
0x2a: {  	p0 =	seq.s32 s5, $0x0;
	s5 =	sld [smem:$0x3FA5]  }
0x2b: {  	s6 =	sld [smem:$0x3FA6]  }
0x2c: {  	s7 =	sld [smem:$0x3FA7]  }
0x2d: {  	s3 =	simm.s32 $0x108;
	s8 =	sld [smem:$0x3FA8]  }
0x2e: {  	s3 =	simm.s32 @!p0 $0x1082;
	s9 =	sld [smem:$0x3FA9]  }
0x2f: {  	lr =	sadd.s32 s0, s3;
	s0 =	sld [smem:$0x3FA0]  }
0x30: {  	s3 =	sld [smem:$0x3FA3]  }
0x31: {  	[smem:$0x3FAC] =	sst s10  }
0x32: {  	s10 =	sld [smem:$0x3FAA];
	_ =	sdelay $0x3  }
0x33: {  	p0 =	seq.s32 s10, $0x1;
	s10 =	sld [smem:$0x3FAC];
	_ =	sdelay $0x3  }
0x34: {  	[smem:$0x3FAC] =	sst s10  }
0x35: {  	s10 =	sld [smem:$0x3FAB];
	_ =	sdelay $0x3  }
0x36: {  	p1 =	seq.s32 s10, $0x1;
	s10 =	sld [smem:$0x3FAC];
	_ =	sdelay $0x3  }
0x37: {  	[smem:$0x3FAC] =	sst s10  }
0x38: {  	s10 =	sld [smem:$0x3FAD]  }
0x39: {  	_ = 	snop;
	(pc) =	sbr.ind lr, $3  }
0x3a: {  	_ = 	snop  }
0x3b: {  	_ = 	snop  }
0x3c: {  	p2 =	seq.s32 s10, $0x1;
	s10 =	sld [smem:$0x3FAC]  }
0x3d: {  	_ =	shalt  }
0x3e: {  	_ =	shalt  }
0x3f: {  	_ =	shalt  }
0x40: {  	_ =	shalt  }
0x41: {  	_ =	shalt  }
0x42: {  	_ =	shalt  }
0x43: {  	_ =	shalt  }
0x44: {  	_ =	shalt  }
0x45: {  	_ =	shalt  }
0x46: {  	_ =	shalt  }
0x47: {  	_ =	shalt  }
0x48: {  	_ =	shalt  }
0x49: {  	_ =	shalt  }
0x4a: {  	_ =	shalt  }
0x4b: {  	_ =	shalt  }
0x4c: {  	_ =	shalt  }
0x4d: {  	_ =	shalt  }
0x4e: {  	_ =	shalt  }
0x4f: {  	_ =	shalt  }
0x50: {  	_ =	shalt  }
0x51: {  	_ =	shalt  }
0x52: {  	_ =	shalt  }
0x53: {  	_ =	shalt  }
0x54: {  	_ =	shalt  }
0x55: {  	_ =	shalt  }
0x56: {  	_ =	shalt  }
0x57: {  	_ =	shalt  }
0x58: {  	_ =	shalt  }
0x59: {  	_ =	shalt  }
0x5a: {  	_ =	shalt  }
0x5b: {  	_ =	shalt  }
0x5c: {  	_ =	shalt  }
0x5d: {  	_ =	shalt  }
0x5e: {  	_ =	shalt  }
0x5f: {  	_ =	shalt  }
0x60: {  	_ =	shalt  }
0x61: {  	_ =	shalt  }
0x62: {  	_ =	shalt  }
0x63: {  	_ =	shalt  }
0x64: {  	_ =	shalt  }
0x65: {  	_ =	shalt  }
0x66: {  	_ =	shalt  }
0x67: {  	_ =	shalt  }
0x68: {  	_ =	shalt  }
0x69: {  	_ =	shalt  }
0x6a: {  	_ =	shalt  }
0x6b: {  	_ =	shalt  }
0x6c: {  	_ =	shalt  }
0x6d: {  	_ =	shalt  }
0x6e: {  	_ =	shalt  }
0x6f: {  	_ =	shalt  }
0x70: {  	_ =	shalt  }
0x71: {  	_ =	shalt  }
0x72: {  	_ =	shalt  }
0x73: {  	_ =	shalt  }
0x74: {  	_ =	shalt  }
0x75: {  	_ =	shalt  }
0x76: {  	_ =	shalt  }
0x77: {  	_ =	shalt  }
0x78: {  	_ =	shalt  }
0x79: {  	_ =	shalt  }
0x7a: {  	_ =	shalt  }
0x7b: {  	_ =	shalt  }
0x7c: {  	_ =	shalt  }
0x7d: {  	_ =	shalt  }
0x7e: {  	_ =	shalt  }
0x7f: {  	_ =	shalt  }
0x80: {  	_ =	shalt  }
0x81: {  	_ =	shalt  }
0x82: {  	_ =	shalt  }
0x83: {  	_ =	shalt  }
0x84: {  	_ =	shalt  }
0x85: {  	_ =	shalt  }
0x86: {  	_ =	shalt  }
0x87: {  	_ =	shalt  }
.Lfunc_end0:
.L_simem_size_0:
called_computation_lowered:
.L_overlay_start_0:
0x88: {  	s2 =	sld [smem:$0x3FD9]  }
0x89: {  	s3 =	sld [smem:$0x3FFE];
	_ =	sdelay $0x1  }
0x8a: {  	s1 =	srdreg.scid  }
0x8b: {  	s0 =	sand.u32 $0x1, s1  }
0x8c: {  	s17 =	sshll.u32 s0, $0xA;
	s2 =	sadd.s32 s3, s2  }
0x8d: {  	s2 =	sadd.s32 s2, s17  }
0x8e: {  	[smem:$0x3FB8] =	sst s2  }
0x8f: {  	_ = 	snop  }
0x90: {  	s18 =	sld [smem:$0x3FC5]  }
0x91: {  	s4 =	sld [smem:$0x3FC4]  }
0x92: {  	s5 =	sld [smem:$0x3FD0];
	(tm) =	ssettm $0x1  }
0x93: {  	s19 =	sld [smem:$0x3FFB];
	_ =	sdelay $0x3  }
0x94: {  	_ =	strace s19  }
0x95: {  	s2 =	sld [smem:$0x3FFC];
	_ =	sdelay $0x3  }
0x96: {  	_ =	strace s2  }
0x97: {  	s2 =	sld [smem:$0x3FFD];
	_ =	sdelay $0x3  }
0x98: {  	_ =	strace s2  }
0x99: {  	_ =	strace $0x8FFFFFFF  }
0x9a: {  	s20 =	sld [smem:$0x3FDB];
	_ =	sdelay $0x1  }
0x9b: {  	s6 =	simm.s32 $_scs_section_size  }
0x9c: {  	s7 =	simm.s32 $_size__tile_overlayer_lowered;
	s8 =	simm.s32 $_tile_overlayer_lowered  }
0x9d: {  	s9 =	simm.s32 $0x1BFF;
	s21 =	sshll.u32 s8, $0x1;
	s6 =	sadd.s32 s6, s20  }
0x9e: {  	s22 =	simm.s32 $0x0;
	s7 =	sshll.u32 s7, $0x1;
	s8 =	sadd.s32 s21, s6  }
0x9f: {  	[timem:s22], [sflag:s9] =	dma.local [hbm:s8], s7  }
0xa0: {  	_ =	swait.ge [sflag:s9], s7  }
0xa1: {  	s7 =	ssub.s32 $0x0, s7;
	[sflag:s9] =	ssyncset.done $0x0  }
0xa2: {  	[sflag:s9] =	ssyncadd.s32 s7;
	_ =	sdelay $0x1  }
0xa3: {  	s23 =	simm.s32 $0x1B8B  }
0xa4: {  	_ =	swait.ge [sflag:s23], $0x1  }
0xa5: {  	[sflag:s23] =	ssyncset.done $0x0  }
0xa6: {  	[sflag:s23] =	ssyncadd.s32 $0xFFFFFFFF  }
0xa7: {  	s7 =	sld [smem:$0x0]  }
0xa8: {  	s8 =	sand.u32 $0xFFFFFFFE, s1  }
0xa9: {  	p0 =	sne.s32 s1, s8  }
0xaa: {  	s8 =	sshll.u32 @p0 s8, $0xE  }
0xab: {  	s8 =	sadd.s32 @p0 $0x11B8D, s8;
	s9 =	sshll.u32 @p0 s7, $0x11  }
0xac: {  	s8 =	sor.u32 @p0 s9, s8  }
0xad: {  	[sflag:s8] =	ssyncadd.remote.s32 @p0 $0x1;
	_ =	sdelay $0x1  }
0xae: {  	s8 =	simm.s32 @p0 $0x1B8D  }
0xaf: {  	_ =	swait.eq @p0 [sflag:s8], $0x1  }
0xb0: {  	[sflag:s8] =	ssyncadd.s32 @p0 $0xFFFFFFFF  }
0xb1: {  	s9 =	sshll.u32 @!p0 s1, $0xE  }
0xb2: {  	s9 =	sor.u32 @!p0 $0x4000, s9;
	s8 =	simm.s32 @!p0 $0x1B8D  }
0xb3: {  	s7 =	sshll.u32 @!p0 s7, $0x11;
	s9 =	sadd.s32 @!p0 $0x11B8D, s9;
	_ =	swait.eq @!p0 [sflag:s8], $0x1  }
0xb4: {  	s7 =	sor.u32 @!p0 s7, s9;
	[sflag:s8] =	ssyncadd.s32 @!p0 $0xFFFFFFFF  }
0xb5: {  	s25 =	simm.s32 $0x1B8E;
	s24 =	sld [smem:$0x3FFE];
	[sflag:s7] =	ssyncadd.remote.s32 @!p0 $0x1  }
0xb6: {  	s26 =	simm.s32 $execute0_lowered;
	[smem:$0x3FD2] =	sst s25  }
0xb7: {  	s8 =	sshll.u32 s26, $0x1;
	_ =	strace $0x8000004C;
	[dreg:$0x1] =	wrdreg $0xFFFFFFFF  }
0xb8: {  	s28 =	simm.s32 $_size_execute0_lowered;
	s6 =	sadd.s32 s6, s8;
	[dreg:$0x0] =	wrdreg $0x0  }
0xb9: {  	s8 =	sshll.u32 s28, $0x1;
	[dreg:$0x2] =	wrdreg s6  }
0xba: {  	[dreg:$0x3] =	wrdreg s8  }
0xbb: {  	[dreg:$0x4] =	wrdreg $0xC0  }
0xbc: {  	_ =	task [dreg:s22], $0x5FFFF  }
0xbd: {  	[dreg:$0x1] =	wrdreg $0xFFFFFFFF  }
0xbe: {  	[dreg:$0x0] =	wrdreg $0x60  }
0xbf: {  	[dreg:$0x2] =	wrdreg s18  }
0xc0: {  	[dreg:$0x3] =	wrdreg s4  }
0xc1: {  	[dreg:$0x4] =	wrdreg s5  }
0xc2: {  	[dreg:$0x5] =	wrdreg s24  }
0xc3: {  	[dreg:$0x6] =	wrdreg $0x8000  }
0xc4: {  	[dreg:$0x7] =	wrdreg $0x9  }
0xc5: {  	_ =	task.clear_ibuf [dreg:s22], $0x8FFFF;
	_ =	strace $0x9000004C  }
0xc6: {  	s29 =	simm.s32 $0x9;
	_ =	strace $0x8000004E  }
0xc7: {  	_ =	swait.ge [sflag:s29], $0x1  }
0xc8: {  	[sflag:s29] =	ssyncadd.s32 $0xFFFFFFFF  }
0xc9: {  	_ =	strace $0x9000004E  }
0xca: {  	_ =	sfence  }
0xcb: {  	s30 =	sld [smem:$0x0];
	_ =	sdelay $0x2  }
0xcc: {  	s31 =	sshll.u32 s1, $0xD;
	s1 =	sshrl.u32 s1, $0x2  }
0xcd: {  	s4 =	sand.u32 $0x4000, s31;
	s1 =	sadd.s32 s1, s30  }
0xce: {  	s0 =	sor.u32 s4, s0;
	s1 =	sshll.u32 s1, $0x11  }
0xcf: {  	s0 =	sor.u32 s1, s0  }
0xd0: {  	s0 =	sadd.s32 $0x8F2B, s0  }
0xd1: {  	[sflag:s0] =	ssyncadd.remote.s32 $0x1  }
0xd2: {  	_ =	sfence.sel $0xFFFF  }
0xd3: {  	[dreg:$0x0] =	wrdreg $0xFFFFFFFF;
	(pc) =	sbr.abs _section_cstart, $3  }
0xd4: {  	[dreg:$0x1] =	wrdreg $0xFFFFFFFF  }
0xd5: {  	_ =	task.clear_ibuf [dreg:s22], $0x2FFFF;
	_ =	strace $0x9FFFFFFF  }
0xd6: {  	(tm) =	ssettm $0x7FFFFFFF  }
0xd7: {  	_ =	shalt  }
tec
execute0_lowered:
.L_overlay_start_1:
0x0: {  	(tag) =	ssettag $0x1  }
0x1: {  	s2 =	rddreg [dreg:$0x0]  }
0x2: {  	s0 =	rddreg [dreg:$0x1]  }
0x3: {  	s16 =	rddreg [dreg:$0x2]  }
0x4: {  	s5 =	rddreg [dreg:$0x3]  }
0x5: {  	s3 =	rddreg [dreg:$0x4]  }
0x6: {  	s1 =	srdreg.scid;
	s30 =	rddreg [dreg:$0x5]  }
0x7: {  	s4 =	stileid.u32;
	p1 =	por $0x0, $0x0;
	[dreg:$0x6] =	wrdreg s0  }
0x8: {  	s6 =	sand.u32 $0x1, s1;
	s17 =	sshll.u32 s4, $0x1;
	s1 =	simm.s32 $0x0  }
0x9: {  	s11 =	sadd.s32 $0x198E00, s5;
	p0 =	sne.s32 s4, $0x0;
	s7 =	sor.u32 s6, s17  }
0xa: {  	s4 =	simm.s32 $0x11748;
	[smem:$0x7FF] =	sst s1;
	s8 =	smul.u32 $0x78, s7  }
0xb: {  	s6 =	ssub.s32 $0x2, s6;
	s28 =	sshrl.u32 @!p0 s3, $0x3;
	s10 =	smul.u32 $0x3C00, s7  }
0xc: {  	_ =	strace $0x8000004D;
	s7 =	smul.u32 $0x1E000, s7;
	s15 =	sshrl.u32 s6, $0x1  }
0xd: {  	s6 =	ssub.s32 s6, s15;
	s15 =	simm.s32 $0xA0;
	s9 =	sadd.s32 s8, s5  }
0xe: {  	s0 =	sadd.s32 s16, s8;
	s5 =	sadd.s32 $0x210E00, s5;
	s19 =	sadd.s32 s11, s10  }
0xf: {  	s7 =	sshrl.u32 s7, $0x3;
	s8 =	simm.s32 $0x4;
	[dreg:$0x7] =	wrdreg s0  }
0x10: {  	s18 =	sadd.s32 $0x197E00, s9;
	[dreg:$0x9] =	wrdreg s19;
	s20 =	sadd.s32 s5, s10  }
0x11: {  	s21 =	sadd.s32 $0xA00, s7;
	s24 =	sadd.s32 $0x1400, s7;
	s0 =	rddreg [dreg:$0x6]  }
0x12: {  	s29 =	sadd.s32 $0x1E00, s7;
	s12 =	sadd.s32 $0x2800, s7;
	[dreg:$0x8] =	wrdreg s18  }
0x13: {  	s7 =	sadd.s32 $0x3200, s7;
	s19 =	simm.s32 $0x280;
	[dreg:$0xa] =	wrdreg s20  }
0x14: {  	s22 =	sadd.s32 s11, s21;
	s23 =	sadd.s32 s5, s21;
	s25 =	sadd.s32 s11, s24  }
0x15: {  	s26 =	sadd.s32 s5, s24;
	s9 =	sadd.s32 s11, s29;
	[dreg:$0xb] =	wrdreg s22  }
0x16: {  	s10 =	sadd.s32 s5, s29;
	s13 =	sadd.s32 s11, s12;
	[dreg:$0xc] =	wrdreg s23  }
0x17: {  	s14 =	sadd.s32 s5, s12;
	s16 =	sadd.s32 s11, s7;
	[dreg:$0xd] =	wrdreg s25  }
0x18: {  	s17 =	sadd.s32 s5, s7;
	s18 =	smax.u32 s6, $0x1;
	[dreg:$0xe] =	wrdreg s26  }
0x19: {  	s12 =	simm.s32 $0x2748;
	s29 =	simm.s32 $0x4A0;
	[dreg:$0xf] =	wrdreg s9  }
0x1a: {  	s5 =	simm.s32 $0x7748;
	s11 =	simm.s32 $0x7;
	[dreg:$0x10] =	wrdreg s10  }
0x1b: {  	s24 =	simm.s32 $0x540;
	s7 =	simm.s32 $0x6;
	[dreg:$0x11] =	wrdreg s13  }
0x1c: {  	s6 =	simm.s32 $0x8;
	[dreg:$0x12] =	wrdreg s14;
	s31 =	sadd.s32 $0xFFFFFFFF, s18  }
0x1d: {  	s21 =	simm.s32 $0x1E0;
	[dreg:$0x13] =	wrdreg s16;
	p2 =	sne.s32 s31, $0x0  }
.Ltmp0:
0x1e: {  	s20 =	simm.s32 $0x680;
	[dreg:$0x14] =	wrdreg s17;
	(pc) =	sbr.rel @!p2 .LBB2_5-.Ltmp0, $4  }
0x1f: {  	s26 =	simm.s32 $0x9;
	s25 =	simm.s32 $0x400;
	s9 =	simm.s32 $0xC748  }
0x20: {  	[dreg:$0x15] =	wrdreg s29;
	s16 =	simm.s32 $0x1;
	s14 =	simm.s32 $0x3  }
0x21: {  	s13 =	simm.s32 $0x5;
	s23 =	simm.s32 $0x140;
	s10 =	simm.s32 $0x2  }
0x22: {  	s22 =	simm.s32 $0x5E0;
	s17 =	simm.s32 $0x320;
	s18 =	simm.s32 $0x720  }
0x23: {  	s29 =	simm.s32 @!p0 $0x1C09;
	s30 =	simm.s32 @!p0 $0x9  }
0x24: {  	[spmem:s28], [sflag:s29] =	dma.local @!p0 [hbm:s0], $0x3E90  }
0x25: {  	_ =	swait.ge @!p0 [sflag:s30], $0x3E90  }
0x26: {  	[sflag:s30] =	ssyncset.done @!p0 $0x0  }
0x27: {  	[sflag:s30] =	ssyncadd.s32 @!p0 $0xFFFFC170  }
0x28: {  	[bflag:$0x0] =	sbarrier.arrive $0xFFFF  }
0x29: {  	s0 =	rddreg [dreg:$0x7]  }
0x2a: {  	[tilespmem:s1], [sflag:$0x9] =	stream.linear.gather [hbm4b:s0+s1], $0x3C0, $0x38;
	[tilespmem:$0x16748] =	vst v63  }
0x2b: {  	_ =	swait.ge [sflag:s26], $0x3C0  }
0x2c: {  	[sflag:s26] =	ssyncset.done $0x0  }
0x2d: {  	s0 =	rddreg [dreg:$0x8];
	[sflag:s26] =	ssyncadd.s32 $0xFFFFFC40  }
0x2e: {  	[tilespmem:s25], [sflag:$0x9] =	stream.linear.gather [hbm4b:s0+s1], $0x3C0, $0x38;
	[tilespmem:$0x16748] =	vst v63  }
0x2f: {  	_ =	swait.ge [sflag:s26], $0x3C0  }
0x30: {  	[sflag:s26] =	ssyncset.done $0x0  }
0x31: {  	[sflag:s26] =	ssyncadd.s32 $0xFFFFFC40  }
0x32: {  	[tilespmem:s12], [sflag:$0x1] =	stream.indirect.gather [hbm4b:s2+s15], $0x80, s1, s15, $0xb8;
	[tilespmem:$0x16748] =	vst v63  }
0x33: {  	_ = 	snop  }
0x34: {  	[tilespmem:s9], [sflag:$0x3] =	stream.indirect.gather [spmem:s3], $0x80, s25, s15, $0xb8;
	[tilespmem:$0x16748] =	vst v63  }
0x35: {  	_ = 	snop  }
0x36: {  	[tilespmem:s5], [sflag:$0x2] =	stream.indirect.gather [hbm4b:s2+s15], $0x80, s15, s15, $0xb8;
	[tilespmem:$0x16748] =	vst v63  }
0x37: {  	s0 =	rddreg [dreg:$0x15]  }
0x38: {  	[tilespmem:s4], [sflag:$0x4] =	stream.indirect.gather [spmem:s3], $0x80, s0, s15, $0xb8;
	[tilespmem:$0x16748] =	vst v63  }
0x39: {  	_ =	swait.ge [sflag:s16], $0x5000  }
0x3a: {  	[sflag:s16] =	ssyncset.done $0x0  }
0x3b: {  	s0 =	rddreg [dreg:$0x9];
	[sflag:s16] =	ssyncadd.s32 $0xFFFFB000  }
0x3c: {  	[hbm4b:s0+s1] =	stream.linear.scatter [tilespmem:s12], [sflag:$0x5], $0x5000, $0x38;
	[tilespmem:$0x16748] =	vst v63  }
0x3d: {  	_ =	swait.ge [sflag:s14], $0x5000  }
0x3e: {  	[sflag:s14] =	ssyncset.done $0x0  }
0x3f: {  	s0 =	rddreg [dreg:$0xa];
	[sflag:s14] =	ssyncadd.s32 $0xFFFFB000  }
0x40: {  	[hbm4b:s0+s1] =	stream.linear.scatter [tilespmem:s9], [sflag:$0x7], $0x5000, $0x38;
	[tilespmem:$0x16748] =	vst v63  }
0x41: {  	_ =	swait.ge [sflag:s13], $0x5000  }
0x42: {  	[sflag:s13] =	ssyncset.done $0x0  }
0x43: {  	[sflag:s13] =	ssyncadd.s32 $0xFFFFB000  }
0x44: {  	_ =	swait.ge [sflag:s11], $0x5000  }
0x45: {  	[sflag:s11] =	ssyncset.done $0x0  }
0x46: {  	[sflag:s11] =	ssyncadd.s32 $0xFFFFB000  }
0x47: {  	[tilespmem:s12], [sflag:$0x1] =	stream.indirect.gather [hbm4b:s2+s15], $0x80, s23, s15, $0xb8;
	[tilespmem:$0x16748] =	vst v63  }
0x48: {  	_ = 	snop  }
0x49: {  	[tilespmem:s9], [sflag:$0x3] =	stream.indirect.gather [spmem:s3], $0x80, s24, s15, $0xb8;
	[tilespmem:$0x16748] =	vst v63  }
0x4a: {  	_ =	swait.ge [sflag:s10], $0x5000  }
0x4b: {  	[sflag:s10] =	ssyncset.done $0x0  }
0x4c: {  	s0 =	rddreg [dreg:$0xb];
	[sflag:s10] =	ssyncadd.s32 $0xFFFFB000  }
0x4d: {  	[hbm4b:s0+s1] =	stream.linear.scatter [tilespmem:s5], [sflag:$0x6], $0x5000, $0x38;
	[tilespmem:$0x16748] =	vst v63  }
0x4e: {  	_ =	swait.ge [sflag:s8], $0x5000  }
0x4f: {  	[sflag:s8] =	ssyncset.done $0x0  }
0x50: {  	s0 =	rddreg [dreg:$0xc];
	[sflag:s8] =	ssyncadd.s32 $0xFFFFB000  }
0x51: {  	[hbm4b:s0+s1] =	stream.linear.scatter [tilespmem:s4], [sflag:$0x8], $0x5000, $0x38;
	[tilespmem:$0x16748] =	vst v63  }
0x52: {  	_ =	swait.ge [sflag:s7], $0x5000  }
0x53: {  	[sflag:s7] =	ssyncset.done $0x0  }
0x54: {  	[sflag:s7] =	ssyncadd.s32 $0xFFFFB000  }
0x55: {  	_ =	swait.ge [sflag:s6], $0x5000  }
0x56: {  	[sflag:s6] =	ssyncset.done $0x0  }
0x57: {  	[sflag:s6] =	ssyncadd.s32 $0xFFFFB000  }
0x58: {  	[tilespmem:s5], [sflag:$0x2] =	stream.indirect.gather [hbm4b:s2+s15], $0x80, s21, s15, $0xb8;
	[tilespmem:$0x16748] =	vst v63  }
0x59: {  	_ = 	snop  }
0x5a: {  	[tilespmem:s4], [sflag:$0x4] =	stream.indirect.gather [spmem:s3], $0x80, s22, s15, $0xb8;
	[tilespmem:$0x16748] =	vst v63  }
0x5b: {  	_ =	swait.ge [sflag:s16], $0x5000  }
0x5c: {  	[sflag:s16] =	ssyncset.done $0x0  }
0x5d: {  	s0 =	rddreg [dreg:$0xd];
	[sflag:s16] =	ssyncadd.s32 $0xFFFFB000  }
0x5e: {  	[hbm4b:s0+s1] =	stream.linear.scatter [tilespmem:s12], [sflag:$0x5], $0x5000, $0x38;
	[tilespmem:$0x16748] =	vst v63  }
0x5f: {  	_ =	swait.ge [sflag:s14], $0x5000  }
0x60: {  	[sflag:s14] =	ssyncset.done $0x0  }
0x61: {  	s0 =	rddreg [dreg:$0xe];
	[sflag:s14] =	ssyncadd.s32 $0xFFFFB000  }
0x62: {  	[hbm4b:s0+s1] =	stream.linear.scatter [tilespmem:s9], [sflag:$0x7], $0x5000, $0x38;
	[tilespmem:$0x16748] =	vst v63  }
0x63: {  	_ =	swait.ge [sflag:s13], $0x5000  }
0x64: {  	[sflag:s13] =	ssyncset.done $0x0  }
0x65: {  	[sflag:s13] =	ssyncadd.s32 $0xFFFFB000  }
0x66: {  	_ =	swait.ge [sflag:s11], $0x5000  }
0x67: {  	[sflag:s11] =	ssyncset.done $0x0  }
0x68: {  	[sflag:s11] =	ssyncadd.s32 $0xFFFFB000  }
0x69: {  	[tilespmem:s12], [sflag:$0x1] =	stream.indirect.gather [hbm4b:s2+s15], $0x80, s19, s15, $0xb8;
	[tilespmem:$0x16748] =	vst v63  }
0x6a: {  	_ = 	snop  }
0x6b: {  	[tilespmem:s9], [sflag:$0x3] =	stream.indirect.gather [spmem:s3], $0x80, s20, s15, $0xb8;
	[tilespmem:$0x16748] =	vst v63  }
0x6c: {  	_ =	swait.ge [sflag:s10], $0x5000  }
0x6d: {  	[sflag:s10] =	ssyncset.done $0x0  }
0x6e: {  	s0 =	rddreg [dreg:$0xf];
	[sflag:s10] =	ssyncadd.s32 $0xFFFFB000  }
0x6f: {  	[hbm4b:s0+s1] =	stream.linear.scatter [tilespmem:s5], [sflag:$0x6], $0x5000, $0x38;
	[tilespmem:$0x16748] =	vst v63  }
0x70: {  	_ =	swait.ge [sflag:s8], $0x5000  }
0x71: {  	[sflag:s8] =	ssyncset.done $0x0  }
0x72: {  	s0 =	rddreg [dreg:$0x10];
	[sflag:s8] =	ssyncadd.s32 $0xFFFFB000  }
0x73: {  	[hbm4b:s0+s1] =	stream.linear.scatter [tilespmem:s4], [sflag:$0x8], $0x5000, $0x38;
	[tilespmem:$0x16748] =	vst v63  }
0x74: {  	_ =	swait.ge [sflag:s7], $0x5000  }
0x75: {  	[sflag:s7] =	ssyncset.done $0x0  }
0x76: {  	[sflag:s7] =	ssyncadd.s32 $0xFFFFB000  }
0x77: {  	_ =	swait.ge [sflag:s6], $0x5000  }
0x78: {  	[sflag:s6] =	ssyncset.done $0x0  }
0x79: {  	[sflag:s6] =	ssyncadd.s32 $0xFFFFB000  }
0x7a: {  	[tilespmem:s5], [sflag:$0x2] =	stream.indirect.gather [hbm4b:s2+s15], $0x80, s17, s15, $0xb8;
	[tilespmem:$0x16748] =	vst v63  }
0x7b: {  	_ = 	snop  }
0x7c: {  	[tilespmem:s4], [sflag:$0x4] =	stream.indirect.gather [spmem:s3], $0x80, s18, s15, $0xb8;
	[tilespmem:$0x16748] =	vst v63  }
0x7d: {  	_ =	swait.ge [sflag:s16], $0x5000  }
0x7e: {  	[sflag:s16] =	ssyncset.done $0x0  }
0x7f: {  	s0 =	rddreg [dreg:$0x11];
	[sflag:s16] =	ssyncadd.s32 $0xFFFFB000  }
0x80: {  	[hbm4b:s0+s1] =	stream.linear.scatter [tilespmem:s12], [sflag:$0x5], $0x5000, $0x38;
	[tilespmem:$0x16748] =	vst v63  }
0x81: {  	_ =	swait.ge [sflag:s14], $0x5000  }
0x82: {  	[sflag:s14] =	ssyncset.done $0x0  }
0x83: {  	s0 =	rddreg [dreg:$0x12];
	[sflag:s14] =	ssyncadd.s32 $0xFFFFB000  }
0x84: {  	[hbm4b:s0+s1] =	stream.linear.scatter [tilespmem:s9], [sflag:$0x7], $0x5000, $0x38;
	[tilespmem:$0x16748] =	vst v63  }
0x85: {  	_ =	swait.ge [sflag:s13], $0x5000  }
0x86: {  	[sflag:s13] =	ssyncset.done $0x0  }
0x87: {  	[sflag:s13] =	ssyncadd.s32 $0xFFFFB000  }
0x88: {  	_ =	swait.ge [sflag:s11], $0x5000  }
0x89: {  	[sflag:s11] =	ssyncset.done $0x0  }
0x8a: {  	[sflag:s11] =	ssyncadd.s32 $0xFFFFB000  }
0x8b: {  	_ =	swait.ge [sflag:s10], $0x5000  }
0x8c: {  	[sflag:s10] =	ssyncset.done $0x0  }
0x8d: {  	s0 =	rddreg [dreg:$0x13];
	[sflag:s10] =	ssyncadd.s32 $0xFFFFB000  }
0x8e: {  	[hbm4b:s0+s1] =	stream.linear.scatter [tilespmem:s5], [sflag:$0x6], $0x5000, $0x38;
	[tilespmem:$0x16748] =	vst v63  }
0x8f: {  	_ =	swait.ge [sflag:s8], $0x5000  }
0x90: {  	s31 =	sadd.s32 $0xFFFFFFFF, s31;
	[sflag:s8] =	ssyncset.done $0x0  }
0x91: {  	p2 =	sne.s32 s31, $0x0;
	s0 =	rddreg [dreg:$0x14];
	[sflag:s8] =	ssyncadd.s32 $0xFFFFB000  }
0x92: {  	[hbm4b:s0+s1] =	stream.linear.scatter [tilespmem:s4], [sflag:$0x8], $0x5000, $0x38;
	[tilespmem:$0x16748] =	vst v63  }
.Ltmp1:
0x93: {  	_ =	swait.ge [sflag:s7], $0x5000;
	(pc) =	sbr.rel @!p2 .LBB2_2-.Ltmp1, $4  }
0x94: {  	[sflag:s7] =	ssyncset.done $0x0  }
0x95: {  	[sflag:s7] =	ssyncadd.s32 $0xFFFFB000  }
0x96: {  	_ =	swait.ge [sflag:s6], $0x5000  }
0x97: {  	p1 =	por $0x1, $0x1;
	s0 =	rddreg [dreg:$0x6];
	[sflag:s6] =	ssyncset.done $0x0  }
.LBB2_3:
0x98: {  	[sflag:s6] =	ssyncadd.s32 $0xFFFFB000  }
0x99: {  	[spmem:s28], [sflag:s29] =	dma.local @!p0 [hbm:s0], $0x3E90  }
0x9a: {  	_ =	swait.ge @!p0 [sflag:s30], $0x3E90  }
0x9b: {  	[sflag:s30] =	ssyncset.done @!p0 $0x0  }
0x9c: {  	[sflag:s30] =	ssyncadd.s32 @!p0 $0xFFFFC170  }
0x9d: {  	[bflag:$0x0] =	sbarrier.arrive $0xFFFF  }
0x9e: {  	s0 =	rddreg [dreg:$0x7]  }
0x9f: {  	[tilespmem:s1], [sflag:$0x9] =	stream.linear.gather [hbm4b:s0+s1], $0x3C0, $0x38;
	[tilespmem:$0x16748] =	vst v63  }
0xa0: {  	_ =	swait.ge [sflag:s26], $0x3C0  }
0xa1: {  	[sflag:s26] =	ssyncset.done $0x0  }
0xa2: {  	s0 =	rddreg [dreg:$0x8];
	[sflag:s26] =	ssyncadd.s32 $0xFFFFFC40  }
0xa3: {  	[tilespmem:s25], [sflag:$0x9] =	stream.linear.gather [hbm4b:s0+s1], $0x3C0, $0x38;
	[tilespmem:$0x16748] =	vst v63  }
0xa4: {  	_ =	swait.ge [sflag:s26], $0x3C0  }
0xa5: {  	[sflag:s26] =	ssyncset.done $0x0  }
0xa6: {  	[sflag:s26] =	ssyncadd.s32 $0xFFFFFC40  }
0xa7: {  	[tilespmem:s12], [sflag:$0x1] =	stream.indirect.gather [hbm4b:s2+s15], $0x80, s1, s15, $0xb8;
	[tilespmem:$0x16748] =	vst v63  }
0xa8: {  	_ = 	snop  }
0xa9: {  	[tilespmem:s9], [sflag:$0x3] =	stream.indirect.gather [spmem:s3], $0x80, s25, s15, $0xb8;
	[tilespmem:$0x16748] =	vst v63  }
0xaa: {  	_ = 	snop  }
0xab: {  	[tilespmem:s5], [sflag:$0x2] =	stream.indirect.gather [hbm4b:s2+s15], $0x80, s15, s15, $0xb8;
	[tilespmem:$0x16748] =	vst v63  }
0xac: {  	s0 =	rddreg [dreg:$0x15]  }
0xad: {  	[tilespmem:s4], [sflag:$0x4] =	stream.indirect.gather [spmem:s3], $0x80, s0, s15, $0xb8;
	[tilespmem:$0x16748] =	vst v63  }
0xae: {  	_ =	swait.ge [sflag:s16], $0x5000  }
0xaf: {  	[sflag:s16] =	ssyncset.done $0x0  }
0xb0: {  	s0 =	rddreg [dreg:$0x9];
	[sflag:s16] =	ssyncadd.s32 $0xFFFFB000  }
0xb1: {  	[hbm4b:s0+s1] =	stream.linear.scatter [tilespmem:s12], [sflag:$0x5], $0x5000, $0x38;
	[tilespmem:$0x16748] =	vst v63  }
0xb2: {  	_ =	swait.ge [sflag:s14], $0x5000  }
0xb3: {  	[sflag:s14] =	ssyncset.done $0x0  }
0xb4: {  	s0 =	rddreg [dreg:$0xa];
	[sflag:s14] =	ssyncadd.s32 $0xFFFFB000  }
0xb5: {  	[hbm4b:s0+s1] =	stream.linear.scatter [tilespmem:s9], [sflag:$0x7], $0x5000, $0x38;
	[tilespmem:$0x16748] =	vst v63  }
0xb6: {  	_ =	swait.ge [sflag:s13], $0x5000  }
0xb7: {  	[sflag:s13] =	ssyncset.done $0x0  }
0xb8: {  	[sflag:s13] =	ssyncadd.s32 $0xFFFFB000  }
0xb9: {  	_ =	swait.ge [sflag:s11], $0x5000  }
0xba: {  	[sflag:s11] =	ssyncset.done $0x0  }
0xbb: {  	[sflag:s11] =	ssyncadd.s32 $0xFFFFB000  }
0xbc: {  	[tilespmem:s12], [sflag:$0x1] =	stream.indirect.gather [hbm4b:s2+s15], $0x80, s23, s15, $0xb8;
	[tilespmem:$0x16748] =	vst v63  }
0xbd: {  	_ = 	snop  }
0xbe: {  	[tilespmem:s9], [sflag:$0x3] =	stream.indirect.gather [spmem:s3], $0x80, s24, s15, $0xb8;
	[tilespmem:$0x16748] =	vst v63  }
0xbf: {  	_ =	swait.ge [sflag:s10], $0x5000  }
0xc0: {  	[sflag:s10] =	ssyncset.done $0x0  }
0xc1: {  	s0 =	rddreg [dreg:$0xb];
	[sflag:s10] =	ssyncadd.s32 $0xFFFFB000  }
0xc2: {  	[hbm4b:s0+s1] =	stream.linear.scatter [tilespmem:s5], [sflag:$0x6], $0x5000, $0x38;
	[tilespmem:$0x16748] =	vst v63  }
0xc3: {  	_ =	swait.ge [sflag:s8], $0x5000  }
0xc4: {  	[sflag:s8] =	ssyncset.done $0x0  }
0xc5: {  	s0 =	rddreg [dreg:$0xc];
	[sflag:s8] =	ssyncadd.s32 $0xFFFFB000  }
0xc6: {  	[hbm4b:s0+s1] =	stream.linear.scatter [tilespmem:s4], [sflag:$0x8], $0x5000, $0x38;
	[tilespmem:$0x16748] =	vst v63  }
0xc7: {  	_ =	swait.ge [sflag:s7], $0x5000  }
0xc8: {  	[sflag:s7] =	ssyncset.done $0x0  }
0xc9: {  	[sflag:s7] =	ssyncadd.s32 $0xFFFFB000  }
0xca: {  	_ =	swait.ge [sflag:s6], $0x5000  }
0xcb: {  	[sflag:s6] =	ssyncset.done $0x0  }
0xcc: {  	[sflag:s6] =	ssyncadd.s32 $0xFFFFB000  }
0xcd: {  	[tilespmem:s5], [sflag:$0x2] =	stream.indirect.gather [hbm4b:s2+s15], $0x80, s21, s15, $0xb8;
	[tilespmem:$0x16748] =	vst v63  }
0xce: {  	_ = 	snop  }
0xcf: {  	[tilespmem:s4], [sflag:$0x4] =	stream.indirect.gather [spmem:s3], $0x80, s22, s15, $0xb8;
	[tilespmem:$0x16748] =	vst v63  }
0xd0: {  	_ =	swait.ge [sflag:s16], $0x5000  }
0xd1: {  	[sflag:s16] =	ssyncset.done $0x0  }
0xd2: {  	s0 =	rddreg [dreg:$0xd];
	[sflag:s16] =	ssyncadd.s32 $0xFFFFB000  }
0xd3: {  	[hbm4b:s0+s1] =	stream.linear.scatter [tilespmem:s12], [sflag:$0x5], $0x5000, $0x38;
	[tilespmem:$0x16748] =	vst v63  }
0xd4: {  	_ =	swait.ge [sflag:s14], $0x5000  }
0xd5: {  	[sflag:s14] =	ssyncset.done $0x0  }
0xd6: {  	s0 =	rddreg [dreg:$0xe];
	[sflag:s14] =	ssyncadd.s32 $0xFFFFB000  }
0xd7: {  	[hbm4b:s0+s1] =	stream.linear.scatter [tilespmem:s9], [sflag:$0x7], $0x5000, $0x38;
	[tilespmem:$0x16748] =	vst v63  }
0xd8: {  	_ =	swait.ge [sflag:s13], $0x5000  }
0xd9: {  	[sflag:s13] =	ssyncset.done $0x0  }
0xda: {  	[sflag:s13] =	ssyncadd.s32 $0xFFFFB000  }
0xdb: {  	_ =	swait.ge [sflag:s11], $0x5000  }
0xdc: {  	[sflag:s11] =	ssyncset.done $0x0  }
0xdd: {  	[sflag:s11] =	ssyncadd.s32 $0xFFFFB000  }
0xde: {  	[tilespmem:s12], [sflag:$0x1] =	stream.indirect.gather [hbm4b:s2+s15], $0x80, s19, s15, $0xb8;
	[tilespmem:$0x16748] =	vst v63  }
0xdf: {  	_ = 	snop  }
0xe0: {  	[tilespmem:s9], [sflag:$0x3] =	stream.indirect.gather [spmem:s3], $0x80, s20, s15, $0xb8;
	[tilespmem:$0x16748] =	vst v63  }
0xe1: {  	_ =	swait.ge [sflag:s10], $0x5000  }
0xe2: {  	[sflag:s10] =	ssyncset.done $0x0  }
0xe3: {  	s0 =	rddreg [dreg:$0xf];
	[sflag:s10] =	ssyncadd.s32 $0xFFFFB000  }
0xe4: {  	[hbm4b:s0+s1] =	stream.linear.scatter [tilespmem:s5], [sflag:$0x6], $0x5000, $0x38;
	[tilespmem:$0x16748] =	vst v63  }
0xe5: {  	_ =	swait.ge [sflag:s8], $0x5000  }
0xe6: {  	[sflag:s8] =	ssyncset.done $0x0  }
0xe7: {  	s0 =	rddreg [dreg:$0x10];
	[sflag:s8] =	ssyncadd.s32 $0xFFFFB000  }
0xe8: {  	[hbm4b:s0+s1] =	stream.linear.scatter [tilespmem:s4], [sflag:$0x8], $0x5000, $0x38;
	[tilespmem:$0x16748] =	vst v63  }
0xe9: {  	_ =	swait.ge [sflag:s7], $0x5000  }
0xea: {  	[sflag:s7] =	ssyncset.done $0x0  }
0xeb: {  	[sflag:s7] =	ssyncadd.s32 $0xFFFFB000  }
0xec: {  	_ =	swait.ge [sflag:s6], $0x5000  }
0xed: {  	[sflag:s6] =	ssyncset.done $0x0  }
0xee: {  	[sflag:s6] =	ssyncadd.s32 $0xFFFFB000  }
0xef: {  	[tilespmem:s5], [sflag:$0x2] =	stream.indirect.gather [hbm4b:s2+s15], $0x80, s17, s15, $0xb8;
	[tilespmem:$0x16748] =	vst v63  }
0xf0: {  	_ = 	snop  }
0xf1: {  	[tilespmem:s4], [sflag:$0x4] =	stream.indirect.gather [spmem:s3], $0x80, s18, s15, $0xb8;
	[tilespmem:$0x16748] =	vst v63  }
0xf2: {  	_ =	swait.ge [sflag:s16], $0x5000  }
0xf3: {  	[sflag:s16] =	ssyncset.done $0x0  }
0xf4: {  	s0 =	rddreg [dreg:$0x11];
	[sflag:s16] =	ssyncadd.s32 $0xFFFFB000  }
0xf5: {  	[hbm4b:s0+s1] =	stream.linear.scatter [tilespmem:s12], [sflag:$0x5], $0x5000, $0x38;
	[tilespmem:$0x16748] =	vst v63  }
0xf6: {  	_ =	swait.ge [sflag:s14], $0x5000  }
0xf7: {  	[sflag:s14] =	ssyncset.done $0x0  }
0xf8: {  	s0 =	rddreg [dreg:$0x12];
	[sflag:s14] =	ssyncadd.s32 $0xFFFFB000  }
0xf9: {  	[hbm4b:s0+s1] =	stream.linear.scatter [tilespmem:s9], [sflag:$0x7], $0x5000, $0x38;
	[tilespmem:$0x16748] =	vst v63  }
0xfa: {  	_ =	swait.ge [sflag:s13], $0x5000  }
0xfb: {  	[sflag:s13] =	ssyncset.done $0x0  }
0xfc: {  	[sflag:s13] =	ssyncadd.s32 $0xFFFFB000  }
0xfd: {  	_ =	swait.ge [sflag:s11], $0x5000  }
0xfe: {  	[sflag:s11] =	ssyncset.done $0x0  }
0xff: {  	[sflag:s11] =	ssyncadd.s32 $0xFFFFB000  }
0x100: {  	_ =	swait.ge [sflag:s10], $0x5000  }
0x101: {  	[sflag:s10] =	ssyncset.done $0x0  }
0x102: {  	s0 =	rddreg [dreg:$0x13];
	[sflag:s10] =	ssyncadd.s32 $0xFFFFB000  }
0x103: {  	[hbm4b:s0+s1] =	stream.linear.scatter [tilespmem:s5], [sflag:$0x6], $0x5000, $0x38;
	[tilespmem:$0x16748] =	vst v63  }
0x104: {  	_ =	swait.ge [sflag:s8], $0x5000  }
0x105: {  	s31 =	sadd.s32 $0xFFFFFFFF, s31;
	[sflag:s8] =	ssyncset.done $0x0  }
0x106: {  	p2 =	sne.s32 s31, $0x0;
	s0 =	rddreg [dreg:$0x14];
	[sflag:s8] =	ssyncadd.s32 $0xFFFFB000  }
0x107: {  	[hbm4b:s0+s1] =	stream.linear.scatter [tilespmem:s4], [sflag:$0x8], $0x5000, $0x38;
	[tilespmem:$0x16748] =	vst v63  }
.Ltmp2:
0x108: {  	_ =	swait.ge [sflag:s7], $0x5000;
	(pc) =	sbr.rel @p2 .LBB2_3-.Ltmp2, $4  }
0x109: {  	[sflag:s7] =	ssyncset.done $0x0  }
0x10a: {  	[sflag:s7] =	ssyncadd.s32 $0xFFFFB000  }
0x10b: {  	_ =	swait.ge [sflag:s6], $0x5000  }
0x10c: {  	s0 =	rddreg [dreg:$0x6];
	[sflag:s6] =	ssyncset.done $0x0  }
0x10d: {  	s30 =	rddreg [dreg:$0x5]  }
.LBB2_5:
0x10e: {  	[sflag:s6] =	ssyncadd.s32 @p1 $0xFFFFB000;
	s29 =	simm.s32 @!p0 $0x1C09  }
0x10f: {  	[spmem:s28], [sflag:s29] =	dma.local @!p0 [hbm:s0], $0x3E90  }
0x110: {  	s0 =	simm.s32 @!p0 $0x9  }
0x111: {  	_ =	swait.ge @!p0 [sflag:s0], $0x3E90  }
0x112: {  	[sflag:s0] =	ssyncset.done @!p0 $0x0  }
0x113: {  	[sflag:s0] =	ssyncadd.s32 @!p0 $0xFFFFC170  }
0x114: {  	[bflag:$0x0] =	sbarrier.arrive $0xFFFF  }
0x115: {  	s29 =	rddreg [dreg:$0x7]  }
0x116: {  	[tilespmem:s1], [sflag:$0x9] =	stream.linear.gather [hbm4b:s29+s1], $0x3C0, $0x38;
	[tilespmem:$0x16748] =	vst v63  }
0x117: {  	_ =	swait.ge [sflag:s26], $0x3C0  }
0x118: {  	[sflag:s26] =	ssyncset.done $0x0  }
0x119: {  	s31 =	rddreg [dreg:$0x8];
	[sflag:s26] =	ssyncadd.s32 $0xFFFFFC40  }
0x11a: {  	[tilespmem:s25], [sflag:$0x9] =	stream.linear.gather [hbm4b:s31+s1], $0x3C0, $0x38;
	[tilespmem:$0x16748] =	vst v63  }
0x11b: {  	_ =	swait.ge [sflag:s26], $0x3C0  }
0x11c: {  	[sflag:s26] =	ssyncset.done $0x0  }
0x11d: {  	[sflag:s26] =	ssyncadd.s32 $0xFFFFFC40  }
0x11e: {  	[tilespmem:s12], [sflag:$0x1] =	stream.indirect.gather [hbm4b:s2+s15], $0x80, s1, s15, $0xb8;
	[tilespmem:$0x16748] =	vst v63  }
0x11f: {  	_ = 	snop  }
0x120: {  	[tilespmem:s9], [sflag:$0x3] =	stream.indirect.gather [spmem:s3], $0x80, s25, s15, $0xb8;
	[tilespmem:$0x16748] =	vst v63  }
0x121: {  	_ = 	snop  }
0x122: {  	[tilespmem:s5], [sflag:$0x2] =	stream.indirect.gather [hbm4b:s2+s15], $0x80, s15, s15, $0xb8;
	[tilespmem:$0x16748] =	vst v63  }
0x123: {  	s25 =	rddreg [dreg:$0x15]  }
0x124: {  	[tilespmem:s4], [sflag:$0x4] =	stream.indirect.gather [spmem:s3], $0x80, s25, s15, $0xb8;
	[tilespmem:$0x16748] =	vst v63  }
0x125: {  	_ =	swait.ge [sflag:s16], $0x5000  }
0x126: {  	[sflag:s16] =	ssyncset.done $0x0  }
0x127: {  	s26 =	rddreg [dreg:$0x9];
	[sflag:s16] =	ssyncadd.s32 $0xFFFFB000  }
0x128: {  	[hbm4b:s26+s1] =	stream.linear.scatter [tilespmem:s12], [sflag:$0x5], $0x5000, $0x38;
	[tilespmem:$0x16748] =	vst v63  }
0x129: {  	_ =	swait.ge [sflag:s14], $0x5000  }
0x12a: {  	[sflag:s14] =	ssyncset.done $0x0  }
0x12b: {  	s28 =	rddreg [dreg:$0xa];
	[sflag:s14] =	ssyncadd.s32 $0xFFFFB000  }
0x12c: {  	[hbm4b:s28+s1] =	stream.linear.scatter [tilespmem:s9], [sflag:$0x7], $0x5000, $0x38;
	[tilespmem:$0x16748] =	vst v63  }
0x12d: {  	_ =	swait.ge [sflag:s13], $0x5000  }
0x12e: {  	[sflag:s13] =	ssyncset.done $0x0  }
0x12f: {  	[sflag:s13] =	ssyncadd.s32 $0xFFFFB000  }
0x130: {  	_ =	swait.ge [sflag:s11], $0x5000  }
0x131: {  	[sflag:s11] =	ssyncset.done $0x0  }
0x132: {  	[sflag:s11] =	ssyncadd.s32 $0xFFFFB000  }
0x133: {  	[tilespmem:s12], [sflag:$0x1] =	stream.indirect.gather [hbm4b:s2+s15], $0x80, s23, s15, $0xb8;
	[tilespmem:$0x16748] =	vst v63  }
0x134: {  	_ = 	snop  }
0x135: {  	[tilespmem:s9], [sflag:$0x3] =	stream.indirect.gather [spmem:s3], $0x80, s24, s15, $0xb8;
	[tilespmem:$0x16748] =	vst v63  }
0x136: {  	_ =	swait.ge [sflag:s10], $0x5000  }
0x137: {  	[sflag:s10] =	ssyncset.done $0x0  }
0x138: {  	s29 =	rddreg [dreg:$0xb];
	[sflag:s10] =	ssyncadd.s32 $0xFFFFB000  }
0x139: {  	[hbm4b:s29+s1] =	stream.linear.scatter [tilespmem:s5], [sflag:$0x6], $0x5000, $0x38;
	[tilespmem:$0x16748] =	vst v63  }
0x13a: {  	_ =	swait.ge [sflag:s8], $0x5000  }
0x13b: {  	[sflag:s8] =	ssyncset.done $0x0  }
0x13c: {  	s31 =	rddreg [dreg:$0xc];
	[sflag:s8] =	ssyncadd.s32 $0xFFFFB000  }
0x13d: {  	[hbm4b:s31+s1] =	stream.linear.scatter [tilespmem:s4], [sflag:$0x8], $0x5000, $0x38;
	[tilespmem:$0x16748] =	vst v63  }
0x13e: {  	_ =	swait.ge [sflag:s7], $0x5000  }
0x13f: {  	[sflag:s7] =	ssyncset.done $0x0  }
0x140: {  	[sflag:s7] =	ssyncadd.s32 $0xFFFFB000  }
0x141: {  	_ =	swait.ge [sflag:s6], $0x5000  }
0x142: {  	[sflag:s6] =	ssyncset.done $0x0  }
0x143: {  	[sflag:s6] =	ssyncadd.s32 $0xFFFFB000  }
0x144: {  	[tilespmem:s5], [sflag:$0x2] =	stream.indirect.gather [hbm4b:s2+s15], $0x80, s21, s15, $0xb8;
	[tilespmem:$0x16748] =	vst v63  }
0x145: {  	_ = 	snop  }
0x146: {  	[tilespmem:s4], [sflag:$0x4] =	stream.indirect.gather [spmem:s3], $0x80, s22, s15, $0xb8;
	[tilespmem:$0x16748] =	vst v63  }
0x147: {  	_ =	swait.ge [sflag:s16], $0x5000  }
0x148: {  	[sflag:s16] =	ssyncset.done $0x0  }
0x149: {  	s22 =	rddreg [dreg:$0xd];
	[sflag:s16] =	ssyncadd.s32 $0xFFFFB000  }
0x14a: {  	[hbm4b:s22+s1] =	stream.linear.scatter [tilespmem:s12], [sflag:$0x5], $0x5000, $0x38;
	[tilespmem:$0x16748] =	vst v63  }
0x14b: {  	_ =	swait.ge [sflag:s14], $0x5000  }
0x14c: {  	[sflag:s14] =	ssyncset.done $0x0  }
0x14d: {  	s23 =	rddreg [dreg:$0xe];
	[sflag:s14] =	ssyncadd.s32 $0xFFFFB000  }
0x14e: {  	[hbm4b:s23+s1] =	stream.linear.scatter [tilespmem:s9], [sflag:$0x7], $0x5000, $0x38;
	[tilespmem:$0x16748] =	vst v63  }
0x14f: {  	_ =	swait.ge [sflag:s13], $0x5000  }
0x150: {  	[sflag:s13] =	ssyncset.done $0x0  }
0x151: {  	[sflag:s13] =	ssyncadd.s32 $0xFFFFB000  }
0x152: {  	_ =	swait.ge [sflag:s11], $0x5000  }
0x153: {  	[sflag:s11] =	ssyncset.done $0x0  }
0x154: {  	[sflag:s11] =	ssyncadd.s32 $0xFFFFB000  }
0x155: {  	[tilespmem:s12], [sflag:$0x1] =	stream.indirect.gather [hbm4b:s2+s15], $0x80, s19, s15, $0xb8;
	[tilespmem:$0x16748] =	vst v63  }
0x156: {  	_ = 	snop  }
0x157: {  	[tilespmem:s9], [sflag:$0x3] =	stream.indirect.gather [spmem:s3], $0x80, s20, s15, $0xb8;
	[tilespmem:$0x16748] =	vst v63  }
0x158: {  	_ =	swait.ge [sflag:s10], $0x5000  }
0x159: {  	[sflag:s10] =	ssyncset.done $0x0  }
0x15a: {  	s24 =	rddreg [dreg:$0xf];
	[sflag:s10] =	ssyncadd.s32 $0xFFFFB000  }
0x15b: {  	[hbm4b:s24+s1] =	stream.linear.scatter [tilespmem:s5], [sflag:$0x6], $0x5000, $0x38;
	[tilespmem:$0x16748] =	vst v63  }
0x15c: {  	_ =	swait.ge [sflag:s8], $0x5000  }
0x15d: {  	[sflag:s8] =	ssyncset.done $0x0  }
0x15e: {  	s25 =	rddreg [dreg:$0x10];
	[sflag:s8] =	ssyncadd.s32 $0xFFFFB000  }
0x15f: {  	[hbm4b:s25+s1] =	stream.linear.scatter [tilespmem:s4], [sflag:$0x8], $0x5000, $0x38;
	[tilespmem:$0x16748] =	vst v63  }
0x160: {  	_ =	swait.ge [sflag:s7], $0x5000  }
0x161: {  	[sflag:s7] =	ssyncset.done $0x0  }
0x162: {  	[sflag:s7] =	ssyncadd.s32 $0xFFFFB000  }
0x163: {  	_ =	swait.ge [sflag:s6], $0x5000  }
0x164: {  	[sflag:s6] =	ssyncset.done $0x0  }
0x165: {  	[sflag:s6] =	ssyncadd.s32 $0xFFFFB000  }
0x166: {  	[tilespmem:s5], [sflag:$0x2] =	stream.indirect.gather [hbm4b:s2+s15], $0x80, s17, s15, $0xb8;
	[tilespmem:$0x16748] =	vst v63  }
0x167: {  	_ = 	snop  }
0x168: {  	[tilespmem:s4], [sflag:$0x4] =	stream.indirect.gather [spmem:s3], $0x80, s18, s15, $0xb8;
	[tilespmem:$0x16748] =	vst v63  }
0x169: {  	_ =	swait.ge [sflag:s16], $0x5000  }
0x16a: {  	[sflag:s16] =	ssyncset.done $0x0  }
0x16b: {  	s26 =	rddreg [dreg:$0x11];
	[sflag:s16] =	ssyncadd.s32 $0xFFFFB000  }
0x16c: {  	[hbm4b:s26+s1] =	stream.linear.scatter [tilespmem:s12], [sflag:$0x5], $0x5000, $0x38;
	[tilespmem:$0x16748] =	vst v63  }
0x16d: {  	_ =	swait.ge [sflag:s14], $0x5000  }
0x16e: {  	[sflag:s14] =	ssyncset.done $0x0  }
0x16f: {  	s28 =	rddreg [dreg:$0x12];
	[sflag:s14] =	ssyncadd.s32 $0xFFFFB000  }
0x170: {  	[hbm4b:s28+s1] =	stream.linear.scatter [tilespmem:s9], [sflag:$0x7], $0x5000, $0x38;
	[tilespmem:$0x16748] =	vst v63  }
0x171: {  	_ =	swait.ge [sflag:s13], $0x5000  }
0x172: {  	[sflag:s13] =	ssyncset.done $0x0  }
0x173: {  	[sflag:s13] =	ssyncadd.s32 $0xFFFFB000  }
0x174: {  	_ =	swait.ge [sflag:s11], $0x5000  }
0x175: {  	[sflag:s11] =	ssyncset.done $0x0  }
0x176: {  	[sflag:s11] =	ssyncadd.s32 $0xFFFFB000  }
0x177: {  	_ =	swait.ge [sflag:s10], $0x5000  }
0x178: {  	[sflag:s10] =	ssyncset.done $0x0  }
0x179: {  	s29 =	rddreg [dreg:$0x13];
	[sflag:s10] =	ssyncadd.s32 $0xFFFFB000  }
0x17a: {  	[hbm4b:s29+s1] =	stream.linear.scatter [tilespmem:s5], [sflag:$0x6], $0x5000, $0x38;
	[tilespmem:$0x16748] =	vst v63  }
0x17b: {  	_ =	swait.ge [sflag:s8], $0x5000  }
0x17c: {  	[sflag:s8] =	ssyncset.done $0x0  }
0x17d: {  	s31 =	rddreg [dreg:$0x14];
	[sflag:s8] =	ssyncadd.s32 $0xFFFFB000  }
0x17e: {  	[hbm4b:s31+s1] =	stream.linear.scatter [tilespmem:s4], [sflag:$0x8], $0x5000, $0x38;
	[tilespmem:$0x16748] =	vst v63  }
0x17f: {  	_ =	swait.ge [sflag:s7], $0x5000  }
0x180: {  	[sflag:s7] =	ssyncset.done $0x0  }
0x181: {  	[sflag:s7] =	ssyncadd.s32 $0xFFFFB000  }
0x182: {  	_ =	swait.ge [sflag:s6], $0x5000  }
0x183: {  	[sflag:s6] =	ssyncset.done $0x0  }
0x184: {  	[sflag:s6] =	ssyncadd.s32 $0xFFFFB000  }
0x185: {  	_ =	sfence.sel $0x180000  }
0x186: {  	[bflag:$0x0] =	sbarrier.arrive $0xFFFF  }
0x187: {  	_ =	strace $0x9000004D  }
0x188: {  	s0 =	sadd.s32 @!p0 $0x100000, s30;
	[bflag:$0x2] =	sbarrier.arrive $0xFFFF  }
0x189: {  	[sflag:s0] =	ssyncadd.tile.s32 @!p0 $0x1;
	_ =	shalt  }
.LBB2_2:
.Ltmp3:
0x18a: {  	(pc) =	sbr.rel .LBB2_5-.Ltmp3, $2  }
0x18b: {  	_ =	sdelay $0x2  }
0x18c: {  	s30 =	rddreg [dreg:$0x5]  }
.Lfunc_end2:
_tile_overlayer_lowered:
.L_overlay_start_2:
0x18d: {  	(tag) =	ssettag $0x2  }
0x18e: {  	s0 =	rddreg [dreg:$0x0];
	s2 =	stileid.u32  }
0x18f: {  	s1 =	rddreg [dreg:$0x1];
	p0 =	sne.s32 s2, $0x0  }
0x190: {  	s3 =	rddreg [dreg:$0x2];
	[bflag:$0x3] =	sbarrier.arrive $0xFFFF;
	s2 =	simm.s32 @!p0 $0x1C09  }
0x191: {  	[timem:s3], [sflag:s2] =	dma.local @!p0 [hbm:s0], s1  }
0x192: {  	s0 =	simm.s32 @!p0 $0x9  }
0x193: {  	_ =	swait.ge @!p0 [sflag:s0], s1  }
0x194: {  	s1 =	ssub.s32 @!p0 $0x0, s1;
	[sflag:s0] =	ssyncset.done @!p0 $0x0  }
0x195: {  	[sflag:s0] =	ssyncadd.s32 @!p0 s1  }
0x196: {  	[bflag:$0x3] =	sbarrier.arrive $0xFFFF  }
0x197: {  	_ =	shalt  }

</sc_bundles>
